<compile_context>
chip_gen: v7x
topology: tpu7x:2x2x1
jax: 0.10.2.dev20260603
libtpu: 0.0.44.dev20260713+nightly
codegen_flags: <defaults>
</compile_context>

<pallas_src>
import functools

import jax
import jax.numpy as jnp
from jax.experimental import pallas as pl
from jax.experimental.pallas import tpu as pltpu
from jax.experimental.pallas import tpu_sc as plsc

_NEG = -1e30


def _lrelu(x):
    return jnp.where(x > 0, x, 0.2 * x)


def _pass1_kernel(M, R, T,
                  x_ref, x0_ref, wg1_ref, wg1f_ref, asp_ref, adp_ref, ef_ref,
                  bg1_ref, wg2_ref, os2_ref, as2_ref, ad2_ref,
                  xw2_ref, xw20_ref, scal_ref,
                  m1_ref, s1_ref, accx_ref, mals2_ref, was_ref, wad_ref):
    i = pl.program_id(0)
    bf16 = jnp.bfloat16

    @pl.when(i == 0)
    def _init():
        m1_ref[...] = jnp.full((1, 128), _NEG, jnp.float32)
        s1_ref[...] = jnp.zeros((1, 128), jnp.float32)
        accx_ref[...] = jnp.zeros((128, 128), jnp.float32)
        mals2_ref[...] = jnp.full((1, 128), _NEG, jnp.float32)
        was_ref[...] = jnp.dot(wg1_ref[...], asp_ref[...],
                               preferred_element_type=jnp.float32).astype(bf16)
        wad_ref[...] = jnp.dot(wg1_ref[...], adp_ref[...],
                               preferred_element_type=jnp.float32).astype(bf16)

    base = i * R
    rid = jax.lax.broadcasted_iota(jnp.int32, (R, 128), 0)
    valid = (base + rid) < M

    Xt = jnp.where(valid, x_ref[...], 0.0).astype(bf16)
    XW = jnp.dot(Xt, wg1_ref[...], preferred_element_type=jnp.float32)
    ALS = jnp.dot(Xt, was_ref[...], preferred_element_type=jnp.float32)
    ALD = jnp.dot(Xt, wad_ref[...], preferred_element_type=jnp.float32)

    xw0 = jnp.dot(x0_ref[...], wg1_ref[...], preferred_element_type=jnp.float32)
    als0 = jnp.dot(x0_ref[...], was_ref[...], preferred_element_type=jnp.float32)
    ald0 = jnp.dot(x0_ref[...], wad_ref[...], preferred_element_type=jnp.float32)

    e0j = _lrelu(als0 + ALD)
    ejj = _lrelu(ALS + ALD)
    aj = jax.nn.sigmoid(ejj - e0j).astype(bf16)
    Aje = jnp.concatenate(
        [jnp.broadcast_to(aj[:, h:h + 1], (R, 128)) for h in range(4)], axis=1)
    XWb = XW.astype(bf16)
    xw0b = xw0.astype(bf16)
    X1 = xw0b + Aje * (XWb - xw0b)
    X1 = jnp.maximum(X1 + bg1_ref[...], bf16(0))

    ej0 = jnp.where(valid, _lrelu(ALS + ald0), _NEG)
    tm = jnp.max(ej0, axis=0, keepdims=True)
    mold = m1_ref[...]
    mnew = jnp.maximum(mold, tm)
    scale = jnp.exp(mold - mnew)
    w = jnp.exp(ej0 - mnew)
    s1_ref[...] = s1_ref[...] * scale + jnp.sum(w, axis=0, keepdims=True)
    Cx = jax.lax.dot_general(Xt, w.astype(bf16), (((0,), (0,)), ((), ())),
                             preferred_element_type=jnp.float32)
    accx_ref[...] = accx_ref[...] * scale + Cx
    m1_ref[...] = mnew

    XW2 = jnp.dot(X1, wg2_ref[...], preferred_element_type=jnp.float32)
    XW2 = jnp.where(valid, XW2, 0.0)
    XW2b = XW2.astype(bf16)
    xw2_ref[...] = XW2b
    ALS2 = jnp.dot(XW2b, os2_ref[...], preferred_element_type=jnp.float32)
    ALS2 = jnp.where(valid, ALS2, _NEG)
    mals2_ref[...] = jnp.maximum(mals2_ref[...], jnp.max(ALS2, axis=0, keepdims=True))

    @pl.when(i == T - 1)
    def _epilogue():
        e00 = _lrelu(als0 + ald0)
        mo = m1_ref[...]
        mf = jnp.maximum(mo, e00)
        sc_o = jnp.exp(mo - mf)
        sc_s = jnp.exp(e00 - mf)
        s = s1_ref[...] * sc_o + sc_s
        Cmat = jax.lax.dot_general(accx_ref[...], wg1f_ref[...],
                                   (((0,), (0,)), ((), ())),
                                   preferred_element_type=jnp.float32)
        Crow = jnp.concatenate(
            [Cmat[h:h + 1, 128 * h:128 * (h + 1)] for h in range(4)], axis=1)
        accf = (Crow * jnp.dot(sc_o, ef_ref[...], preferred_element_type=jnp.float32)
                + jnp.dot(sc_s, ef_ref[...], preferred_element_type=jnp.float32) * xw0)
        sE = jnp.dot(s, ef_ref[...], preferred_element_type=jnp.float32)
        x1_0 = jnp.maximum(accf / sE + bg1_ref[...], 0.0)
        xw2_0 = jnp.dot(x1_0.astype(bf16), wg2_ref[...],
                        preferred_element_type=jnp.float32)
        xw20_ref[...] = xw2_0
        als2_0 = jnp.sum(xw2_0 * as2_ref[...])
        ald2_0 = jnp.sum(xw2_0 * ad2_ref[...])
        gmax = jnp.maximum(jnp.max(mals2_ref[...]), als2_0)
        lane = jax.lax.broadcasted_iota(jnp.int32, (1, 128), 1)
        scal_ref[...] = (jnp.where(lane == 0, als2_0, 0.0)
                         + jnp.where(lane == 1, ald2_0, 0.0)
                         + jnp.where(lane == 2, gmax, 0.0))


def _pass2_kernel(M, R, T,
                  xw2_ref, xw20_ref, scal_ref, os2_ref, bg2_ref,
                  qe_ref, wq1_ref, bq1_ref, wq2_ref, bq2_ref,
                  pe_ref, pr_ref, wep_ref, bep_ref,
                  wihe_ref, wihr_ref, bih_ref, whh_ref, bhh_ref,
                  wqp_ref, bqp_ref, wpp_ref, bpp_ref, wef_ref, bef_ref,
                  wp1a_ref, wp1b_ref, wp1c_ref, bp1_ref,
                  wp2_ref, bp2_ref, wp3_ref, bp3_ref,
                  logits_ref,
                  s2_ref, acc2_ref):
    i = pl.program_id(0)

    @pl.when(i == 0)
    def _init():
        s2_ref[...] = jnp.zeros((1, 128), jnp.float32)
        acc2_ref[...] = jnp.zeros((1, 128), jnp.float32)

    lane = jax.lax.broadcasted_iota(jnp.int32, (1, 128), 1)
    scal = scal_ref[...]
    als2_0 = jnp.sum(jnp.where(lane == 0, scal, 0.0))
    ald2_0 = jnp.sum(jnp.where(lane == 1, scal, 0.0))
    gmax = jnp.sum(jnp.where(lane == 2, scal, 0.0))
    m2 = _lrelu(gmax + ald2_0)

    XW2b = xw2_ref[...]
    XW2 = XW2b.astype(jnp.float32)
    rid = jax.lax.broadcasted_iota(jnp.int32, (R, 128), 0)
    valid = (i * R + rid) < M
    XW2 = jnp.where(valid, XW2, 0.0)
    ALS2 = jnp.dot(XW2b, os2_ref[...], preferred_element_type=jnp.float32)
    e2 = jnp.where(valid, _lrelu(ALS2 + ald2_0), _NEG)
    w = jnp.exp(e2 - m2)
    acc2_ref[...] = acc2_ref[...] + jnp.sum(w * XW2, axis=0, keepdims=True)
    s2_ref[...] = s2_ref[...] + jnp.sum(w, axis=0, keepdims=True)

    @pl.when(i == T - 1)
    def _epilogue():
        e00 = _lrelu(als2_0 + ald2_0)
        w00 = jnp.exp(e00 - m2)
        acc = acc2_ref[...] + w00 * xw20_ref[...]
        s = s2_ref[...] + w00
        ent = jnp.maximum(acc / s + bg2_ref[...], 0.0)

        q = jnp.maximum(jnp.dot(qe_ref[...], wq1_ref[...],
                                preferred_element_type=jnp.float32) + bq1_ref[...], 0.0)
        q = jnp.dot(q, wq2_ref[...], preferred_element_type=jnp.float32) + bq2_ref[...]

        ents = jnp.dot(pe_ref[...], wep_ref[...],
                       preferred_element_type=jnp.float32) + bep_ref[...]
        prel = pr_ref[...]
        h = jnp.zeros((1, 128), jnp.float32)
        c = jnp.zeros((1, 128), jnp.float32)
        for t in range(5):
            g = (jnp.dot(ents[t:t + 1, :], wihe_ref[...], preferred_element_type=jnp.float32)
                 + jnp.dot(prel[t:t + 1, :], wihr_ref[...], preferred_element_type=jnp.float32)
                 + bih_ref[...]
                 + jnp.dot(h, whh_ref[...], preferred_element_type=jnp.float32)
                 + bhh_ref[...])
            ig = jax.nn.sigmoid(g[:, 0:128])
            fg = jax.nn.sigmoid(g[:, 128:256])
            gg = jnp.tanh(g[:, 256:384])
            og = jax.nn.sigmoid(g[:, 384:512])
            c = fg * c + ig * gg
            h = og * jnp.tanh(c)

        qp = jnp.dot(q, wqp_ref[...], preferred_element_type=jnp.float32) + bqp_ref[...]
        pp = jnp.dot(h, wpp_ref[...], preferred_element_type=jnp.float32) + bpp_ref[...]
        ep = jnp.dot(ent, wef_ref[...], preferred_element_type=jnp.float32) + bef_ref[...]
        hh = jnp.maximum(jnp.dot(qp, wp1a_ref[...], preferred_element_type=jnp.float32)
                         + jnp.dot(pp, wp1b_ref[...], preferred_element_type=jnp.float32)
                         + jnp.dot(ep, wp1c_ref[...], preferred_element_type=jnp.float32)
                         + bp1_ref[...], 0.0)
        h2 = jnp.maximum(jnp.dot(hh, wp2_ref[...], preferred_element_type=jnp.float32)
                         + bp2_ref[...], 0.0)
        lcol = jax.lax.dot_general(wp3_ref[...], h2, (((0,), (1,)), ((), ())),
                                   preferred_element_type=jnp.float32)
        logits_ref[...] = jnp.broadcast_to(lcol + bp3_ref[...],
                                           logits_ref.shape)


def _gather_softmax_sc(logits, vr):
    NV = vr.shape[0]
    mesh = plsc.VectorSubcoreMesh(core_axis_name="c", subcore_axis_name="s")

    @functools.partial(
        pl.kernel, mesh=mesh,
        out_type=[jax.ShapeDtypeStruct((NV, 16), jnp.float32),
                  jax.ShapeDtypeStruct((NV, 16), jnp.float32)],
        scratch_types=[pltpu.VMEM((NV,), jnp.int32),
                       pltpu.VMEM((NV, 128), jnp.float32),
                       pltpu.VMEM((NV, 16), jnp.float32),
                       pltpu.VMEM((NV, 16), jnp.float32),
                       pltpu.SemaphoreType.DMA],
    )
    def k(lg_hbm, vr_hbm, probs_hbm, vlog_hbm, idx_v, rows_v, pr_v, vl_v, sem):
        cid = jax.lax.axis_index("c")
        sid = jax.lax.axis_index("s")

        @pl.when((cid == 0) & (sid == 0))
        def _():
            pltpu.sync_copy(vr_hbm, idx_v)
            pltpu.async_copy(lg_hbm.at[idx_v], rows_v, sem).wait()
            g = [rows_v[i, pl.ds(0, 16)] for i in range(NV)]
            m = g[0]
            for v in g[1:]:
                m = jnp.maximum(m, v)
            e = [jnp.exp(v - m) for v in g]
            s = e[0]
            for v in e[1:]:
                s = s + v
            for i in range(NV):
                pr_v[i] = e[i] / s
                vl_v[i] = g[i]
            pltpu.sync_copy(pr_v, probs_hbm)
            pltpu.sync_copy(vl_v, vlog_hbm)

    return k(logits, vr)


def kernel(question_emb, current_entity_emb, path_entities, path_relations,
           neighbor_entities, valid_relations,
           Wq1, bq1, Wq2, bq2, Wep, bep, W_ih, W_hh, b_ih, b_hh,
           Wg1, as1, ad1, bg1, Wg2, as2, ad2, bg2,
           Wqp, bqp, Wpp, bpp, Wef, bef, Wp1, bp1, Wp2, bp2, Wp3, bp3):
    f32 = jnp.float32
    bf16 = jnp.bfloat16
    M = neighbor_entities.shape[0]
    R1 = 4096
    T1 = (M + R1 - 1) // R1
    R2 = 8192
    T2 = (T1 * R1 + R2 - 1) // R2
    NREL = Wp3.shape[1]
    NRELP = ((NREL + 127) // 128) * 128
    NV = valid_relations.shape[0]

    idx = jnp.arange(512)
    hcol = idx // 128
    asp = jnp.zeros((512, 128), f32).at[idx, hcol].set(as1.reshape(-1)).astype(bf16)
    adp = jnp.zeros((512, 128), f32).at[idx, hcol].set(ad1.reshape(-1)).astype(bf16)
    Ef = (hcol[None, :] == jnp.arange(128)[:, None]).astype(f32)
    Os2 = jnp.broadcast_to(as2.reshape(128, 1), (128, 128)).astype(bf16)

    x0r = current_entity_emb.reshape(1, 128).astype(bf16)
    row = lambda v: v.reshape(1, -1)

    full = lambda shp: pl.BlockSpec(shp, lambda i: tuple(0 for _ in shp))
    p1 = pl.pallas_call(
        functools.partial(_pass1_kernel, M, R1, T1),
        grid=(T1,),
        in_specs=[
            pl.BlockSpec((R1, 128), lambda i: (i, 0)),
            full((1, 128)),
            full((128, 512)),
            full((128, 512)),
            full((512, 128)),
            full((512, 128)),
            full((128, 512)),
            full((1, 512)),
            full((512, 128)),
            full((128, 128)),
            full((1, 128)),
            full((1, 128)),
        ],
        out_specs=[
            pl.BlockSpec((R1, 128), lambda i: (i, 0)),
            full((1, 128)),
            full((1, 128)),
        ],
        out_shape=[
            jax.ShapeDtypeStruct((T1 * R1, 128), bf16),
            jax.ShapeDtypeStruct((1, 128), f32),
            jax.ShapeDtypeStruct((1, 128), f32),
        ],
        scratch_shapes=[
            pltpu.VMEM((1, 128), f32),
            pltpu.VMEM((1, 128), f32),
            pltpu.VMEM((128, 128), f32),
            pltpu.VMEM((1, 128), f32),
            pltpu.VMEM((128, 128), bf16),
            pltpu.VMEM((128, 128), bf16),
        ],
    )
    xw2_buf, xw2_0, scal = p1(
        neighbor_entities, x0r, Wg1.astype(bf16), Wg1, asp, adp,
        Ef, row(bg1).astype(bf16), Wg2.astype(bf16), Os2, as2, ad2)

    wp3p = jnp.zeros((Wp3.shape[0], NRELP), f32).at[:, :NREL].set(Wp3)
    bp3p = jnp.zeros((NRELP, 1), f32).at[:NREL, 0].set(bp3)

    p2 = pl.pallas_call(
        functools.partial(_pass2_kernel, M, R2, T2),
        grid=(T2,),
        in_specs=[
            pl.BlockSpec((R2, 128), lambda i: (i, 0)),
            full((1, 128)),
            full((1, 128)),
            full((128, 128)),
            full((1, 128)),
            full((1, 128)),
            full((128, 128)), full((1, 128)),
            full((128, 128)), full((1, 128)),
            full((5, 128)),
            full((5, 128)),
            full((128, 128)), full((1, 128)),
            full((128, 512)),
            full((128, 512)),
            full((1, 512)),
            full((128, 512)),
            full((1, 512)),
            full((128, 128)), full((1, 128)),
            full((128, 128)), full((1, 128)),
            full((128, 128)), full((1, 128)),
            full((128, 128)), full((128, 128)), full((128, 128)),
            full((1, 128)),
            full((128, 64)), full((1, 64)),
            full((64, NRELP)), full((NRELP, 1)),
        ],
        out_specs=[full((NRELP, 128))],
        out_shape=[
            jax.ShapeDtypeStruct((NRELP, 128), f32),
        ],
        scratch_shapes=[
            pltpu.VMEM((1, 128), f32),
            pltpu.VMEM((1, 128), f32),
        ],
    )
    (logits,) = p2(
        xw2_buf, xw2_0, scal, Os2, row(bg2),
        row(question_emb), Wq1, row(bq1), Wq2, row(bq2),
        path_entities[:-1], path_relations, Wep, row(bep),
        W_ih[:, :128].T, W_ih[:, 128:].T, row(b_ih), W_hh.T, row(b_hh),
        Wqp, row(bqp), Wpp, row(bpp), Wef, row(bef),
        Wp1[0:128], Wp1[128:256], Wp1[256:384], row(bp1),
        Wp2, row(bp2), wp3p, bp3p,
    )
    probs16, vlog16 = _gather_softmax_sc(logits, valid_relations)
    return probs16[:, 0], vlog16[:, 0]

# --- scband reference (transcript-rebuilt; emitter-appended) ---
"""Pipeline reference for scband-path-generator-44470091383438 (READ-ONLY COPY).

The authoritative reference and input builder live on the scoring server;
editing this copy changes nothing except your own understanding.
"""

import jax, jax.numpy as jnp
import numpy as np

EMB = 128
HID = 128
NREL = 1000
NNEI = 99999
PLEN = 6
NVALID = 64


def _gat(x, src, dst, W, a_src, a_dst, b, heads, concat):
    N = x.shape[0]
    out_dim = a_src.shape[1]
    sl = jnp.arange(N, dtype=src.dtype)
    src = jnp.concatenate([src, sl])
    dst = jnp.concatenate([dst, sl])
    xw = (x @ W).reshape(N, heads, out_dim)
    al_src = jnp.sum(xw * a_src[None, :, :], axis=-1)
    al_dst = jnp.sum(xw * a_dst[None, :, :], axis=-1)
    e = jax.nn.leaky_relu(al_src[src] + al_dst[dst], 0.2)
    emax = jax.lax.stop_gradient(jax.ops.segment_max(e, dst, num_segments=N))
    ee = jnp.exp(e - emax[dst])
    denom = jax.ops.segment_sum(ee, dst, num_segments=N)
    alpha = ee / denom[dst]
    out = jax.ops.segment_sum(xw[src] * alpha[:, :, None], dst, num_segments=N)
    if concat:
        out = out.reshape(N, heads * out_dim)
    else:
        out = out.mean(axis=1)
    return out + b


def _forward(question_emb, current_entity_emb, path_entities, path_relations, neighbor_entities, valid_relations, params):
    (Wq1, bq1, Wq2, bq2, Wep, bep, W_ih, W_hh, b_ih, b_hh,
     Wg1, as1, ad1, bg1, Wg2, as2, ad2, bg2,
     Wqp, bqp, Wpp, bpp, Wef, bef, Wp1, bp1, Wp2, bp2, Wp3, bp3) = params
    # question encoder (dropout = identity in eval)
    q = question_emb[None, :]
    q = jnp.maximum(q @ Wq1 + bq1, 0.0)
    q = q @ Wq2 + bq2
    # path encoder: project entities, concat with relations, run LSTM
    ents = path_entities[:-1] @ Wep + bep
    lstm_in = jnp.concatenate([ents, path_relations], axis=1)

    def step(carry, xi):
        h, c = carry
        gates = W_ih @ xi + b_ih + W_hh @ h + b_hh
        ig, fg, gg, og = jnp.split(gates, 4)
        ig = jax.nn.sigmoid(ig)
        fg = jax.nn.sigmoid(fg)
        gg = jnp.tanh(gg)
        og = jax.nn.sigmoid(og)
        c = fg * c + ig * gg
        h = og * jnp.tanh(c)
        return (h, c), h

    (h_fin, _), _ = jax.lax.scan(step, (jnp.zeros(HID, jnp.float32), jnp.zeros(HID, jnp.float32)), lstm_in)
    path_repr = h_fin[None, :]
    # entity context via 2-layer GAT on star graph (center node 0)
    x = jnp.concatenate([current_entity_emb[None, :], neighbor_entities], axis=0)
    N = x.shape[0]
    nbr = jnp.arange(1, N, dtype=jnp.int32)
    zr = jnp.zeros(N - 1, jnp.int32)
    src = jnp.concatenate([zr, nbr])
    dst = jnp.concatenate([nbr, zr])
    x = jnp.maximum(_gat(x, src, dst, Wg1, as1, ad1, bg1, 4, True), 0.0)
    x = jnp.maximum(_gat(x, src, dst, Wg2, as2, ad2, bg2, 1, False), 0.0)
    entity_repr = x[0][None, :]
    # projections + policy network
    q = q @ Wqp + bqp
    p = path_repr @ Wpp + bpp
    ent = entity_repr @ Wef + bef
    comb = jnp.concatenate([q, p, ent], axis=1)
    h = jnp.maximum(comb @ Wp1 + bp1, 0.0)
    h = jnp.maximum(h @ Wp2 + bp2, 0.0)
    logits = h @ Wp3 + bp3
    mask = jnp.full((NREL,), -jnp.inf, jnp.float32).at[valid_relations].set(0.0)
    masked = logits[0] + mask
    valid_logits = masked[valid_relations]
    probs = jax.nn.softmax(valid_logits)
    return probs, valid_logits


def setup_inputs(seed: int = 0):
    key = jax.random.key(seed)
    ks = jax.random.split(key, 40)
    s = 0.05
    r = lambda i, shp: jax.random.normal(ks[i], shp, jnp.float32)
    d = {}
    d["question_emb"] = r(0, (EMB,))
    d["current_entity_emb"] = r(1, (EMB,))
    d["path_entities"] = r(2, (PLEN, EMB))
    d["path_relations"] = r(3, (PLEN - 1, EMB))
    d["neighbor_entities"] = r(4, (NNEI, EMB))
    d["valid_relations"] = jax.random.randint(ks[5], (NVALID,), 0, NREL, jnp.int32)
    d["Wq1"] = r(6, (EMB, HID)) * s
    d["bq1"] = jnp.zeros(HID, jnp.float32)
    d["Wq2"] = r(7, (HID, HID)) * s
    d["bq2"] = jnp.zeros(HID, jnp.float32)
    d["Wep"] = r(8, (EMB, EMB)) * s
    d["bep"] = jnp.zeros(EMB, jnp.float32)
    d["W_ih"] = r(9, (4 * HID, 2 * EMB)) * s
    d["W_hh"] = r(10, (4 * HID, HID)) * s
    d["b_ih"] = jnp.zeros(4 * HID, jnp.float32)
    d["b_hh"] = jnp.zeros(4 * HID, jnp.float32)
    d["Wg1"] = r(11, (EMB, 4 * HID)) * s
    d["as1"] = r(12, (4, HID)) * s
    d["ad1"] = r(13, (4, HID)) * s
    d["bg1"] = jnp.zeros(4 * HID, jnp.float32)
    d["Wg2"] = r(14, (4 * HID, HID)) * s
    d["as2"] = r(15, (1, HID)) * s
    d["ad2"] = r(16, (1, HID)) * s
    d["bg2"] = jnp.zeros(HID, jnp.float32)
    d["Wqp"] = r(17, (HID, HID)) * s
    d["bqp"] = jnp.zeros(HID, jnp.float32)
    d["Wpp"] = r(18, (HID, HID)) * s
    d["bpp"] = jnp.zeros(HID, jnp.float32)
    d["Wef"] = r(19, (HID, HID)) * s
    d["bef"] = jnp.zeros(HID, jnp.float32)
    d["Wp1"] = r(20, (3 * HID, HID)) * s
    d["bp1"] = jnp.zeros(HID, jnp.float32)
    d["Wp2"] = r(21, (HID, HID // 2)) * s
    d["bp2"] = jnp.zeros(HID // 2, jnp.float32)
    d["Wp3"] = r(22, (HID // 2, NREL)) * s
    d["bp3"] = jnp.zeros(NREL, jnp.float32)
    return d


def reference(question_emb, current_entity_emb, path_entities, path_relations, neighbor_entities, valid_relations,
              Wq1, bq1, Wq2, bq2, Wep, bep, W_ih, W_hh, b_ih, b_hh,
              Wg1, as1, ad1, bg1, Wg2, as2, ad2, bg2,
              Wqp, bqp, Wpp, bpp, Wef, bef, Wp1, bp1, Wp2, bp2, Wp3, bp3):
    params = (Wq1, bq1, Wq2, bq2, Wep, bep, W_ih, W_hh, b_ih, b_hh,
              Wg1, as1, ad1, bg1, Wg2, as2, ad2, bg2,
              Wqp, bqp, Wpp, bpp, Wef, bef, Wp1, bp1, Wp2, bp2, Wp3, bp3)
    return _forward(question_emb, current_entity_emb, path_entities, path_relations, neighbor_entities, valid_relations, params)

if __name__ == "__main__":
    import jax
    _d = setup_inputs()
    print(jax.jit(kernel)(*tuple(_d.values())))

</pallas_src>

<mosaic_0001>
#map = affine_map<(d0, d1) -> (0, 0)>
#map1 = affine_map<(d0, d1) -> (0)>
module attributes {stable_mosaic.version = 14 : i64} {
  func.func @k(%arg0: i32, %arg1: i32, %arg2: memref<1024x128xf32, #tpu.memory_space<hbm>>, %arg3: memref<64xi32, #tpu.memory_space<hbm>>, %arg4: memref<64x16xf32, #tpu.memory_space<hbm>>, %arg5: memref<64x16xf32, #tpu.memory_space<hbm>>, %arg6: memref<64xi32, #tpu.memory_space<vmem>>, %arg7: memref<64x128xf32, #tpu.memory_space<vmem>>, %arg8: memref<64x16xf32, #tpu.memory_space<vmem>>, %arg9: memref<64x16xf32, #tpu.memory_space<vmem>>, %arg10: memref<!tpu.dma_semaphore, #tpu.memory_space<semaphore_mem>>) attributes {dimension_semantics = [#tpu.dimension_semantics<core_parallel>, #tpu.dimension_semantics<subcore_parallel>], iteration_bounds = array<i64: 2, 16>, scalar_prefetch = 0 : i64, scratch_operands = 5 : i64, tpu.core_type = #tpu.core_type<sc_vector_subcore>, window_params = [{transform_indices = #map}, {transform_indices = #map1}, {transform_indices = #map}, {transform_indices = #map}]} {
    %eq3A = arith.constant 0 : i32
    %eq3A_0 = arith.cmpi eq, %arg0, %eq3A : i32
    %eq3A_1 = arith.constant 0 : i32
    %eq3A_2 = arith.cmpi eq, %arg1, %eq3A_1 : i32
    %and3A = arith.andi %eq3A_0, %eq3A_2 : i1
    %convert_element_type3A = arith.extui %and3A : i1 to i32
    %cond3A = arith.constant 0 : i32
    %cond3A_3 = arith.cmpi ne, %convert_element_type3A, %cond3A : i32
    scf.if %cond3A_3 {
      "tpu.region"() ({
        %run_scoped3A = tpu.sem_alloc : memref<!tpu.dma_semaphore, #tpu.memory_space<semaphore_mem>>
        tpu.enqueue_dma source(%arg3 : memref<64xi32, #tpu.memory_space<hbm>>) target(%arg6 : memref<64xi32, #tpu.memory_space<vmem>>) target_semaphore(%run_scoped3A : memref<!tpu.dma_semaphore, #tpu.memory_space<semaphore_mem>>)
        tpu.wait_dma2 semaphore(%run_scoped3A : memref<!tpu.dma_semaphore, #tpu.memory_space<semaphore_mem>>) src(%arg3 : memref<64xi32, #tpu.memory_space<hbm>>) dst(%arg6 : memref<64xi32, #tpu.memory_space<vmem>>)
        tpu.yield
      }) : () -> ()
      %dma_start3A = arith.constant 0 : i32
      %dma_start3A_4 = arith.constant 0 : i32
      %dma_start3A_5 = tpu.memref_slice %arg2[%dma_start3A, %dma_start3A_4] : memref<1024x128xf32, #tpu.memory_space<hbm>> -> memref<1024x128xf32, #tpu.memory_space<hbm>>
      tpu.enqueue_indirect_dma source(%dma_start3A_5 : memref<1024x128xf32, #tpu.memory_space<hbm>>) target(%arg7 : memref<64x128xf32, #tpu.memory_space<vmem>>) offsets(%arg6 : memref<64xi32, #tpu.memory_space<vmem>>) semaphore(%arg10 : memref<!tpu.dma_semaphore, #tpu.memory_space<semaphore_mem>>)
      %dma_wait3A = arith.constant 0 : i32
      %dma_wait3A_6 = arith.constant 0 : i32
      %dma_wait3A_7 = tpu.memref_slice %arg2[%dma_wait3A, %dma_wait3A_6] : memref<1024x128xf32, #tpu.memory_space<hbm>> -> memref<1024x128xf32, #tpu.memory_space<hbm>>
      tpu.wait_indirect_dma semaphore(%arg10 : memref<!tpu.dma_semaphore, #tpu.memory_space<semaphore_mem>>) src(%dma_wait3A_7 : memref<1024x128xf32, #tpu.memory_space<hbm>>) dst(%arg7 : memref<64x128xf32, #tpu.memory_space<vmem>>)
      %get3A = arith.constant 0 : i32
      %get3A_8 = arith.index_cast %get3A : i32 to index
      %get3A_9 = arith.constant 0 : index
      %get3A_10 = tpu.vector_load %arg7[%get3A_8, %get3A_9] {strides = array<i32>} : memref<64x128xf32, #tpu.memory_space<vmem>>, vector<1x16xf32>,
      %get3A_11 = vector.shape_cast %get3A_10 : vector<1x16xf32> to vector<16xf32>
      %get3A_12 = arith.constant 1 : i32
      %get3A_13 = arith.index_cast %get3A_12 : i32 to index
      %get3A_14 = arith.constant 0 : index
      %get3A_15 = tpu.vector_load %arg7[%get3A_13, %get3A_14] {strides = array<i32>} : memref<64x128xf32, #tpu.memory_space<vmem>>, vector<1x16xf32>,
      %get3A_16 = vector.shape_cast %get3A_15 : vector<1x16xf32> to vector<16xf32>
      %get3A_17 = arith.constant 2 : i32
      %get3A_18 = arith.index_cast %get3A_17 : i32 to index
      %get3A_19 = arith.constant 0 : index
      %get3A_20 = tpu.vector_load %arg7[%get3A_18, %get3A_19] {strides = array<i32>} : memref<64x128xf32, #tpu.memory_space<vmem>>, vector<1x16xf32>,
      %get3A_21 = vector.shape_cast %get3A_20 : vector<1x16xf32> to vector<16xf32>
      %get3A_22 = arith.constant 3 : i32
      %get3A_23 = arith.index_cast %get3A_22 : i32 to index
      %get3A_24 = arith.constant 0 : index
      %get3A_25 = tpu.vector_load %arg7[%get3A_23, %get3A_24] {strides = array<i32>} : memref<64x128xf32, #tpu.memory_space<vmem>>, vector<1x16xf32>,
      %get3A_26 = vector.shape_cast %get3A_25 : vector<1x16xf32> to vector<16xf32>
      %get3A_27 = arith.constant 4 : i32
      %get3A_28 = arith.index_cast %get3A_27 : i32 to index
      %get3A_29 = arith.constant 0 : index
      %get3A_30 = tpu.vector_load %arg7[%get3A_28, %get3A_29] {strides = array<i32>} : memref<64x128xf32, #tpu.memory_space<vmem>>, vector<1x16xf32>,
      %get3A_31 = vector.shape_cast %get3A_30 : vector<1x16xf32> to vector<16xf32>
      %get3A_32 = arith.constant 5 : i32
      %get3A_33 = arith.index_cast %get3A_32 : i32 to index
      %get3A_34 = arith.constant 0 : index
      %get3A_35 = tpu.vector_load %arg7[%get3A_33, %get3A_34] {strides = array<i32>} : memref<64x128xf32, #tpu.memory_space<vmem>>, vector<1x16xf32>,
      %get3A_36 = vector.shape_cast %get3A_35 : vector<1x16xf32> to vector<16xf32>
      %get3A_37 = arith.constant 6 : i32
      %get3A_38 = arith.index_cast %get3A_37 : i32 to index
      %get3A_39 = arith.constant 0 : index
      %get3A_40 = tpu.vector_load %arg7[%get3A_38, %get3A_39] {strides = array<i32>} : memref<64x128xf32, #tpu.memory_space<vmem>>, vector<1x16xf32>,
      %get3A_41 = vector.shape_cast %get3A_40 : vector<1x16xf32> to vector<16xf32>
      %get3A_42 = arith.constant 7 : i32
      %get3A_43 = arith.index_cast %get3A_42 : i32 to index
      %get3A_44 = arith.constant 0 : index
      %get3A_45 = tpu.vector_load %arg7[%get3A_43, %get3A_44] {strides = array<i32>} : memref<64x128xf32, #tpu.memory_space<vmem>>, vector<1x16xf32>,
      %get3A_46 = vector.shape_cast %get3A_45 : vector<1x16xf32> to vector<16xf32>
      %get3A_47 = arith.constant 8 : i32
      %get3A_48 = arith.index_cast %get3A_47 : i32 to index
      %get3A_49 = arith.constant 0 : index
      %get3A_50 = tpu.vector_load %arg7[%get3A_48, %get3A_49] {strides = array<i32>} : memref<64x128xf32, #tpu.memory_space<vmem>>, vector<1x16xf32>,
      %get3A_51 = vector.shape_cast %get3A_50 : vector<1x16xf32> to vector<16xf32>
      %get3A_52 = arith.constant 9 : i32
      %get3A_53 = arith.index_cast %get3A_52 : i32 to index
      %get3A_54 = arith.constant 0 : index
      %get3A_55 = tpu.vector_load %arg7[%get3A_53, %get3A_54] {strides = array<i32>} : memref<64x128xf32, #tpu.memory_space<vmem>>, vector<1x16xf32>,
      %get3A_56 = vector.shape_cast %get3A_55 : vector<1x16xf32> to vector<16xf32>
      %get3A_57 = arith.constant 10 : i32
      %get3A_58 = arith.index_cast %get3A_57 : i32 to index
      %get3A_59 = arith.constant 0 : index
      %get3A_60 = tpu.vector_load %arg7[%get3A_58, %get3A_59] {strides = array<i32>} : memref<64x128xf32, #tpu.memory_space<vmem>>, vector<1x16xf32>,
      %get3A_61 = vector.shape_cast %get3A_60 : vector<1x16xf32> to vector<16xf32>
      %get3A_62 = arith.constant 11 : i32
      %get3A_63 = arith.index_cast %get3A_62 : i32 to index
      %get3A_64 = arith.constant 0 : index
      %get3A_65 = tpu.vector_load %arg7[%get3A_63, %get3A_64] {strides = array<i32>} : memref<64x128xf32, #tpu.memory_space<vmem>>, vector<1x16xf32>,
      %get3A_66 = vector.shape_cast %get3A_65 : vector<1x16xf32> to vector<16xf32>
      %get3A_67 = arith.constant 12 : i32
      %get3A_68 = arith.index_cast %get3A_67 : i32 to index
      %get3A_69 = arith.constant 0 : index
      %get3A_70 = tpu.vector_load %arg7[%get3A_68, %get3A_69] {strides = array<i32>} : memref<64x128xf32, #tpu.memory_space<vmem>>, vector<1x16xf32>,
      %get3A_71 = vector.shape_cast %get3A_70 : vector<1x16xf32> to vector<16xf32>
      %get3A_72 = arith.constant 13 : i32
      %get3A_73 = arith.index_cast %get3A_72 : i32 to index
      %get3A_74 = arith.constant 0 : index
      %get3A_75 = tpu.vector_load %arg7[%get3A_73, %get3A_74] {strides = array<i32>} : memref<64x128xf32, #tpu.memory_space<vmem>>, vector<1x16xf32>,
      %get3A_76 = vector.shape_cast %get3A_75 : vector<1x16xf32> to vector<16xf32>
      %get3A_77 = arith.constant 14 : i32
      %get3A_78 = arith.index_cast %get3A_77 : i32 to index
      %get3A_79 = arith.constant 0 : index
      %get3A_80 = tpu.vector_load %arg7[%get3A_78, %get3A_79] {strides = array<i32>} : memref<64x128xf32, #tpu.memory_space<vmem>>, vector<1x16xf32>,
      %get3A_81 = vector.shape_cast %get3A_80 : vector<1x16xf32> to vector<16xf32>
      %get3A_82 = arith.constant 15 : i32
      %get3A_83 = arith.index_cast %get3A_82 : i32 to index
      %get3A_84 = arith.constant 0 : index
      %get3A_85 = tpu.vector_load %arg7[%get3A_83, %get3A_84] {strides = array<i32>} : memref<64x128xf32, #tpu.memory_space<vmem>>, vector<1x16xf32>,
      %get3A_86 = vector.shape_cast %get3A_85 : vector<1x16xf32> to vector<16xf32>
      %get3A_87 = arith.constant 16 : i32
      %get3A_88 = arith.index_cast %get3A_87 : i32 to index
      %get3A_89 = arith.constant 0 : index
      %get3A_90 = tpu.vector_load %arg7[%get3A_88, %get3A_89] {strides = array<i32>} : memref<64x128xf32, #tpu.memory_space<vmem>>, vector<1x16xf32>,
      %get3A_91 = vector.shape_cast %get3A_90 : vector<1x16xf32> to vector<16xf32>
      %get3A_92 = arith.constant 17 : i32
      %get3A_93 = arith.index_cast %get3A_92 : i32 to index
      %get3A_94 = arith.constant 0 : index
      %get3A_95 = tpu.vector_load %arg7[%get3A_93, %get3A_94] {strides = array<i32>} : memref<64x128xf32, #tpu.memory_space<vmem>>, vector<1x16xf32>,
      %get3A_96 = vector.shape_cast %get3A_95 : vector<1x16xf32> to vector<16xf32>
      %get3A_97 = arith.constant 18 : i32
      %get3A_98 = arith.index_cast %get3A_97 : i32 to index
      %get3A_99 = arith.constant 0 : index
      %get3A_100 = tpu.vector_load %arg7[%get3A_98, %get3A_99] {strides = array<i32>} : memref<64x128xf32, #tpu.memory_space<vmem>>, vector<1x16xf32>,
      %get3A_101 = vector.shape_cast %get3A_100 : vector<1x16xf32> to vector<16xf32>
      %get3A_102 = arith.constant 19 : i32
      %get3A_103 = arith.index_cast %get3A_102 : i32 to index
      %get3A_104 = arith.constant 0 : index
      %get3A_105 = tpu.vector_load %arg7[%get3A_103, %get3A_104] {strides = array<i32>} : memref<64x128xf32, #tpu.memory_space<vmem>>, vector<1x16xf32>,
      %get3A_106 = vector.shape_cast %get3A_105 : vector<1x16xf32> to vector<16xf32>
      %get3A_107 = arith.constant 20 : i32
      %get3A_108 = arith.index_cast %get3A_107 : i32 to index
      %get3A_109 = arith.constant 0 : index
      %get3A_110 = tpu.vector_load %arg7[%get3A_108, %get3A_109] {strides = array<i32>} : memref<64x128xf32, #tpu.memory_space<vmem>>, vector<1x16xf32>,
      %get3A_111 = vector.shape_cast %get3A_110 : vector<1x16xf32> to vector<16xf32>
      %get3A_112 = arith.constant 21 : i32
      %get3A_113 = arith.index_cast %get3A_112 : i32 to index
      %get3A_114 = arith.constant 0 : index
      %get3A_115 = tpu.vector_load %arg7[%get3A_113, %get3A_114] {strides = array<i32>} : memref<64x128xf32, #tpu.memory_space<vmem>>, vector<1x16xf32>,
      %get3A_116 = vector.shape_cast %get3A_115 : vector<1x16xf32> to vector<16xf32>
      %get3A_117 = arith.constant 22 : i32
      %get3A_118 = arith.index_cast %get3A_117 : i32 to index
      %get3A_119 = arith.constant 0 : index
      %get3A_120 = tpu.vector_load %arg7[%get3A_118, %get3A_119] {strides = array<i32>} : memref<64x128xf32, #tpu.memory_space<vmem>>, vector<1x16xf32>,
      %get3A_121 = vector.shape_cast %get3A_120 : vector<1x16xf32> to vector<16xf32>
      %get3A_122 = arith.constant 23 : i32
      %get3A_123 = arith.index_cast %get3A_122 : i32 to index
      %get3A_124 = arith.constant 0 : index
      %get3A_125 = tpu.vector_load %arg7[%get3A_123, %get3A_124] {strides = array<i32>} : memref<64x128xf32, #tpu.memory_space<vmem>>, vector<1x16xf32>,
      %get3A_126 = vector.shape_cast %get3A_125 : vector<1x16xf32> to vector<16xf32>
      %get3A_127 = arith.constant 24 : i32
      %get3A_128 = arith.index_cast %get3A_127 : i32 to index
      %get3A_129 = arith.constant 0 : index
      %get3A_130 = tpu.vector_load %arg7[%get3A_128, %get3A_129] {strides = array<i32>} : memref<64x128xf32, #tpu.memory_space<vmem>>, vector<1x16xf32>,
      %get3A_131 = vector.shape_cast %get3A_130 : vector<1x16xf32> to vector<16xf32>
      %get3A_132 = arith.constant 25 : i32
      %get3A_133 = arith.index_cast %get3A_132 : i32 to index
      %get3A_134 = arith.constant 0 : index
      %get3A_135 = tpu.vector_load %arg7[%get3A_133, %get3A_134] {strides = array<i32>} : memref<64x128xf32, #tpu.memory_space<vmem>>, vector<1x16xf32>,
      %get3A_136 = vector.shape_cast %get3A_135 : vector<1x16xf32> to vector<16xf32>
      %get3A_137 = arith.constant 26 : i32
      %get3A_138 = arith.index_cast %get3A_137 : i32 to index
      %get3A_139 = arith.constant 0 : index
      %get3A_140 = tpu.vector_load %arg7[%get3A_138, %get3A_139] {strides = array<i32>} : memref<64x128xf32, #tpu.memory_space<vmem>>, vector<1x16xf32>,
      %get3A_141 = vector.shape_cast %get3A_140 : vector<1x16xf32> to vector<16xf32>
      %get3A_142 = arith.constant 27 : i32
      %get3A_143 = arith.index_cast %get3A_142 : i32 to index
      %get3A_144 = arith.constant 0 : index
      %get3A_145 = tpu.vector_load %arg7[%get3A_143, %get3A_144] {strides = array<i32>} : memref<64x128xf32, #tpu.memory_space<vmem>>, vector<1x16xf32>,
      %get3A_146 = vector.shape_cast %get3A_145 : vector<1x16xf32> to vector<16xf32>
      %get3A_147 = arith.constant 28 : i32
      %get3A_148 = arith.index_cast %get3A_147 : i32 to index
      %get3A_149 = arith.constant 0 : index
      %get3A_150 = tpu.vector_load %arg7[%get3A_148, %get3A_149] {strides = array<i32>} : memref<64x128xf32, #tpu.memory_space<vmem>>, vector<1x16xf32>,
      %get3A_151 = vector.shape_cast %get3A_150 : vector<1x16xf32> to vector<16xf32>
      %get3A_152 = arith.constant 29 : i32
      %get3A_153 = arith.index_cast %get3A_152 : i32 to index
      %get3A_154 = arith.constant 0 : index
      %get3A_155 = tpu.vector_load %arg7[%get3A_153, %get3A_154] {strides = array<i32>} : memref<64x128xf32, #tpu.memory_space<vmem>>, vector<1x16xf32>,
      %get3A_156 = vector.shape_cast %get3A_155 : vector<1x16xf32> to vector<16xf32>
      %get3A_157 = arith.constant 30 : i32
      %get3A_158 = arith.index_cast %get3A_157 : i32 to index
      %get3A_159 = arith.constant 0 : index
      %get3A_160 = tpu.vector_load %arg7[%get3A_158, %get3A_159] {strides = array<i32>} : memref<64x128xf32, #tpu.memory_space<vmem>>, vector<1x16xf32>,
      %get3A_161 = vector.shape_cast %get3A_160 : vector<1x16xf32> to vector<16xf32>
      %get3A_162 = arith.constant 31 : i32
      %get3A_163 = arith.index_cast %get3A_162 : i32 to index
      %get3A_164 = arith.constant 0 : index
      %get3A_165 = tpu.vector_load %arg7[%get3A_163, %get3A_164] {strides = array<i32>} : memref<64x128xf32, #tpu.memory_space<vmem>>, vector<1x16xf32>,
      %get3A_166 = vector.shape_cast %get3A_165 : vector<1x16xf32> to vector<16xf32>
      %get3A_167 = arith.constant 32 : i32
      %get3A_168 = arith.index_cast %get3A_167 : i32 to index
      %get3A_169 = arith.constant 0 : index
      %get3A_170 = tpu.vector_load %arg7[%get3A_168, %get3A_169] {strides = array<i32>} : memref<64x128xf32, #tpu.memory_space<vmem>>, vector<1x16xf32>,
      %get3A_171 = vector.shape_cast %get3A_170 : vector<1x16xf32> to vector<16xf32>
      %get3A_172 = arith.constant 33 : i32
      %get3A_173 = arith.index_cast %get3A_172 : i32 to index
      %get3A_174 = arith.constant 0 : index
      %get3A_175 = tpu.vector_load %arg7[%get3A_173, %get3A_174] {strides = array<i32>} : memref<64x128xf32, #tpu.memory_space<vmem>>, vector<1x16xf32>,
      %get3A_176 = vector.shape_cast %get3A_175 : vector<1x16xf32> to vector<16xf32>
      %get3A_177 = arith.constant 34 : i32
      %get3A_178 = arith.index_cast %get3A_177 : i32 to index
      %get3A_179 = arith.constant 0 : index
      %get3A_180 = tpu.vector_load %arg7[%get3A_178, %get3A_179] {strides = array<i32>} : memref<64x128xf32, #tpu.memory_space<vmem>>, vector<1x16xf32>,
      %get3A_181 = vector.shape_cast %get3A_180 : vector<1x16xf32> to vector<16xf32>
      %get3A_182 = arith.constant 35 : i32
      %get3A_183 = arith.index_cast %get3A_182 : i32 to index
      %get3A_184 = arith.constant 0 : index
      %get3A_185 = tpu.vector_load %arg7[%get3A_183, %get3A_184] {strides = array<i32>} : memref<64x128xf32, #tpu.memory_space<vmem>>, vector<1x16xf32>,
      %get3A_186 = vector.shape_cast %get3A_185 : vector<1x16xf32> to vector<16xf32>
      %get3A_187 = arith.constant 36 : i32
      %get3A_188 = arith.index_cast %get3A_187 : i32 to index
      %get3A_189 = arith.constant 0 : index
      %get3A_190 = tpu.vector_load %arg7[%get3A_188, %get3A_189] {strides = array<i32>} : memref<64x128xf32, #tpu.memory_space<vmem>>, vector<1x16xf32>,
      %get3A_191 = vector.shape_cast %get3A_190 : vector<1x16xf32> to vector<16xf32>
      %get3A_192 = arith.constant 37 : i32
      %get3A_193 = arith.index_cast %get3A_192 : i32 to index
      %get3A_194 = arith.constant 0 : index
      %get3A_195 = tpu.vector_load %arg7[%get3A_193, %get3A_194] {strides = array<i32>} : memref<64x128xf32, #tpu.memory_space<vmem>>, vector<1x16xf32>,
      %get3A_196 = vector.shape_cast %get3A_195 : vector<1x16xf32> to vector<16xf32>
      %get3A_197 = arith.constant 38 : i32
      %get3A_198 = arith.index_cast %get3A_197 : i32 to index
      %get3A_199 = arith.constant 0 : index
      %get3A_200 = tpu.vector_load %arg7[%get3A_198, %get3A_199] {strides = array<i32>} : memref<64x128xf32, #tpu.memory_space<vmem>>, vector<1x16xf32>,
      %get3A_201 = vector.shape_cast %get3A_200 : vector<1x16xf32> to vector<16xf32>
      %get3A_202 = arith.constant 39 : i32
      %get3A_203 = arith.index_cast %get3A_202 : i32 to index
      %get3A_204 = arith.constant 0 : index
      %get3A_205 = tpu.vector_load %arg7[%get3A_203, %get3A_204] {strides = array<i32>} : memref<64x128xf32, #tpu.memory_space<vmem>>, vector<1x16xf32>,
      %get3A_206 = vector.shape_cast %get3A_205 : vector<1x16xf32> to vector<16xf32>
      %get3A_207 = arith.constant 40 : i32
      %get3A_208 = arith.index_cast %get3A_207 : i32 to index
      %get3A_209 = arith.constant 0 : index
      %get3A_210 = tpu.vector_load %arg7[%get3A_208, %get3A_209] {strides = array<i32>} : memref<64x128xf32, #tpu.memory_space<vmem>>, vector<1x16xf32>,
      %get3A_211 = vector.shape_cast %get3A_210 : vector<1x16xf32> to vector<16xf32>
      %get3A_212 = arith.constant 41 : i32
      %get3A_213 = arith.index_cast %get3A_212 : i32 to index
      %get3A_214 = arith.constant 0 : index
      %get3A_215 = tpu.vector_load %arg7[%get3A_213, %get3A_214] {strides = array<i32>} : memref<64x128xf32, #tpu.memory_space<vmem>>, vector<1x16xf32>,
      %get3A_216 = vector.shape_cast %get3A_215 : vector<1x16xf32> to vector<16xf32>
      %get3A_217 = arith.constant 42 : i32
      %get3A_218 = arith.index_cast %get3A_217 : i32 to index
      %get3A_219 = arith.constant 0 : index
      %get3A_220 = tpu.vector_load %arg7[%get3A_218, %get3A_219] {strides = array<i32>} : memref<64x128xf32, #tpu.memory_space<vmem>>, vector<1x16xf32>,
      %get3A_221 = vector.shape_cast %get3A_220 : vector<1x16xf32> to vector<16xf32>
      %get3A_222 = arith.constant 43 : i32
      %get3A_223 = arith.index_cast %get3A_222 : i32 to index
      %get3A_224 = arith.constant 0 : index
      %get3A_225 = tpu.vector_load %arg7[%get3A_223, %get3A_224] {strides = array<i32>} : memref<64x128xf32, #tpu.memory_space<vmem>>, vector<1x16xf32>,
      %get3A_226 = vector.shape_cast %get3A_225 : vector<1x16xf32> to vector<16xf32>
      %get3A_227 = arith.constant 44 : i32
      %get3A_228 = arith.index_cast %get3A_227 : i32 to index
      %get3A_229 = arith.constant 0 : index
      %get3A_230 = tpu.vector_load %arg7[%get3A_228, %get3A_229] {strides = array<i32>} : memref<64x128xf32, #tpu.memory_space<vmem>>, vector<1x16xf32>,
      %get3A_231 = vector.shape_cast %get3A_230 : vector<1x16xf32> to vector<16xf32>
      %get3A_232 = arith.constant 45 : i32
      %get3A_233 = arith.index_cast %get3A_232 : i32 to index
      %get3A_234 = arith.constant 0 : index
      %get3A_235 = tpu.vector_load %arg7[%get3A_233, %get3A_234] {strides = array<i32>} : memref<64x128xf32, #tpu.memory_space<vmem>>, vector<1x16xf32>,
      %get3A_236 = vector.shape_cast %get3A_235 : vector<1x16xf32> to vector<16xf32>
      %get3A_237 = arith.constant 46 : i32
      %get3A_238 = arith.index_cast %get3A_237 : i32 to index
      %get3A_239 = arith.constant 0 : index
      %get3A_240 = tpu.vector_load %arg7[%get3A_238, %get3A_239] {strides = array<i32>} : memref<64x128xf32, #tpu.memory_space<vmem>>, vector<1x16xf32>,
      %get3A_241 = vector.shape_cast %get3A_240 : vector<1x16xf32> to vector<16xf32>
      %get3A_242 = arith.constant 47 : i32
      %get3A_243 = arith.index_cast %get3A_242 : i32 to index
      %get3A_244 = arith.constant 0 : index
      %get3A_245 = tpu.vector_load %arg7[%get3A_243, %get3A_244] {strides = array<i32>} : memref<64x128xf32, #tpu.memory_space<vmem>>, vector<1x16xf32>,
      %get3A_246 = vector.shape_cast %get3A_245 : vector<1x16xf32> to vector<16xf32>
      %get3A_247 = arith.constant 48 : i32
      %get3A_248 = arith.index_cast %get3A_247 : i32 to index
      %get3A_249 = arith.constant 0 : index
      %get3A_250 = tpu.vector_load %arg7[%get3A_248, %get3A_249] {strides = array<i32>} : memref<64x128xf32, #tpu.memory_space<vmem>>, vector<1x16xf32>,
      %get3A_251 = vector.shape_cast %get3A_250 : vector<1x16xf32> to vector<16xf32>
      %get3A_252 = arith.constant 49 : i32
      %get3A_253 = arith.index_cast %get3A_252 : i32 to index
      %get3A_254 = arith.constant 0 : index
      %get3A_255 = tpu.vector_load %arg7[%get3A_253, %get3A_254] {strides = array<i32>} : memref<64x128xf32, #tpu.memory_space<vmem>>, vector<1x16xf32>,
      %get3A_256 = vector.shape_cast %get3A_255 : vector<1x16xf32> to vector<16xf32>
      %get3A_257 = arith.constant 50 : i32
      %get3A_258 = arith.index_cast %get3A_257 : i32 to index
      %get3A_259 = arith.constant 0 : index
      %get3A_260 = tpu.vector_load %arg7[%get3A_258, %get3A_259] {strides = array<i32>} : memref<64x128xf32, #tpu.memory_space<vmem>>, vector<1x16xf32>,
      %get3A_261 = vector.shape_cast %get3A_260 : vector<1x16xf32> to vector<16xf32>
      %get3A_262 = arith.constant 51 : i32
      %get3A_263 = arith.index_cast %get3A_262 : i32 to index
      %get3A_264 = arith.constant 0 : index
      %get3A_265 = tpu.vector_load %arg7[%get3A_263, %get3A_264] {strides = array<i32>} : memref<64x128xf32, #tpu.memory_space<vmem>>, vector<1x16xf32>,
      %get3A_266 = vector.shape_cast %get3A_265 : vector<1x16xf32> to vector<16xf32>
      %get3A_267 = arith.constant 52 : i32
      %get3A_268 = arith.index_cast %get3A_267 : i32 to index
      %get3A_269 = arith.constant 0 : index
      %get3A_270 = tpu.vector_load %arg7[%get3A_268, %get3A_269] {strides = array<i32>} : memref<64x128xf32, #tpu.memory_space<vmem>>, vector<1x16xf32>,
      %get3A_271 = vector.shape_cast %get3A_270 : vector<1x16xf32> to vector<16xf32>
      %get3A_272 = arith.constant 53 : i32
      %get3A_273 = arith.index_cast %get3A_272 : i32 to index
      %get3A_274 = arith.constant 0 : index
      %get3A_275 = tpu.vector_load %arg7[%get3A_273, %get3A_274] {strides = array<i32>} : memref<64x128xf32, #tpu.memory_space<vmem>>, vector<1x16xf32>,
      %get3A_276 = vector.shape_cast %get3A_275 : vector<1x16xf32> to vector<16xf32>
      %get3A_277 = arith.constant 54 : i32
      %get3A_278 = arith.index_cast %get3A_277 : i32 to index
      %get3A_279 = arith.constant 0 : index
      %get3A_280 = tpu.vector_load %arg7[%get3A_278, %get3A_279] {strides = array<i32>} : memref<64x128xf32, #tpu.memory_space<vmem>>, vector<1x16xf32>,
      %get3A_281 = vector.shape_cast %get3A_280 : vector<1x16xf32> to vector<16xf32>
      %get3A_282 = arith.constant 55 : i32
      %get3A_283 = arith.index_cast %get3A_282 : i32 to index
      %get3A_284 = arith.constant 0 : index
      %get3A_285 = tpu.vector_load %arg7[%get3A_283, %get3A_284] {strides = array<i32>} : memref<64x128xf32, #tpu.memory_space<vmem>>, vector<1x16xf32>,
      %get3A_286 = vector.shape_cast %get3A_285 : vector<1x16xf32> to vector<16xf32>
      %get3A_287 = arith.constant 56 : i32
      %get3A_288 = arith.index_cast %get3A_287 : i32 to index
      %get3A_289 = arith.constant 0 : index
      %get3A_290 = tpu.vector_load %arg7[%get3A_288, %get3A_289] {strides = array<i32>} : memref<64x128xf32, #tpu.memory_space<vmem>>, vector<1x16xf32>,
      %get3A_291 = vector.shape_cast %get3A_290 : vector<1x16xf32> to vector<16xf32>
      %get3A_292 = arith.constant 57 : i32
      %get3A_293 = arith.index_cast %get3A_292 : i32 to index
      %get3A_294 = arith.constant 0 : index
      %get3A_295 = tpu.vector_load %arg7[%get3A_293, %get3A_294] {strides = array<i32>} : memref<64x128xf32, #tpu.memory_space<vmem>>, vector<1x16xf32>,
      %get3A_296 = vector.shape_cast %get3A_295 : vector<1x16xf32> to vector<16xf32>
      %get3A_297 = arith.constant 58 : i32
      %get3A_298 = arith.index_cast %get3A_297 : i32 to index
      %get3A_299 = arith.constant 0 : index
      %get3A_300 = tpu.vector_load %arg7[%get3A_298, %get3A_299] {strides = array<i32>} : memref<64x128xf32, #tpu.memory_space<vmem>>, vector<1x16xf32>,
      %get3A_301 = vector.shape_cast %get3A_300 : vector<1x16xf32> to vector<16xf32>
      %get3A_302 = arith.constant 59 : i32
      %get3A_303 = arith.index_cast %get3A_302 : i32 to index
      %get3A_304 = arith.constant 0 : index
      %get3A_305 = tpu.vector_load %arg7[%get3A_303, %get3A_304] {strides = array<i32>} : memref<64x128xf32, #tpu.memory_space<vmem>>, vector<1x16xf32>,
      %get3A_306 = vector.shape_cast %get3A_305 : vector<1x16xf32> to vector<16xf32>
      %get3A_307 = arith.constant 60 : i32
      %get3A_308 = arith.index_cast %get3A_307 : i32 to index
      %get3A_309 = arith.constant 0 : index
      %get3A_310 = tpu.vector_load %arg7[%get3A_308, %get3A_309] {strides = array<i32>} : memref<64x128xf32, #tpu.memory_space<vmem>>, vector<1x16xf32>,
      %get3A_311 = vector.shape_cast %get3A_310 : vector<1x16xf32> to vector<16xf32>
      %get3A_312 = arith.constant 61 : i32
      %get3A_313 = arith.index_cast %get3A_312 : i32 to index
      %get3A_314 = arith.constant 0 : index
      %get3A_315 = tpu.vector_load %arg7[%get3A_313, %get3A_314] {strides = array<i32>} : memref<64x128xf32, #tpu.memory_space<vmem>>, vector<1x16xf32>,
      %get3A_316 = vector.shape_cast %get3A_315 : vector<1x16xf32> to vector<16xf32>
      %get3A_317 = arith.constant 62 : i32
      %get3A_318 = arith.index_cast %get3A_317 : i32 to index
      %get3A_319 = arith.constant 0 : index
      %get3A_320 = tpu.vector_load %arg7[%get3A_318, %get3A_319] {strides = array<i32>} : memref<64x128xf32, #tpu.memory_space<vmem>>, vector<1x16xf32>,
      %get3A_321 = vector.shape_cast %get3A_320 : vector<1x16xf32> to vector<16xf32>
      %get3A_322 = arith.constant 63 : i32
      %get3A_323 = arith.index_cast %get3A_322 : i32 to index
      %get3A_324 = arith.constant 0 : index
      %get3A_325 = tpu.vector_load %arg7[%get3A_323, %get3A_324] {strides = array<i32>} : memref<64x128xf32, #tpu.memory_space<vmem>>, vector<1x16xf32>,
      %get3A_326 = vector.shape_cast %get3A_325 : vector<1x16xf32> to vector<16xf32>
      %max3A = arith.maximumf %get3A_11, %get3A_16 : vector<16xf32>
      %max3A_327 = arith.maximumf %max3A, %get3A_21 : vector<16xf32>
      %max3A_328 = arith.maximumf %max3A_327, %get3A_26 : vector<16xf32>
      %max3A_329 = arith.maximumf %max3A_328, %get3A_31 : vector<16xf32>
      %max3A_330 = arith.maximumf %max3A_329, %get3A_36 : vector<16xf32>
      %max3A_331 = arith.maximumf %max3A_330, %get3A_41 : vector<16xf32>
      %max3A_332 = arith.maximumf %max3A_331, %get3A_46 : vector<16xf32>
      %max3A_333 = arith.maximumf %max3A_332, %get3A_51 : vector<16xf32>
      %max3A_334 = arith.maximumf %max3A_333, %get3A_56 : vector<16xf32>
      %max3A_335 = arith.maximumf %max3A_334, %get3A_61 : vector<16xf32>
      %max3A_336 = arith.maximumf %max3A_335, %get3A_66 : vector<16xf32>
      %max3A_337 = arith.maximumf %max3A_336, %get3A_71 : vector<16xf32>
      %max3A_338 = arith.maximumf %max3A_337, %get3A_76 : vector<16xf32>
      %max3A_339 = arith.maximumf %max3A_338, %get3A_81 : vector<16xf32>
      %max3A_340 = arith.maximumf %max3A_339, %get3A_86 : vector<16xf32>
      %max3A_341 = arith.maximumf %max3A_340, %get3A_91 : vector<16xf32>
      %max3A_342 = arith.maximumf %max3A_341, %get3A_96 : vector<16xf32>
      %max3A_343 = arith.maximumf %max3A_342, %get3A_101 : vector<16xf32>
      %max3A_344 = arith.maximumf %max3A_343, %get3A_106 : vector<16xf32>
      %max3A_345 = arith.maximumf %max3A_344, %get3A_111 : vector<16xf32>
      %max3A_346 = arith.maximumf %max3A_345, %get3A_116 : vector<16xf32>
      %max3A_347 = arith.maximumf %max3A_346, %get3A_121 : vector<16xf32>
      %max3A_348 = arith.maximumf %max3A_347, %get3A_126 : vector<16xf32>
      %max3A_349 = arith.maximumf %max3A_348, %get3A_131 : vector<16xf32>
      %max3A_350 = arith.maximumf %max3A_349, %get3A_136 : vector<16xf32>
      %max3A_351 = arith.maximumf %max3A_350, %get3A_141 : vector<16xf32>
      %max3A_352 = arith.maximumf %max3A_351, %get3A_146 : vector<16xf32>
      %max3A_353 = arith.maximumf %max3A_352, %get3A_151 : vector<16xf32>
      %max3A_354 = arith.maximumf %max3A_353, %get3A_156 : vector<16xf32>
      %max3A_355 = arith.maximumf %max3A_354, %get3A_161 : vector<16xf32>
      %max3A_356 = arith.maximumf %max3A_355, %get3A_166 : vector<16xf32>
      %max3A_357 = arith.maximumf %max3A_356, %get3A_171 : vector<16xf32>
      %max3A_358 = arith.maximumf %max3A_357, %get3A_176 : vector<16xf32>
      %max3A_359 = arith.maximumf %max3A_358, %get3A_181 : vector<16xf32>
      %max3A_360 = arith.maximumf %max3A_359, %get3A_186 : vector<16xf32>
      %max3A_361 = arith.maximumf %max3A_360, %get3A_191 : vector<16xf32>
      %max3A_362 = arith.maximumf %max3A_361, %get3A_196 : vector<16xf32>
      %max3A_363 = arith.maximumf %max3A_362, %get3A_201 : vector<16xf32>
      %max3A_364 = arith.maximumf %max3A_363, %get3A_206 : vector<16xf32>
      %max3A_365 = arith.maximumf %max3A_364, %get3A_211 : vector<16xf32>
      %max3A_366 = arith.maximumf %max3A_365, %get3A_216 : vector<16xf32>
      %max3A_367 = arith.maximumf %max3A_366, %get3A_221 : vector<16xf32>
      %max3A_368 = arith.maximumf %max3A_367, %get3A_226 : vector<16xf32>
      %max3A_369 = arith.maximumf %max3A_368, %get3A_231 : vector<16xf32>
      %max3A_370 = arith.maximumf %max3A_369, %get3A_236 : vector<16xf32>
      %max3A_371 = arith.maximumf %max3A_370, %get3A_241 : vector<16xf32>
      %max3A_372 = arith.maximumf %max3A_371, %get3A_246 : vector<16xf32>
      %max3A_373 = arith.maximumf %max3A_372, %get3A_251 : vector<16xf32>
      %max3A_374 = arith.maximumf %max3A_373, %get3A_256 : vector<16xf32>
      %max3A_375 = arith.maximumf %max3A_374, %get3A_261 : vector<16xf32>
      %max3A_376 = arith.maximumf %max3A_375, %get3A_266 : vector<16xf32>
      %max3A_377 = arith.maximumf %max3A_376, %get3A_271 : vector<16xf32>
      %max3A_378 = arith.maximumf %max3A_377, %get3A_276 : vector<16xf32>
      %max3A_379 = arith.maximumf %max3A_378, %get3A_281 : vector<16xf32>
      %max3A_380 = arith.maximumf %max3A_379, %get3A_286 : vector<16xf32>
      %max3A_381 = arith.maximumf %max3A_380, %get3A_291 : vector<16xf32>
      %max3A_382 = arith.maximumf %max3A_381, %get3A_296 : vector<16xf32>
      %max3A_383 = arith.maximumf %max3A_382, %get3A_301 : vector<16xf32>
      %max3A_384 = arith.maximumf %max3A_383, %get3A_306 : vector<16xf32>
      %max3A_385 = arith.maximumf %max3A_384, %get3A_311 : vector<16xf32>
      %max3A_386 = arith.maximumf %max3A_385, %get3A_316 : vector<16xf32>
      %max3A_387 = arith.maximumf %max3A_386, %get3A_321 : vector<16xf32>
      %max3A_388 = arith.maximumf %max3A_387, %get3A_326 : vector<16xf32>
      %sub3A = arith.subf %get3A_11, %max3A_388 : vector<16xf32>
      %exp3A = math.exp %sub3A : vector<16xf32>
      %sub3A_389 = arith.subf %get3A_16, %max3A_388 : vector<16xf32>
      %exp3A_390 = math.exp %sub3A_389 : vector<16xf32>
      %sub3A_391 = arith.subf %get3A_21, %max3A_388 : vector<16xf32>
      %exp3A_392 = math.exp %sub3A_391 : vector<16xf32>
      %sub3A_393 = arith.subf %get3A_26, %max3A_388 : vector<16xf32>
      %exp3A_394 = math.exp %sub3A_393 : vector<16xf32>
      %sub3A_395 = arith.subf %get3A_31, %max3A_388 : vector<16xf32>
      %exp3A_396 = math.exp %sub3A_395 : vector<16xf32>
      %sub3A_397 = arith.subf %get3A_36, %max3A_388 : vector<16xf32>
      %exp3A_398 = math.exp %sub3A_397 : vector<16xf32>
      %sub3A_399 = arith.subf %get3A_41, %max3A_388 : vector<16xf32>
      %exp3A_400 = math.exp %sub3A_399 : vector<16xf32>
      %sub3A_401 = arith.subf %get3A_46, %max3A_388 : vector<16xf32>
      %exp3A_402 = math.exp %sub3A_401 : vector<16xf32>
      %sub3A_403 = arith.subf %get3A_51, %max3A_388 : vector<16xf32>
      %exp3A_404 = math.exp %sub3A_403 : vector<16xf32>
      %sub3A_405 = arith.subf %get3A_56, %max3A_388 : vector<16xf32>
      %exp3A_406 = math.exp %sub3A_405 : vector<16xf32>
      %sub3A_407 = arith.subf %get3A_61, %max3A_388 : vector<16xf32>
      %exp3A_408 = math.exp %sub3A_407 : vector<16xf32>
      %sub3A_409 = arith.subf %get3A_66, %max3A_388 : vector<16xf32>
      %exp3A_410 = math.exp %sub3A_409 : vector<16xf32>
      %sub3A_411 = arith.subf %get3A_71, %max3A_388 : vector<16xf32>
      %exp3A_412 = math.exp %sub3A_411 : vector<16xf32>
      %sub3A_413 = arith.subf %get3A_76, %max3A_388 : vector<16xf32>
      %exp3A_414 = math.exp %sub3A_413 : vector<16xf32>
      %sub3A_415 = arith.subf %get3A_81, %max3A_388 : vector<16xf32>
      %exp3A_416 = math.exp %sub3A_415 : vector<16xf32>
      %sub3A_417 = arith.subf %get3A_86, %max3A_388 : vector<16xf32>
      %exp3A_418 = math.exp %sub3A_417 : vector<16xf32>
      %sub3A_419 = arith.subf %get3A_91, %max3A_388 : vector<16xf32>
      %exp3A_420 = math.exp %sub3A_419 : vector<16xf32>
      %sub3A_421 = arith.subf %get3A_96, %max3A_388 : vector<16xf32>
      %exp3A_422 = math.exp %sub3A_421 : vector<16xf32>
      %sub3A_423 = arith.subf %get3A_101, %max3A_388 : vector<16xf32>
      %exp3A_424 = math.exp %sub3A_423 : vector<16xf32>
      %sub3A_425 = arith.subf %get3A_106, %max3A_388 : vector<16xf32>
      %exp3A_426 = math.exp %sub3A_425 : vector<16xf32>
      %sub3A_427 = arith.subf %get3A_111, %max3A_388 : vector<16xf32>
      %exp3A_428 = math.exp %sub3A_427 : vector<16xf32>
      %sub3A_429 = arith.subf %get3A_116, %max3A_388 : vector<16xf32>
      %exp3A_430 = math.exp %sub3A_429 : vector<16xf32>
      %sub3A_431 = arith.subf %get3A_121, %max3A_388 : vector<16xf32>
      %exp3A_432 = math.exp %sub3A_431 : vector<16xf32>
      %sub3A_433 = arith.subf %get3A_126, %max3A_388 : vector<16xf32>
      %exp3A_434 = math.exp %sub3A_433 : vector<16xf32>
      %sub3A_435 = arith.subf %get3A_131, %max3A_388 : vector<16xf32>
      %exp3A_436 = math.exp %sub3A_435 : vector<16xf32>
      %sub3A_437 = arith.subf %get3A_136, %max3A_388 : vector<16xf32>
      %exp3A_438 = math.exp %sub3A_437 : vector<16xf32>
      %sub3A_439 = arith.subf %get3A_141, %max3A_388 : vector<16xf32>
      %exp3A_440 = math.exp %sub3A_439 : vector<16xf32>
      %sub3A_441 = arith.subf %get3A_146, %max3A_388 : vector<16xf32>
      %exp3A_442 = math.exp %sub3A_441 : vector<16xf32>
      %sub3A_443 = arith.subf %get3A_151, %max3A_388 : vector<16xf32>
      %exp3A_444 = math.exp %sub3A_443 : vector<16xf32>
      %sub3A_445 = arith.subf %get3A_156, %max3A_388 : vector<16xf32>
      %exp3A_446 = math.exp %sub3A_445 : vector<16xf32>
      %sub3A_447 = arith.subf %get3A_161, %max3A_388 : vector<16xf32>
      %exp3A_448 = math.exp %sub3A_447 : vector<16xf32>
      %sub3A_449 = arith.subf %get3A_166, %max3A_388 : vector<16xf32>
      %exp3A_450 = math.exp %sub3A_449 : vector<16xf32>
      %sub3A_451 = arith.subf %get3A_171, %max3A_388 : vector<16xf32>
      %exp3A_452 = math.exp %sub3A_451 : vector<16xf32>
      %sub3A_453 = arith.subf %get3A_176, %max3A_388 : vector<16xf32>
      %exp3A_454 = math.exp %sub3A_453 : vector<16xf32>
      %sub3A_455 = arith.subf %get3A_181, %max3A_388 : vector<16xf32>
      %exp3A_456 = math.exp %sub3A_455 : vector<16xf32>
      %sub3A_457 = arith.subf %get3A_186, %max3A_388 : vector<16xf32>
      %exp3A_458 = math.exp %sub3A_457 : vector<16xf32>
      %sub3A_459 = arith.subf %get3A_191, %max3A_388 : vector<16xf32>
      %exp3A_460 = math.exp %sub3A_459 : vector<16xf32>
      %sub3A_461 = arith.subf %get3A_196, %max3A_388 : vector<16xf32>
      %exp3A_462 = math.exp %sub3A_461 : vector<16xf32>
      %sub3A_463 = arith.subf %get3A_201, %max3A_388 : vector<16xf32>
      %exp3A_464 = math.exp %sub3A_463 : vector<16xf32>
      %sub3A_465 = arith.subf %get3A_206, %max3A_388 : vector<16xf32>
      %exp3A_466 = math.exp %sub3A_465 : vector<16xf32>
      %sub3A_467 = arith.subf %get3A_211, %max3A_388 : vector<16xf32>
      %exp3A_468 = math.exp %sub3A_467 : vector<16xf32>
      %sub3A_469 = arith.subf %get3A_216, %max3A_388 : vector<16xf32>
      %exp3A_470 = math.exp %sub3A_469 : vector<16xf32>
      %sub3A_471 = arith.subf %get3A_221, %max3A_388 : vector<16xf32>
      %exp3A_472 = math.exp %sub3A_471 : vector<16xf32>
      %sub3A_473 = arith.subf %get3A_226, %max3A_388 : vector<16xf32>
      %exp3A_474 = math.exp %sub3A_473 : vector<16xf32>
      %sub3A_475 = arith.subf %get3A_231, %max3A_388 : vector<16xf32>
      %exp3A_476 = math.exp %sub3A_475 : vector<16xf32>
      %sub3A_477 = arith.subf %get3A_236, %max3A_388 : vector<16xf32>
      %exp3A_478 = math.exp %sub3A_477 : vector<16xf32>
      %sub3A_479 = arith.subf %get3A_241, %max3A_388 : vector<16xf32>
      %exp3A_480 = math.exp %sub3A_479 : vector<16xf32>
      %sub3A_481 = arith.subf %get3A_246, %max3A_388 : vector<16xf32>
      %exp3A_482 = math.exp %sub3A_481 : vector<16xf32>
      %sub3A_483 = arith.subf %get3A_251, %max3A_388 : vector<16xf32>
      %exp3A_484 = math.exp %sub3A_483 : vector<16xf32>
      %sub3A_485 = arith.subf %get3A_256, %max3A_388 : vector<16xf32>
      %exp3A_486 = math.exp %sub3A_485 : vector<16xf32>
      %sub3A_487 = arith.subf %get3A_261, %max3A_388 : vector<16xf32>
      %exp3A_488 = math.exp %sub3A_487 : vector<16xf32>
      %sub3A_489 = arith.subf %get3A_266, %max3A_388 : vector<16xf32>
      %exp3A_490 = math.exp %sub3A_489 : vector<16xf32>
      %sub3A_491 = arith.subf %get3A_271, %max3A_388 : vector<16xf32>
      %exp3A_492 = math.exp %sub3A_491 : vector<16xf32>
      %sub3A_493 = arith.subf %get3A_276, %max3A_388 : vector<16xf32>
      %exp3A_494 = math.exp %sub3A_493 : vector<16xf32>
      %sub3A_495 = arith.subf %get3A_281, %max3A_388 : vector<16xf32>
      %exp3A_496 = math.exp %sub3A_495 : vector<16xf32>
      %sub3A_497 = arith.subf %get3A_286, %max3A_388 : vector<16xf32>
      %exp3A_498 = math.exp %sub3A_497 : vector<16xf32>
      %sub3A_499 = arith.subf %get3A_291, %max3A_388 : vector<16xf32>
      %exp3A_500 = math.exp %sub3A_499 : vector<16xf32>
      %sub3A_501 = arith.subf %get3A_296, %max3A_388 : vector<16xf32>
      %exp3A_502 = math.exp %sub3A_501 : vector<16xf32>
      %sub3A_503 = arith.subf %get3A_301, %max3A_388 : vector<16xf32>
      %exp3A_504 = math.exp %sub3A_503 : vector<16xf32>
      %sub3A_505 = arith.subf %get3A_306, %max3A_388 : vector<16xf32>
      %exp3A_506 = math.exp %sub3A_505 : vector<16xf32>
      %sub3A_507 = arith.subf %get3A_311, %max3A_388 : vector<16xf32>
      %exp3A_508 = math.exp %sub3A_507 : vector<16xf32>
      %sub3A_509 = arith.subf %get3A_316, %max3A_388 : vector<16xf32>
      %exp3A_510 = math.exp %sub3A_509 : vector<16xf32>
      %sub3A_511 = arith.subf %get3A_321, %max3A_388 : vector<16xf32>
      %exp3A_512 = math.exp %sub3A_511 : vector<16xf32>
      %sub3A_513 = arith.subf %get3A_326, %max3A_388 : vector<16xf32>
      %exp3A_514 = math.exp %sub3A_513 : vector<16xf32>
      %add3A = arith.addf %exp3A, %exp3A_390 : vector<16xf32>
      %add3A_515 = arith.addf %add3A, %exp3A_392 : vector<16xf32>
      %add3A_516 = arith.addf %add3A_515, %exp3A_394 : vector<16xf32>
      %add3A_517 = arith.addf %add3A_516, %exp3A_396 : vector<16xf32>
      %add3A_518 = arith.addf %add3A_517, %exp3A_398 : vector<16xf32>
      %add3A_519 = arith.addf %add3A_518, %exp3A_400 : vector<16xf32>
      %add3A_520 = arith.addf %add3A_519, %exp3A_402 : vector<16xf32>
      %add3A_521 = arith.addf %add3A_520, %exp3A_404 : vector<16xf32>
      %add3A_522 = arith.addf %add3A_521, %exp3A_406 : vector<16xf32>
      %add3A_523 = arith.addf %add3A_522, %exp3A_408 : vector<16xf32>
      %add3A_524 = arith.addf %add3A_523, %exp3A_410 : vector<16xf32>
      %add3A_525 = arith.addf %add3A_524, %exp3A_412 : vector<16xf32>
      %add3A_526 = arith.addf %add3A_525, %exp3A_414 : vector<16xf32>
      %add3A_527 = arith.addf %add3A_526, %exp3A_416 : vector<16xf32>
      %add3A_528 = arith.addf %add3A_527, %exp3A_418 : vector<16xf32>
      %add3A_529 = arith.addf %add3A_528, %exp3A_420 : vector<16xf32>
      %add3A_530 = arith.addf %add3A_529, %exp3A_422 : vector<16xf32>
      %add3A_531 = arith.addf %add3A_530, %exp3A_424 : vector<16xf32>
      %add3A_532 = arith.addf %add3A_531, %exp3A_426 : vector<16xf32>
      %add3A_533 = arith.addf %add3A_532, %exp3A_428 : vector<16xf32>
      %add3A_534 = arith.addf %add3A_533, %exp3A_430 : vector<16xf32>
      %add3A_535 = arith.addf %add3A_534, %exp3A_432 : vector<16xf32>
      %add3A_536 = arith.addf %add3A_535, %exp3A_434 : vector<16xf32>
      %add3A_537 = arith.addf %add3A_536, %exp3A_436 : vector<16xf32>
      %add3A_538 = arith.addf %add3A_537, %exp3A_438 : vector<16xf32>
      %add3A_539 = arith.addf %add3A_538, %exp3A_440 : vector<16xf32>
      %add3A_540 = arith.addf %add3A_539, %exp3A_442 : vector<16xf32>
      %add3A_541 = arith.addf %add3A_540, %exp3A_444 : vector<16xf32>
      %add3A_542 = arith.addf %add3A_541, %exp3A_446 : vector<16xf32>
      %add3A_543 = arith.addf %add3A_542, %exp3A_448 : vector<16xf32>
      %add3A_544 = arith.addf %add3A_543, %exp3A_450 : vector<16xf32>
      %add3A_545 = arith.addf %add3A_544, %exp3A_452 : vector<16xf32>
      %add3A_546 = arith.addf %add3A_545, %exp3A_454 : vector<16xf32>
      %add3A_547 = arith.addf %add3A_546, %exp3A_456 : vector<16xf32>
      %add3A_548 = arith.addf %add3A_547, %exp3A_458 : vector<16xf32>
      %add3A_549 = arith.addf %add3A_548, %exp3A_460 : vector<16xf32>
      %add3A_550 = arith.addf %add3A_549, %exp3A_462 : vector<16xf32>
      %add3A_551 = arith.addf %add3A_550, %exp3A_464 : vector<16xf32>
      %add3A_552 = arith.addf %add3A_551, %exp3A_466 : vector<16xf32>
      %add3A_553 = arith.addf %add3A_552, %exp3A_468 : vector<16xf32>
      %add3A_554 = arith.addf %add3A_553, %exp3A_470 : vector<16xf32>
      %add3A_555 = arith.addf %add3A_554, %exp3A_472 : vector<16xf32>
      %add3A_556 = arith.addf %add3A_555, %exp3A_474 : vector<16xf32>
      %add3A_557 = arith.addf %add3A_556, %exp3A_476 : vector<16xf32>
      %add3A_558 = arith.addf %add3A_557, %exp3A_478 : vector<16xf32>
      %add3A_559 = arith.addf %add3A_558, %exp3A_480 : vector<16xf32>
      %add3A_560 = arith.addf %add3A_559, %exp3A_482 : vector<16xf32>
      %add3A_561 = arith.addf %add3A_560, %exp3A_484 : vector<16xf32>
      %add3A_562 = arith.addf %add3A_561, %exp3A_486 : vector<16xf32>
      %add3A_563 = arith.addf %add3A_562, %exp3A_488 : vector<16xf32>
      %add3A_564 = arith.addf %add3A_563, %exp3A_490 : vector<16xf32>
      %add3A_565 = arith.addf %add3A_564, %exp3A_492 : vector<16xf32>
      %add3A_566 = arith.addf %add3A_565, %exp3A_494 : vector<16xf32>
      %add3A_567 = arith.addf %add3A_566, %exp3A_496 : vector<16xf32>
      %add3A_568 = arith.addf %add3A_567, %exp3A_498 : vector<16xf32>
      %add3A_569 = arith.addf %add3A_568, %exp3A_500 : vector<16xf32>
      %add3A_570 = arith.addf %add3A_569, %exp3A_502 : vector<16xf32>
      %add3A_571 = arith.addf %add3A_570, %exp3A_504 : vector<16xf32>
      %add3A_572 = arith.addf %add3A_571, %exp3A_506 : vector<16xf32>
      %add3A_573 = arith.addf %add3A_572, %exp3A_508 : vector<16xf32>
      %add3A_574 = arith.addf %add3A_573, %exp3A_510 : vector<16xf32>
      %add3A_575 = arith.addf %add3A_574, %exp3A_512 : vector<16xf32>
      %add3A_576 = arith.addf %add3A_575, %exp3A_514 : vector<16xf32>
      %div3A = arith.divf %exp3A, %add3A_576 : vector<16xf32>
      %swap3A = arith.constant 0 : i32
      %swap3A_577 = arith.index_cast %swap3A : i32 to index
      %swap3A_578 = arith.constant 0 : index
      %swap3A_579 = tpu.vector_load %arg8[%swap3A_577, %swap3A_578] {strides = array<i32>} : memref<64x16xf32, #tpu.memory_space<vmem>>, vector<1x16xf32>,
      %swap3A_580 = vector.shape_cast %swap3A_579 : vector<1x16xf32> to vector<16xf32>
      %swap3A_581 = vector.shape_cast %div3A : vector<16xf32> to vector<1x16xf32>
      tpu.vector_store %arg8[%swap3A_577, %swap3A_578], %swap3A_581 {strides = array<i32>} : memref<64x16xf32, #tpu.memory_space<vmem>>, vector<1x16xf32>,
      %swap3A_582 = arith.constant 0 : i32
      %swap3A_583 = arith.index_cast %swap3A_582 : i32 to index
      %swap3A_584 = arith.constant 0 : index
      %swap3A_585 = tpu.vector_load %arg9[%swap3A_583, %swap3A_584] {strides = array<i32>} : memref<64x16xf32, #tpu.memory_space<vmem>>, vector<1x16xf32>,
      %swap3A_586 = vector.shape_cast %swap3A_585 : vector<1x16xf32> to vector<16xf32>
      %swap3A_587 = vector.shape_cast %get3A_11 : vector<16xf32> to vector<1x16xf32>
      tpu.vector_store %arg9[%swap3A_583, %swap3A_584], %swap3A_587 {strides = array<i32>} : memref<64x16xf32, #tpu.memory_space<vmem>>, vector<1x16xf32>,
      %div3A_588 = arith.divf %exp3A_390, %add3A_576 : vector<16xf32>
      %swap3A_589 = arith.constant 1 : i32
      %swap3A_590 = arith.index_cast %swap3A_589 : i32 to index
      %swap3A_591 = arith.constant 0 : index
      %swap3A_592 = tpu.vector_load %arg8[%swap3A_590, %swap3A_591] {strides = array<i32>} : memref<64x16xf32, #tpu.memory_space<vmem>>, vector<1x16xf32>,
      %swap3A_593 = vector.shape_cast %swap3A_592 : vector<1x16xf32> to vector<16xf32>
      %swap3A_594 = vector.shape_cast %div3A_588 : vector<16xf32> to vector<1x16xf32>
      tpu.vector_store %arg8[%swap3A_590, %swap3A_591], %swap3A_594 {strides = array<i32>} : memref<64x16xf32, #tpu.memory_space<vmem>>, vector<1x16xf32>,
      %swap3A_595 = arith.constant 1 : i32
      %swap3A_596 = arith.index_cast %swap3A_595 : i32 to index
      %swap3A_597 = arith.constant 0 : index
      %swap3A_598 = tpu.vector_load %arg9[%swap3A_596, %swap3A_597] {strides = array<i32>} : memref<64x16xf32, #tpu.memory_space<vmem>>, vector<1x16xf32>,
      %swap3A_599 = vector.shape_cast %swap3A_598 : vector<1x16xf32> to vector<16xf32>
      %swap3A_600 = vector.shape_cast %get3A_16 : vector<16xf32> to vector<1x16xf32>
      tpu.vector_store %arg9[%swap3A_596, %swap3A_597], %swap3A_600 {strides = array<i32>} : memref<64x16xf32, #tpu.memory_space<vmem>>, vector<1x16xf32>,
      %div3A_601 = arith.divf %exp3A_392, %add3A_576 : vector<16xf32>
      %swap3A_602 = arith.constant 2 : i32
      %swap3A_603 = arith.index_cast %swap3A_602 : i32 to index
      %swap3A_604 = arith.constant 0 : index
      %swap3A_605 = tpu.vector_load %arg8[%swap3A_603, %swap3A_604] {strides = array<i32>} : memref<64x16xf32, #tpu.memory_space<vmem>>, vector<1x16xf32>,
      %swap3A_606 = vector.shape_cast %swap3A_605 : vector<1x16xf32> to vector<16xf32>
      %swap3A_607 = vector.shape_cast %div3A_601 : vector<16xf32> to vector<1x16xf32>
      tpu.vector_store %arg8[%swap3A_603, %swap3A_604], %swap3A_607 {strides = array<i32>} : memref<64x16xf32, #tpu.memory_space<vmem>>, vector<1x16xf32>,
      %swap3A_608 = arith.constant 2 : i32
      %swap3A_609 = arith.index_cast %swap3A_608 : i32 to index
      %swap3A_610 = arith.constant 0 : index
      %swap3A_611 = tpu.vector_load %arg9[%swap3A_609, %swap3A_610] {strides = array<i32>} : memref<64x16xf32, #tpu.memory_space<vmem>>, vector<1x16xf32>,
      %swap3A_612 = vector.shape_cast %swap3A_611 : vector<1x16xf32> to vector<16xf32>
      %swap3A_613 = vector.shape_cast %get3A_21 : vector<16xf32> to vector<1x16xf32>
      tpu.vector_store %arg9[%swap3A_609, %swap3A_610], %swap3A_613 {strides = array<i32>} : memref<64x16xf32, #tpu.memory_space<vmem>>, vector<1x16xf32>,
      %div3A_614 = arith.divf %exp3A_394, %add3A_576 : vector<16xf32>
      %swap3A_615 = arith.constant 3 : i32
      %swap3A_616 = arith.index_cast %swap3A_615 : i32 to index
      %swap3A_617 = arith.constant 0 : index
      %swap3A_618 = tpu.vector_load %arg8[%swap3A_616, %swap3A_617] {strides = array<i32>} : memref<64x16xf32, #tpu.memory_space<vmem>>, vector<1x16xf32>,
      %swap3A_619 = vector.shape_cast %swap3A_618 : vector<1x16xf32> to vector<16xf32>
      %swap3A_620 = vector.shape_cast %div3A_614 : vector<16xf32> to vector<1x16xf32>
      tpu.vector_store %arg8[%swap3A_616, %swap3A_617], %swap3A_620 {strides = array<i32>} : memref<64x16xf32, #tpu.memory_space<vmem>>, vector<1x16xf32>,
      %swap3A_621 = arith.constant 3 : i32
      %swap3A_622 = arith.index_cast %swap3A_621 : i32 to index
      %swap3A_623 = arith.constant 0 : index
      %swap3A_624 = tpu.vector_load %arg9[%swap3A_622, %swap3A_623] {strides = array<i32>} : memref<64x16xf32, #tpu.memory_space<vmem>>, vector<1x16xf32>,
      %swap3A_625 = vector.shape_cast %swap3A_624 : vector<1x16xf32> to vector<16xf32>
      %swap3A_626 = vector.shape_cast %get3A_26 : vector<16xf32> to vector<1x16xf32>
      tpu.vector_store %arg9[%swap3A_622, %swap3A_623], %swap3A_626 {strides = array<i32>} : memref<64x16xf32, #tpu.memory_space<vmem>>, vector<1x16xf32>,
      %div3A_627 = arith.divf %exp3A_396, %add3A_576 : vector<16xf32>
      %swap3A_628 = arith.constant 4 : i32
      %swap3A_629 = arith.index_cast %swap3A_628 : i32 to index
      %swap3A_630 = arith.constant 0 : index
      %swap3A_631 = tpu.vector_load %arg8[%swap3A_629, %swap3A_630] {strides = array<i32>} : memref<64x16xf32, #tpu.memory_space<vmem>>, vector<1x16xf32>,
      %swap3A_632 = vector.shape_cast %swap3A_631 : vector<1x16xf32> to vector<16xf32>
      %swap3A_633 = vector.shape_cast %div3A_627 : vector<16xf32> to vector<1x16xf32>
      tpu.vector_store %arg8[%swap3A_629, %swap3A_630], %swap3A_633 {strides = array<i32>} : memref<64x16xf32, #tpu.memory_space<vmem>>, vector<1x16xf32>,
      %swap3A_634 = arith.constant 4 : i32
      %swap3A_635 = arith.index_cast %swap3A_634 : i32 to index
      %swap3A_636 = arith.constant 0 : index
      %swap3A_637 = tpu.vector_load %arg9[%swap3A_635, %swap3A_636] {strides = array<i32>} : memref<64x16xf32, #tpu.memory_space<vmem>>, vector<1x16xf32>,
      %swap3A_638 = vector.shape_cast %swap3A_637 : vector<1x16xf32> to vector<16xf32>
      %swap3A_639 = vector.shape_cast %get3A_31 : vector<16xf32> to vector<1x16xf32>
      tpu.vector_store %arg9[%swap3A_635, %swap3A_636], %swap3A_639 {strides = array<i32>} : memref<64x16xf32, #tpu.memory_space<vmem>>, vector<1x16xf32>,
      %div3A_640 = arith.divf %exp3A_398, %add3A_576 : vector<16xf32>
      %swap3A_641 = arith.constant 5 : i32
      %swap3A_642 = arith.index_cast %swap3A_641 : i32 to index
      %swap3A_643 = arith.constant 0 : index
      %swap3A_644 = tpu.vector_load %arg8[%swap3A_642, %swap3A_643] {strides = array<i32>} : memref<64x16xf32, #tpu.memory_space<vmem>>, vector<1x16xf32>,
      %swap3A_645 = vector.shape_cast %swap3A_644 : vector<1x16xf32> to vector<16xf32>
      %swap3A_646 = vector.shape_cast %div3A_640 : vector<16xf32> to vector<1x16xf32>
      tpu.vector_store %arg8[%swap3A_642, %swap3A_643], %swap3A_646 {strides = array<i32>} : memref<64x16xf32, #tpu.memory_space<vmem>>, vector<1x16xf32>,
      %swap3A_647 = arith.constant 5 : i32
      %swap3A_648 = arith.index_cast %swap3A_647 : i32 to index
      %swap3A_649 = arith.constant 0 : index
      %swap3A_650 = tpu.vector_load %arg9[%swap3A_648, %swap3A_649] {strides = array<i32>} : memref<64x16xf32, #tpu.memory_space<vmem>>, vector<1x16xf32>,
      %swap3A_651 = vector.shape_cast %swap3A_650 : vector<1x16xf32> to vector<16xf32>
      %swap3A_652 = vector.shape_cast %get3A_36 : vector<16xf32> to vector<1x16xf32>
      tpu.vector_store %arg9[%swap3A_648, %swap3A_649], %swap3A_652 {strides = array<i32>} : memref<64x16xf32, #tpu.memory_space<vmem>>, vector<1x16xf32>,
      %div3A_653 = arith.divf %exp3A_400, %add3A_576 : vector<16xf32>
      %swap3A_654 = arith.constant 6 : i32
      %swap3A_655 = arith.index_cast %swap3A_654 : i32 to index
      %swap3A_656 = arith.constant 0 : index
      %swap3A_657 = tpu.vector_load %arg8[%swap3A_655, %swap3A_656] {strides = array<i32>} : memref<64x16xf32, #tpu.memory_space<vmem>>, vector<1x16xf32>,
      %swap3A_658 = vector.shape_cast %swap3A_657 : vector<1x16xf32> to vector<16xf32>
      %swap3A_659 = vector.shape_cast %div3A_653 : vector<16xf32> to vector<1x16xf32>
      tpu.vector_store %arg8[%swap3A_655, %swap3A_656], %swap3A_659 {strides = array<i32>} : memref<64x16xf32, #tpu.memory_space<vmem>>, vector<1x16xf32>,
      %swap3A_660 = arith.constant 6 : i32
      %swap3A_661 = arith.index_cast %swap3A_660 : i32 to index
      %swap3A_662 = arith.constant 0 : index
      %swap3A_663 = tpu.vector_load %arg9[%swap3A_661, %swap3A_662] {strides = array<i32>} : memref<64x16xf32, #tpu.memory_space<vmem>>, vector<1x16xf32>,
      %swap3A_664 = vector.shape_cast %swap3A_663 : vector<1x16xf32> to vector<16xf32>
      %swap3A_665 = vector.shape_cast %get3A_41 : vector<16xf32> to vector<1x16xf32>
      tpu.vector_store %arg9[%swap3A_661, %swap3A_662], %swap3A_665 {strides = array<i32>} : memref<64x16xf32, #tpu.memory_space<vmem>>, vector<1x16xf32>,
      %div3A_666 = arith.divf %exp3A_402, %add3A_576 : vector<16xf32>
      %swap3A_667 = arith.constant 7 : i32
      %swap3A_668 = arith.index_cast %swap3A_667 : i32 to index
      %swap3A_669 = arith.constant 0 : index
      %swap3A_670 = tpu.vector_load %arg8[%swap3A_668, %swap3A_669] {strides = array<i32>} : memref<64x16xf32, #tpu.memory_space<vmem>>, vector<1x16xf32>,
      %swap3A_671 = vector.shape_cast %swap3A_670 : vector<1x16xf32> to vector<16xf32>
      %swap3A_672 = vector.shape_cast %div3A_666 : vector<16xf32> to vector<1x16xf32>
      tpu.vector_store %arg8[%swap3A_668, %swap3A_669], %swap3A_672 {strides = array<i32>} : memref<64x16xf32, #tpu.memory_space<vmem>>, vector<1x16xf32>,
      %swap3A_673 = arith.constant 7 : i32
      %swap3A_674 = arith.index_cast %swap3A_673 : i32 to index
      %swap3A_675 = arith.constant 0 : index
      %swap3A_676 = tpu.vector_load %arg9[%swap3A_674, %swap3A_675] {strides = array<i32>} : memref<64x16xf32, #tpu.memory_space<vmem>>, vector<1x16xf32>,
      %swap3A_677 = vector.shape_cast %swap3A_676 : vector<1x16xf32> to vector<16xf32>
      %swap3A_678 = vector.shape_cast %get3A_46 : vector<16xf32> to vector<1x16xf32>
      tpu.vector_store %arg9[%swap3A_674, %swap3A_675], %swap3A_678 {strides = array<i32>} : memref<64x16xf32, #tpu.memory_space<vmem>>, vector<1x16xf32>,
      %div3A_679 = arith.divf %exp3A_404, %add3A_576 : vector<16xf32>
      %swap3A_680 = arith.constant 8 : i32
      %swap3A_681 = arith.index_cast %swap3A_680 : i32 to index
      %swap3A_682 = arith.constant 0 : index
      %swap3A_683 = tpu.vector_load %arg8[%swap3A_681, %swap3A_682] {strides = array<i32>} : memref<64x16xf32, #tpu.memory_space<vmem>>, vector<1x16xf32>,
      %swap3A_684 = vector.shape_cast %swap3A_683 : vector<1x16xf32> to vector<16xf32>
      %swap3A_685 = vector.shape_cast %div3A_679 : vector<16xf32> to vector<1x16xf32>
      tpu.vector_store %arg8[%swap3A_681, %swap3A_682], %swap3A_685 {strides = array<i32>} : memref<64x16xf32, #tpu.memory_space<vmem>>, vector<1x16xf32>,
      %swap3A_686 = arith.constant 8 : i32
      %swap3A_687 = arith.index_cast %swap3A_686 : i32 to index
      %swap3A_688 = arith.constant 0 : index
      %swap3A_689 = tpu.vector_load %arg9[%swap3A_687, %swap3A_688] {strides = array<i32>} : memref<64x16xf32, #tpu.memory_space<vmem>>, vector<1x16xf32>,
      %swap3A_690 = vector.shape_cast %swap3A_689 : vector<1x16xf32> to vector<16xf32>
      %swap3A_691 = vector.shape_cast %get3A_51 : vector<16xf32> to vector<1x16xf32>
      tpu.vector_store %arg9[%swap3A_687, %swap3A_688], %swap3A_691 {strides = array<i32>} : memref<64x16xf32, #tpu.memory_space<vmem>>, vector<1x16xf32>,
      %div3A_692 = arith.divf %exp3A_406, %add3A_576 : vector<16xf32>
      %swap3A_693 = arith.constant 9 : i32
      %swap3A_694 = arith.index_cast %swap3A_693 : i32 to index
      %swap3A_695 = arith.constant 0 : index
      %swap3A_696 = tpu.vector_load %arg8[%swap3A_694, %swap3A_695] {strides = array<i32>} : memref<64x16xf32, #tpu.memory_space<vmem>>, vector<1x16xf32>,
      %swap3A_697 = vector.shape_cast %swap3A_696 : vector<1x16xf32> to vector<16xf32>
      %swap3A_698 = vector.shape_cast %div3A_692 : vector<16xf32> to vector<1x16xf32>
      tpu.vector_store %arg8[%swap3A_694, %swap3A_695], %swap3A_698 {strides = array<i32>} : memref<64x16xf32, #tpu.memory_space<vmem>>, vector<1x16xf32>,
      %swap3A_699 = arith.constant 9 : i32
      %swap3A_700 = arith.index_cast %swap3A_699 : i32 to index
      %swap3A_701 = arith.constant 0 : index
      %swap3A_702 = tpu.vector_load %arg9[%swap3A_700, %swap3A_701] {strides = array<i32>} : memref<64x16xf32, #tpu.memory_space<vmem>>, vector<1x16xf32>,
      %swap3A_703 = vector.shape_cast %swap3A_702 : vector<1x16xf32> to vector<16xf32>
      %swap3A_704 = vector.shape_cast %get3A_56 : vector<16xf32> to vector<1x16xf32>
      tpu.vector_store %arg9[%swap3A_700, %swap3A_701], %swap3A_704 {strides = array<i32>} : memref<64x16xf32, #tpu.memory_space<vmem>>, vector<1x16xf32>,
      %div3A_705 = arith.divf %exp3A_408, %add3A_576 : vector<16xf32>
      %swap3A_706 = arith.constant 10 : i32
      %swap3A_707 = arith.index_cast %swap3A_706 : i32 to index
      %swap3A_708 = arith.constant 0 : index
      %swap3A_709 = tpu.vector_load %arg8[%swap3A_707, %swap3A_708] {strides = array<i32>} : memref<64x16xf32, #tpu.memory_space<vmem>>, vector<1x16xf32>,
      %swap3A_710 = vector.shape_cast %swap3A_709 : vector<1x16xf32> to vector<16xf32>
      %swap3A_711 = vector.shape_cast %div3A_705 : vector<16xf32> to vector<1x16xf32>
      tpu.vector_store %arg8[%swap3A_707, %swap3A_708], %swap3A_711 {strides = array<i32>} : memref<64x16xf32, #tpu.memory_space<vmem>>, vector<1x16xf32>,
      %swap3A_712 = arith.constant 10 : i32
      %swap3A_713 = arith.index_cast %swap3A_712 : i32 to index
      %swap3A_714 = arith.constant 0 : index
      %swap3A_715 = tpu.vector_load %arg9[%swap3A_713, %swap3A_714] {strides = array<i32>} : memref<64x16xf32, #tpu.memory_space<vmem>>, vector<1x16xf32>,
      %swap3A_716 = vector.shape_cast %swap3A_715 : vector<1x16xf32> to vector<16xf32>
      %swap3A_717 = vector.shape_cast %get3A_61 : vector<16xf32> to vector<1x16xf32>
      tpu.vector_store %arg9[%swap3A_713, %swap3A_714], %swap3A_717 {strides = array<i32>} : memref<64x16xf32, #tpu.memory_space<vmem>>, vector<1x16xf32>,
      %div3A_718 = arith.divf %exp3A_410, %add3A_576 : vector<16xf32>
      %swap3A_719 = arith.constant 11 : i32
      %swap3A_720 = arith.index_cast %swap3A_719 : i32 to index
      %swap3A_721 = arith.constant 0 : index
      %swap3A_722 = tpu.vector_load %arg8[%swap3A_720, %swap3A_721] {strides = array<i32>} : memref<64x16xf32, #tpu.memory_space<vmem>>, vector<1x16xf32>,
      %swap3A_723 = vector.shape_cast %swap3A_722 : vector<1x16xf32> to vector<16xf32>
      %swap3A_724 = vector.shape_cast %div3A_718 : vector<16xf32> to vector<1x16xf32>
      tpu.vector_store %arg8[%swap3A_720, %swap3A_721], %swap3A_724 {strides = array<i32>} : memref<64x16xf32, #tpu.memory_space<vmem>>, vector<1x16xf32>,
      %swap3A_725 = arith.constant 11 : i32
      %swap3A_726 = arith.index_cast %swap3A_725 : i32 to index
      %swap3A_727 = arith.constant 0 : index
      %swap3A_728 = tpu.vector_load %arg9[%swap3A_726, %swap3A_727] {strides = array<i32>} : memref<64x16xf32, #tpu.memory_space<vmem>>, vector<1x16xf32>,
      %swap3A_729 = vector.shape_cast %swap3A_728 : vector<1x16xf32> to vector<16xf32>
      %swap3A_730 = vector.shape_cast %get3A_66 : vector<16xf32> to vector<1x16xf32>
      tpu.vector_store %arg9[%swap3A_726, %swap3A_727], %swap3A_730 {strides = array<i32>} : memref<64x16xf32, #tpu.memory_space<vmem>>, vector<1x16xf32>,
      %div3A_731 = arith.divf %exp3A_412, %add3A_576 : vector<16xf32>
      %swap3A_732 = arith.constant 12 : i32
      %swap3A_733 = arith.index_cast %swap3A_732 : i32 to index
      %swap3A_734 = arith.constant 0 : index
      %swap3A_735 = tpu.vector_load %arg8[%swap3A_733, %swap3A_734] {strides = array<i32>} : memref<64x16xf32, #tpu.memory_space<vmem>>, vector<1x16xf32>,
      %swap3A_736 = vector.shape_cast %swap3A_735 : vector<1x16xf32> to vector<16xf32>
      %swap3A_737 = vector.shape_cast %div3A_731 : vector<16xf32> to vector<1x16xf32>
      tpu.vector_store %arg8[%swap3A_733, %swap3A_734], %swap3A_737 {strides = array<i32>} : memref<64x16xf32, #tpu.memory_space<vmem>>, vector<1x16xf32>,
      %swap3A_738 = arith.constant 12 : i32
      %swap3A_739 = arith.index_cast %swap3A_738 : i32 to index
      %swap3A_740 = arith.constant 0 : index
      %swap3A_741 = tpu.vector_load %arg9[%swap3A_739, %swap3A_740] {strides = array<i32>} : memref<64x16xf32, #tpu.memory_space<vmem>>, vector<1x16xf32>,
      %swap3A_742 = vector.shape_cast %swap3A_741 : vector<1x16xf32> to vector<16xf32>
      %swap3A_743 = vector.shape_cast %get3A_71 : vector<16xf32> to vector<1x16xf32>
      tpu.vector_store %arg9[%swap3A_739, %swap3A_740], %swap3A_743 {strides = array<i32>} : memref<64x16xf32, #tpu.memory_space<vmem>>, vector<1x16xf32>,
      %div3A_744 = arith.divf %exp3A_414, %add3A_576 : vector<16xf32>
      %swap3A_745 = arith.constant 13 : i32
      %swap3A_746 = arith.index_cast %swap3A_745 : i32 to index
      %swap3A_747 = arith.constant 0 : index
      %swap3A_748 = tpu.vector_load %arg8[%swap3A_746, %swap3A_747] {strides = array<i32>} : memref<64x16xf32, #tpu.memory_space<vmem>>, vector<1x16xf32>,
      %swap3A_749 = vector.shape_cast %swap3A_748 : vector<1x16xf32> to vector<16xf32>
      %swap3A_750 = vector.shape_cast %div3A_744 : vector<16xf32> to vector<1x16xf32>
      tpu.vector_store %arg8[%swap3A_746, %swap3A_747], %swap3A_750 {strides = array<i32>} : memref<64x16xf32, #tpu.memory_space<vmem>>, vector<1x16xf32>,
      %swap3A_751 = arith.constant 13 : i32
      %swap3A_752 = arith.index_cast %swap3A_751 : i32 to index
      %swap3A_753 = arith.constant 0 : index
      %swap3A_754 = tpu.vector_load %arg9[%swap3A_752, %swap3A_753] {strides = array<i32>} : memref<64x16xf32, #tpu.memory_space<vmem>>, vector<1x16xf32>,
      %swap3A_755 = vector.shape_cast %swap3A_754 : vector<1x16xf32> to vector<16xf32>
      %swap3A_756 = vector.shape_cast %get3A_76 : vector<16xf32> to vector<1x16xf32>
      tpu.vector_store %arg9[%swap3A_752, %swap3A_753], %swap3A_756 {strides = array<i32>} : memref<64x16xf32, #tpu.memory_space<vmem>>, vector<1x16xf32>,
      %div3A_757 = arith.divf %exp3A_416, %add3A_576 : vector<16xf32>
      %swap3A_758 = arith.constant 14 : i32
      %swap3A_759 = arith.index_cast %swap3A_758 : i32 to index
      %swap3A_760 = arith.constant 0 : index
      %swap3A_761 = tpu.vector_load %arg8[%swap3A_759, %swap3A_760] {strides = array<i32>} : memref<64x16xf32, #tpu.memory_space<vmem>>, vector<1x16xf32>,
      %swap3A_762 = vector.shape_cast %swap3A_761 : vector<1x16xf32> to vector<16xf32>
      %swap3A_763 = vector.shape_cast %div3A_757 : vector<16xf32> to vector<1x16xf32>
      tpu.vector_store %arg8[%swap3A_759, %swap3A_760], %swap3A_763 {strides = array<i32>} : memref<64x16xf32, #tpu.memory_space<vmem>>, vector<1x16xf32>,
      %swap3A_764 = arith.constant 14 : i32
      %swap3A_765 = arith.index_cast %swap3A_764 : i32 to index
      %swap3A_766 = arith.constant 0 : index
      %swap3A_767 = tpu.vector_load %arg9[%swap3A_765, %swap3A_766] {strides = array<i32>} : memref<64x16xf32, #tpu.memory_space<vmem>>, vector<1x16xf32>,
      %swap3A_768 = vector.shape_cast %swap3A_767 : vector<1x16xf32> to vector<16xf32>
      %swap3A_769 = vector.shape_cast %get3A_81 : vector<16xf32> to vector<1x16xf32>
      tpu.vector_store %arg9[%swap3A_765, %swap3A_766], %swap3A_769 {strides = array<i32>} : memref<64x16xf32, #tpu.memory_space<vmem>>, vector<1x16xf32>,
      %div3A_770 = arith.divf %exp3A_418, %add3A_576 : vector<16xf32>
      %swap3A_771 = arith.constant 15 : i32
      %swap3A_772 = arith.index_cast %swap3A_771 : i32 to index
      %swap3A_773 = arith.constant 0 : index
      %swap3A_774 = tpu.vector_load %arg8[%swap3A_772, %swap3A_773] {strides = array<i32>} : memref<64x16xf32, #tpu.memory_space<vmem>>, vector<1x16xf32>,
      %swap3A_775 = vector.shape_cast %swap3A_774 : vector<1x16xf32> to vector<16xf32>
      %swap3A_776 = vector.shape_cast %div3A_770 : vector<16xf32> to vector<1x16xf32>
      tpu.vector_store %arg8[%swap3A_772, %swap3A_773], %swap3A_776 {strides = array<i32>} : memref<64x16xf32, #tpu.memory_space<vmem>>, vector<1x16xf32>,
      %swap3A_777 = arith.constant 15 : i32
      %swap3A_778 = arith.index_cast %swap3A_777 : i32 to index
      %swap3A_779 = arith.constant 0 : index
      %swap3A_780 = tpu.vector_load %arg9[%swap3A_778, %swap3A_779] {strides = array<i32>} : memref<64x16xf32, #tpu.memory_space<vmem>>, vector<1x16xf32>,
      %swap3A_781 = vector.shape_cast %swap3A_780 : vector<1x16xf32> to vector<16xf32>
      %swap3A_782 = vector.shape_cast %get3A_86 : vector<16xf32> to vector<1x16xf32>
      tpu.vector_store %arg9[%swap3A_778, %swap3A_779], %swap3A_782 {strides = array<i32>} : memref<64x16xf32, #tpu.memory_space<vmem>>, vector<1x16xf32>,
      %div3A_783 = arith.divf %exp3A_420, %add3A_576 : vector<16xf32>
      %swap3A_784 = arith.constant 16 : i32
      %swap3A_785 = arith.index_cast %swap3A_784 : i32 to index
      %swap3A_786 = arith.constant 0 : index
      %swap3A_787 = tpu.vector_load %arg8[%swap3A_785, %swap3A_786] {strides = array<i32>} : memref<64x16xf32, #tpu.memory_space<vmem>>, vector<1x16xf32>,
      %swap3A_788 = vector.shape_cast %swap3A_787 : vector<1x16xf32> to vector<16xf32>
      %swap3A_789 = vector.shape_cast %div3A_783 : vector<16xf32> to vector<1x16xf32>
      tpu.vector_store %arg8[%swap3A_785, %swap3A_786], %swap3A_789 {strides = array<i32>} : memref<64x16xf32, #tpu.memory_space<vmem>>, vector<1x16xf32>,
      %swap3A_790 = arith.constant 16 : i32
      %swap3A_791 = arith.index_cast %swap3A_790 : i32 to index
      %swap3A_792 = arith.constant 0 : index
      %swap3A_793 = tpu.vector_load %arg9[%swap3A_791, %swap3A_792] {strides = array<i32>} : memref<64x16xf32, #tpu.memory_space<vmem>>, vector<1x16xf32>,
      %swap3A_794 = vector.shape_cast %swap3A_793 : vector<1x16xf32> to vector<16xf32>
      %swap3A_795 = vector.shape_cast %get3A_91 : vector<16xf32> to vector<1x16xf32>
      tpu.vector_store %arg9[%swap3A_791, %swap3A_792], %swap3A_795 {strides = array<i32>} : memref<64x16xf32, #tpu.memory_space<vmem>>, vector<1x16xf32>,
      %div3A_796 = arith.divf %exp3A_422, %add3A_576 : vector<16xf32>
      %swap3A_797 = arith.constant 17 : i32
      %swap3A_798 = arith.index_cast %swap3A_797 : i32 to index
      %swap3A_799 = arith.constant 0 : index
      %swap3A_800 = tpu.vector_load %arg8[%swap3A_798, %swap3A_799] {strides = array<i32>} : memref<64x16xf32, #tpu.memory_space<vmem>>, vector<1x16xf32>,
      %swap3A_801 = vector.shape_cast %swap3A_800 : vector<1x16xf32> to vector<16xf32>
      %swap3A_802 = vector.shape_cast %div3A_796 : vector<16xf32> to vector<1x16xf32>
      tpu.vector_store %arg8[%swap3A_798, %swap3A_799], %swap3A_802 {strides = array<i32>} : memref<64x16xf32, #tpu.memory_space<vmem>>, vector<1x16xf32>,
      %swap3A_803 = arith.constant 17 : i32
      %swap3A_804 = arith.index_cast %swap3A_803 : i32 to index
      %swap3A_805 = arith.constant 0 : index
      %swap3A_806 = tpu.vector_load %arg9[%swap3A_804, %swap3A_805] {strides = array<i32>} : memref<64x16xf32, #tpu.memory_space<vmem>>, vector<1x16xf32>,
      %swap3A_807 = vector.shape_cast %swap3A_806 : vector<1x16xf32> to vector<16xf32>
      %swap3A_808 = vector.shape_cast %get3A_96 : vector<16xf32> to vector<1x16xf32>
      tpu.vector_store %arg9[%swap3A_804, %swap3A_805], %swap3A_808 {strides = array<i32>} : memref<64x16xf32, #tpu.memory_space<vmem>>, vector<1x16xf32>,
      %div3A_809 = arith.divf %exp3A_424, %add3A_576 : vector<16xf32>
      %swap3A_810 = arith.constant 18 : i32
      %swap3A_811 = arith.index_cast %swap3A_810 : i32 to index
      %swap3A_812 = arith.constant 0 : index
      %swap3A_813 = tpu.vector_load %arg8[%swap3A_811, %swap3A_812] {strides = array<i32>} : memref<64x16xf32, #tpu.memory_space<vmem>>, vector<1x16xf32>,
      %swap3A_814 = vector.shape_cast %swap3A_813 : vector<1x16xf32> to vector<16xf32>
      %swap3A_815 = vector.shape_cast %div3A_809 : vector<16xf32> to vector<1x16xf32>
      tpu.vector_store %arg8[%swap3A_811, %swap3A_812], %swap3A_815 {strides = array<i32>} : memref<64x16xf32, #tpu.memory_space<vmem>>, vector<1x16xf32>,
      %swap3A_816 = arith.constant 18 : i32
      %swap3A_817 = arith.index_cast %swap3A_816 : i32 to index
      %swap3A_818 = arith.constant 0 : index
      %swap3A_819 = tpu.vector_load %arg9[%swap3A_817, %swap3A_818] {strides = array<i32>} : memref<64x16xf32, #tpu.memory_space<vmem>>, vector<1x16xf32>,
      %swap3A_820 = vector.shape_cast %swap3A_819 : vector<1x16xf32> to vector<16xf32>
      %swap3A_821 = vector.shape_cast %get3A_101 : vector<16xf32> to vector<1x16xf32>
      tpu.vector_store %arg9[%swap3A_817, %swap3A_818], %swap3A_821 {strides = array<i32>} : memref<64x16xf32, #tpu.memory_space<vmem>>, vector<1x16xf32>,
      %div3A_822 = arith.divf %exp3A_426, %add3A_576 : vector<16xf32>
      %swap3A_823 = arith.constant 19 : i32
      %swap3A_824 = arith.index_cast %swap3A_823 : i32 to index
      %swap3A_825 = arith.constant 0 : index
      %swap3A_826 = tpu.vector_load %arg8[%swap3A_824, %swap3A_825] {strides = array<i32>} : memref<64x16xf32, #tpu.memory_space<vmem>>, vector<1x16xf32>,
      %swap3A_827 = vector.shape_cast %swap3A_826 : vector<1x16xf32> to vector<16xf32>
      %swap3A_828 = vector.shape_cast %div3A_822 : vector<16xf32> to vector<1x16xf32>
      tpu.vector_store %arg8[%swap3A_824, %swap3A_825], %swap3A_828 {strides = array<i32>} : memref<64x16xf32, #tpu.memory_space<vmem>>, vector<1x16xf32>,
      %swap3A_829 = arith.constant 19 : i32
      %swap3A_830 = arith.index_cast %swap3A_829 : i32 to index
      %swap3A_831 = arith.constant 0 : index
      %swap3A_832 = tpu.vector_load %arg9[%swap3A_830, %swap3A_831] {strides = array<i32>} : memref<64x16xf32, #tpu.memory_space<vmem>>, vector<1x16xf32>,
      %swap3A_833 = vector.shape_cast %swap3A_832 : vector<1x16xf32> to vector<16xf32>
      %swap3A_834 = vector.shape_cast %get3A_106 : vector<16xf32> to vector<1x16xf32>
      tpu.vector_store %arg9[%swap3A_830, %swap3A_831], %swap3A_834 {strides = array<i32>} : memref<64x16xf32, #tpu.memory_space<vmem>>, vector<1x16xf32>,
      %div3A_835 = arith.divf %exp3A_428, %add3A_576 : vector<16xf32>
      %swap3A_836 = arith.constant 20 : i32
      %swap3A_837 = arith.index_cast %swap3A_836 : i32 to index
      %swap3A_838 = arith.constant 0 : index
      %swap3A_839 = tpu.vector_load %arg8[%swap3A_837, %swap3A_838] {strides = array<i32>} : memref<64x16xf32, #tpu.memory_space<vmem>>, vector<1x16xf32>,
      %swap3A_840 = vector.shape_cast %swap3A_839 : vector<1x16xf32> to vector<16xf32>
      %swap3A_841 = vector.shape_cast %div3A_835 : vector<16xf32> to vector<1x16xf32>
      tpu.vector_store %arg8[%swap3A_837, %swap3A_838], %swap3A_841 {strides = array<i32>} : memref<64x16xf32, #tpu.memory_space<vmem>>, vector<1x16xf32>,
      %swap3A_842 = arith.constant 20 : i32
      %swap3A_843 = arith.index_cast %swap3A_842 : i32 to index
      %swap3A_844 = arith.constant 0 : index
      %swap3A_845 = tpu.vector_load %arg9[%swap3A_843, %swap3A_844] {strides = array<i32>} : memref<64x16xf32, #tpu.memory_space<vmem>>, vector<1x16xf32>,
      %swap3A_846 = vector.shape_cast %swap3A_845 : vector<1x16xf32> to vector<16xf32>
      %swap3A_847 = vector.shape_cast %get3A_111 : vector<16xf32> to vector<1x16xf32>
      tpu.vector_store %arg9[%swap3A_843, %swap3A_844], %swap3A_847 {strides = array<i32>} : memref<64x16xf32, #tpu.memory_space<vmem>>, vector<1x16xf32>,
      %div3A_848 = arith.divf %exp3A_430, %add3A_576 : vector<16xf32>
      %swap3A_849 = arith.constant 21 : i32
      %swap3A_850 = arith.index_cast %swap3A_849 : i32 to index
      %swap3A_851 = arith.constant 0 : index
      %swap3A_852 = tpu.vector_load %arg8[%swap3A_850, %swap3A_851] {strides = array<i32>} : memref<64x16xf32, #tpu.memory_space<vmem>>, vector<1x16xf32>,
      %swap3A_853 = vector.shape_cast %swap3A_852 : vector<1x16xf32> to vector<16xf32>
      %swap3A_854 = vector.shape_cast %div3A_848 : vector<16xf32> to vector<1x16xf32>
      tpu.vector_store %arg8[%swap3A_850, %swap3A_851], %swap3A_854 {strides = array<i32>} : memref<64x16xf32, #tpu.memory_space<vmem>>, vector<1x16xf32>,
      %swap3A_855 = arith.constant 21 : i32
      %swap3A_856 = arith.index_cast %swap3A_855 : i32 to index
      %swap3A_857 = arith.constant 0 : index
      %swap3A_858 = tpu.vector_load %arg9[%swap3A_856, %swap3A_857] {strides = array<i32>} : memref<64x16xf32, #tpu.memory_space<vmem>>, vector<1x16xf32>,
      %swap3A_859 = vector.shape_cast %swap3A_858 : vector<1x16xf32> to vector<16xf32>
      %swap3A_860 = vector.shape_cast %get3A_116 : vector<16xf32> to vector<1x16xf32>
      tpu.vector_store %arg9[%swap3A_856, %swap3A_857], %swap3A_860 {strides = array<i32>} : memref<64x16xf32, #tpu.memory_space<vmem>>, vector<1x16xf32>,
      %div3A_861 = arith.divf %exp3A_432, %add3A_576 : vector<16xf32>
      %swap3A_862 = arith.constant 22 : i32
      %swap3A_863 = arith.index_cast %swap3A_862 : i32 to index
      %swap3A_864 = arith.constant 0 : index
      %swap3A_865 = tpu.vector_load %arg8[%swap3A_863, %swap3A_864] {strides = array<i32>} : memref<64x16xf32, #tpu.memory_space<vmem>>, vector<1x16xf32>,
      %swap3A_866 = vector.shape_cast %swap3A_865 : vector<1x16xf32> to vector<16xf32>
      %swap3A_867 = vector.shape_cast %div3A_861 : vector<16xf32> to vector<1x16xf32>
      tpu.vector_store %arg8[%swap3A_863, %swap3A_864], %swap3A_867 {strides = array<i32>} : memref<64x16xf32, #tpu.memory_space<vmem>>, vector<1x16xf32>,
      %swap3A_868 = arith.constant 22 : i32
      %swap3A_869 = arith.index_cast %swap3A_868 : i32 to index
      %swap3A_870 = arith.constant 0 : index
      %swap3A_871 = tpu.vector_load %arg9[%swap3A_869, %swap3A_870] {strides = array<i32>} : memref<64x16xf32, #tpu.memory_space<vmem>>, vector<1x16xf32>,
      %swap3A_872 = vector.shape_cast %swap3A_871 : vector<1x16xf32> to vector<16xf32>
      %swap3A_873 = vector.shape_cast %get3A_121 : vector<16xf32> to vector<1x16xf32>
      tpu.vector_store %arg9[%swap3A_869, %swap3A_870], %swap3A_873 {strides = array<i32>} : memref<64x16xf32, #tpu.memory_space<vmem>>, vector<1x16xf32>,
      %div3A_874 = arith.divf %exp3A_434, %add3A_576 : vector<16xf32>
      %swap3A_875 = arith.constant 23 : i32
      %swap3A_876 = arith.index_cast %swap3A_875 : i32 to index
      %swap3A_877 = arith.constant 0 : index
      %swap3A_878 = tpu.vector_load %arg8[%swap3A_876, %swap3A_877] {strides = array<i32>} : memref<64x16xf32, #tpu.memory_space<vmem>>, vector<1x16xf32>,
      %swap3A_879 = vector.shape_cast %swap3A_878 : vector<1x16xf32> to vector<16xf32>
      %swap3A_880 = vector.shape_cast %div3A_874 : vector<16xf32> to vector<1x16xf32>
      tpu.vector_store %arg8[%swap3A_876, %swap3A_877], %swap3A_880 {strides = array<i32>} : memref<64x16xf32, #tpu.memory_space<vmem>>, vector<1x16xf32>,
      %swap3A_881 = arith.constant 23 : i32
      %swap3A_882 = arith.index_cast %swap3A_881 : i32 to index
      %swap3A_883 = arith.constant 0 : index
      %swap3A_884 = tpu.vector_load %arg9[%swap3A_882, %swap3A_883] {strides = array<i32>} : memref<64x16xf32, #tpu.memory_space<vmem>>, vector<1x16xf32>,
      %swap3A_885 = vector.shape_cast %swap3A_884 : vector<1x16xf32> to vector<16xf32>
      %swap3A_886 = vector.shape_cast %get3A_126 : vector<16xf32> to vector<1x16xf32>
      tpu.vector_store %arg9[%swap3A_882, %swap3A_883], %swap3A_886 {strides = array<i32>} : memref<64x16xf32, #tpu.memory_space<vmem>>, vector<1x16xf32>,
      %div3A_887 = arith.divf %exp3A_436, %add3A_576 : vector<16xf32>
      %swap3A_888 = arith.constant 24 : i32
      %swap3A_889 = arith.index_cast %swap3A_888 : i32 to index
      %swap3A_890 = arith.constant 0 : index
      %swap3A_891 = tpu.vector_load %arg8[%swap3A_889, %swap3A_890] {strides = array<i32>} : memref<64x16xf32, #tpu.memory_space<vmem>>, vector<1x16xf32>,
      %swap3A_892 = vector.shape_cast %swap3A_891 : vector<1x16xf32> to vector<16xf32>
      %swap3A_893 = vector.shape_cast %div3A_887 : vector<16xf32> to vector<1x16xf32>
      tpu.vector_store %arg8[%swap3A_889, %swap3A_890], %swap3A_893 {strides = array<i32>} : memref<64x16xf32, #tpu.memory_space<vmem>>, vector<1x16xf32>,
      %swap3A_894 = arith.constant 24 : i32
      %swap3A_895 = arith.index_cast %swap3A_894 : i32 to index
      %swap3A_896 = arith.constant 0 : index
      %swap3A_897 = tpu.vector_load %arg9[%swap3A_895, %swap3A_896] {strides = array<i32>} : memref<64x16xf32, #tpu.memory_space<vmem>>, vector<1x16xf32>,
      %swap3A_898 = vector.shape_cast %swap3A_897 : vector<1x16xf32> to vector<16xf32>
      %swap3A_899 = vector.shape_cast %get3A_131 : vector<16xf32> to vector<1x16xf32>
      tpu.vector_store %arg9[%swap3A_895, %swap3A_896], %swap3A_899 {strides = array<i32>} : memref<64x16xf32, #tpu.memory_space<vmem>>, vector<1x16xf32>,
      %div3A_900 = arith.divf %exp3A_438, %add3A_576 : vector<16xf32>
      %swap3A_901 = arith.constant 25 : i32
      %swap3A_902 = arith.index_cast %swap3A_901 : i32 to index
      %swap3A_903 = arith.constant 0 : index
      %swap3A_904 = tpu.vector_load %arg8[%swap3A_902, %swap3A_903] {strides = array<i32>} : memref<64x16xf32, #tpu.memory_space<vmem>>, vector<1x16xf32>,
      %swap3A_905 = vector.shape_cast %swap3A_904 : vector<1x16xf32> to vector<16xf32>
      %swap3A_906 = vector.shape_cast %div3A_900 : vector<16xf32> to vector<1x16xf32>
      tpu.vector_store %arg8[%swap3A_902, %swap3A_903], %swap3A_906 {strides = array<i32>} : memref<64x16xf32, #tpu.memory_space<vmem>>, vector<1x16xf32>,
      %swap3A_907 = arith.constant 25 : i32
      %swap3A_908 = arith.index_cast %swap3A_907 : i32 to index
      %swap3A_909 = arith.constant 0 : index
      %swap3A_910 = tpu.vector_load %arg9[%swap3A_908, %swap3A_909] {strides = array<i32>} : memref<64x16xf32, #tpu.memory_space<vmem>>, vector<1x16xf32>,
      %swap3A_911 = vector.shape_cast %swap3A_910 : vector<1x16xf32> to vector<16xf32>
      %swap3A_912 = vector.shape_cast %get3A_136 : vector<16xf32> to vector<1x16xf32>
      tpu.vector_store %arg9[%swap3A_908, %swap3A_909], %swap3A_912 {strides = array<i32>} : memref<64x16xf32, #tpu.memory_space<vmem>>, vector<1x16xf32>,
      %div3A_913 = arith.divf %exp3A_440, %add3A_576 : vector<16xf32>
      %swap3A_914 = arith.constant 26 : i32
      %swap3A_915 = arith.index_cast %swap3A_914 : i32 to index
      %swap3A_916 = arith.constant 0 : index
      %swap3A_917 = tpu.vector_load %arg8[%swap3A_915, %swap3A_916] {strides = array<i32>} : memref<64x16xf32, #tpu.memory_space<vmem>>, vector<1x16xf32>,
      %swap3A_918 = vector.shape_cast %swap3A_917 : vector<1x16xf32> to vector<16xf32>
      %swap3A_919 = vector.shape_cast %div3A_913 : vector<16xf32> to vector<1x16xf32>
      tpu.vector_store %arg8[%swap3A_915, %swap3A_916], %swap3A_919 {strides = array<i32>} : memref<64x16xf32, #tpu.memory_space<vmem>>, vector<1x16xf32>,
      %swap3A_920 = arith.constant 26 : i32
      %swap3A_921 = arith.index_cast %swap3A_920 : i32 to index
      %swap3A_922 = arith.constant 0 : index
      %swap3A_923 = tpu.vector_load %arg9[%swap3A_921, %swap3A_922] {strides = array<i32>} : memref<64x16xf32, #tpu.memory_space<vmem>>, vector<1x16xf32>,
      %swap3A_924 = vector.shape_cast %swap3A_923 : vector<1x16xf32> to vector<16xf32>
      %swap3A_925 = vector.shape_cast %get3A_141 : vector<16xf32> to vector<1x16xf32>
      tpu.vector_store %arg9[%swap3A_921, %swap3A_922], %swap3A_925 {strides = array<i32>} : memref<64x16xf32, #tpu.memory_space<vmem>>, vector<1x16xf32>,
      %div3A_926 = arith.divf %exp3A_442, %add3A_576 : vector<16xf32>
      %swap3A_927 = arith.constant 27 : i32
      %swap3A_928 = arith.index_cast %swap3A_927 : i32 to index
      %swap3A_929 = arith.constant 0 : index
      %swap3A_930 = tpu.vector_load %arg8[%swap3A_928, %swap3A_929] {strides = array<i32>} : memref<64x16xf32, #tpu.memory_space<vmem>>, vector<1x16xf32>,
      %swap3A_931 = vector.shape_cast %swap3A_930 : vector<1x16xf32> to vector<16xf32>
      %swap3A_932 = vector.shape_cast %div3A_926 : vector<16xf32> to vector<1x16xf32>
      tpu.vector_store %arg8[%swap3A_928, %swap3A_929], %swap3A_932 {strides = array<i32>} : memref<64x16xf32, #tpu.memory_space<vmem>>, vector<1x16xf32>,
      %swap3A_933 = arith.constant 27 : i32
      %swap3A_934 = arith.index_cast %swap3A_933 : i32 to index
      %swap3A_935 = arith.constant 0 : index
      %swap3A_936 = tpu.vector_load %arg9[%swap3A_934, %swap3A_935] {strides = array<i32>} : memref<64x16xf32, #tpu.memory_space<vmem>>, vector<1x16xf32>,
      %swap3A_937 = vector.shape_cast %swap3A_936 : vector<1x16xf32> to vector<16xf32>
      %swap3A_938 = vector.shape_cast %get3A_146 : vector<16xf32> to vector<1x16xf32>
      tpu.vector_store %arg9[%swap3A_934, %swap3A_935], %swap3A_938 {strides = array<i32>} : memref<64x16xf32, #tpu.memory_space<vmem>>, vector<1x16xf32>,
      %div3A_939 = arith.divf %exp3A_444, %add3A_576 : vector<16xf32>
      %swap3A_940 = arith.constant 28 : i32
      %swap3A_941 = arith.index_cast %swap3A_940 : i32 to index
      %swap3A_942 = arith.constant 0 : index
      %swap3A_943 = tpu.vector_load %arg8[%swap3A_941, %swap3A_942] {strides = array<i32>} : memref<64x16xf32, #tpu.memory_space<vmem>>, vector<1x16xf32>,
      %swap3A_944 = vector.shape_cast %swap3A_943 : vector<1x16xf32> to vector<16xf32>
      %swap3A_945 = vector.shape_cast %div3A_939 : vector<16xf32> to vector<1x16xf32>
      tpu.vector_store %arg8[%swap3A_941, %swap3A_942], %swap3A_945 {strides = array<i32>} : memref<64x16xf32, #tpu.memory_space<vmem>>, vector<1x16xf32>,
      %swap3A_946 = arith.constant 28 : i32
      %swap3A_947 = arith.index_cast %swap3A_946 : i32 to index
      %swap3A_948 = arith.constant 0 : index
      %swap3A_949 = tpu.vector_load %arg9[%swap3A_947, %swap3A_948] {strides = array<i32>} : memref<64x16xf32, #tpu.memory_space<vmem>>, vector<1x16xf32>,
      %swap3A_950 = vector.shape_cast %swap3A_949 : vector<1x16xf32> to vector<16xf32>
      %swap3A_951 = vector.shape_cast %get3A_151 : vector<16xf32> to vector<1x16xf32>
      tpu.vector_store %arg9[%swap3A_947, %swap3A_948], %swap3A_951 {strides = array<i32>} : memref<64x16xf32, #tpu.memory_space<vmem>>, vector<1x16xf32>,
      %div3A_952 = arith.divf %exp3A_446, %add3A_576 : vector<16xf32>
      %swap3A_953 = arith.constant 29 : i32
      %swap3A_954 = arith.index_cast %swap3A_953 : i32 to index
      %swap3A_955 = arith.constant 0 : index
      %swap3A_956 = tpu.vector_load %arg8[%swap3A_954, %swap3A_955] {strides = array<i32>} : memref<64x16xf32, #tpu.memory_space<vmem>>, vector<1x16xf32>,
      %swap3A_957 = vector.shape_cast %swap3A_956 : vector<1x16xf32> to vector<16xf32>
      %swap3A_958 = vector.shape_cast %div3A_952 : vector<16xf32> to vector<1x16xf32>
      tpu.vector_store %arg8[%swap3A_954, %swap3A_955], %swap3A_958 {strides = array<i32>} : memref<64x16xf32, #tpu.memory_space<vmem>>, vector<1x16xf32>,
      %swap3A_959 = arith.constant 29 : i32
      %swap3A_960 = arith.index_cast %swap3A_959 : i32 to index
      %swap3A_961 = arith.constant 0 : index
      %swap3A_962 = tpu.vector_load %arg9[%swap3A_960, %swap3A_961] {strides = array<i32>} : memref<64x16xf32, #tpu.memory_space<vmem>>, vector<1x16xf32>,
      %swap3A_963 = vector.shape_cast %swap3A_962 : vector<1x16xf32> to vector<16xf32>
      %swap3A_964 = vector.shape_cast %get3A_156 : vector<16xf32> to vector<1x16xf32>
      tpu.vector_store %arg9[%swap3A_960, %swap3A_961], %swap3A_964 {strides = array<i32>} : memref<64x16xf32, #tpu.memory_space<vmem>>, vector<1x16xf32>,
      %div3A_965 = arith.divf %exp3A_448, %add3A_576 : vector<16xf32>
      %swap3A_966 = arith.constant 30 : i32
      %swap3A_967 = arith.index_cast %swap3A_966 : i32 to index
      %swap3A_968 = arith.constant 0 : index
      %swap3A_969 = tpu.vector_load %arg8[%swap3A_967, %swap3A_968] {strides = array<i32>} : memref<64x16xf32, #tpu.memory_space<vmem>>, vector<1x16xf32>,
      %swap3A_970 = vector.shape_cast %swap3A_969 : vector<1x16xf32> to vector<16xf32>
      %swap3A_971 = vector.shape_cast %div3A_965 : vector<16xf32> to vector<1x16xf32>
      tpu.vector_store %arg8[%swap3A_967, %swap3A_968], %swap3A_971 {strides = array<i32>} : memref<64x16xf32, #tpu.memory_space<vmem>>, vector<1x16xf32>,
      %swap3A_972 = arith.constant 30 : i32
      %swap3A_973 = arith.index_cast %swap3A_972 : i32 to index
      %swap3A_974 = arith.constant 0 : index
      %swap3A_975 = tpu.vector_load %arg9[%swap3A_973, %swap3A_974] {strides = array<i32>} : memref<64x16xf32, #tpu.memory_space<vmem>>, vector<1x16xf32>,
      %swap3A_976 = vector.shape_cast %swap3A_975 : vector<1x16xf32> to vector<16xf32>
      %swap3A_977 = vector.shape_cast %get3A_161 : vector<16xf32> to vector<1x16xf32>
      tpu.vector_store %arg9[%swap3A_973, %swap3A_974], %swap3A_977 {strides = array<i32>} : memref<64x16xf32, #tpu.memory_space<vmem>>, vector<1x16xf32>,
      %div3A_978 = arith.divf %exp3A_450, %add3A_576 : vector<16xf32>
      %swap3A_979 = arith.constant 31 : i32
      %swap3A_980 = arith.index_cast %swap3A_979 : i32 to index
      %swap3A_981 = arith.constant 0 : index
      %swap3A_982 = tpu.vector_load %arg8[%swap3A_980, %swap3A_981] {strides = array<i32>} : memref<64x16xf32, #tpu.memory_space<vmem>>, vector<1x16xf32>,
      %swap3A_983 = vector.shape_cast %swap3A_982 : vector<1x16xf32> to vector<16xf32>
      %swap3A_984 = vector.shape_cast %div3A_978 : vector<16xf32> to vector<1x16xf32>
      tpu.vector_store %arg8[%swap3A_980, %swap3A_981], %swap3A_984 {strides = array<i32>} : memref<64x16xf32, #tpu.memory_space<vmem>>, vector<1x16xf32>,
      %swap3A_985 = arith.constant 31 : i32
      %swap3A_986 = arith.index_cast %swap3A_985 : i32 to index
      %swap3A_987 = arith.constant 0 : index
      %swap3A_988 = tpu.vector_load %arg9[%swap3A_986, %swap3A_987] {strides = array<i32>} : memref<64x16xf32, #tpu.memory_space<vmem>>, vector<1x16xf32>,
      %swap3A_989 = vector.shape_cast %swap3A_988 : vector<1x16xf32> to vector<16xf32>
      %swap3A_990 = vector.shape_cast %get3A_166 : vector<16xf32> to vector<1x16xf32>
      tpu.vector_store %arg9[%swap3A_986, %swap3A_987], %swap3A_990 {strides = array<i32>} : memref<64x16xf32, #tpu.memory_space<vmem>>, vector<1x16xf32>,
      %div3A_991 = arith.divf %exp3A_452, %add3A_576 : vector<16xf32>
      %swap3A_992 = arith.constant 32 : i32
      %swap3A_993 = arith.index_cast %swap3A_992 : i32 to index
      %swap3A_994 = arith.constant 0 : index
      %swap3A_995 = tpu.vector_load %arg8[%swap3A_993, %swap3A_994] {strides = array<i32>} : memref<64x16xf32, #tpu.memory_space<vmem>>, vector<1x16xf32>,
      %swap3A_996 = vector.shape_cast %swap3A_995 : vector<1x16xf32> to vector<16xf32>
      %swap3A_997 = vector.shape_cast %div3A_991 : vector<16xf32> to vector<1x16xf32>
      tpu.vector_store %arg8[%swap3A_993, %swap3A_994], %swap3A_997 {strides = array<i32>} : memref<64x16xf32, #tpu.memory_space<vmem>>, vector<1x16xf32>,
      %swap3A_998 = arith.constant 32 : i32
      %swap3A_999 = arith.index_cast %swap3A_998 : i32 to index
      %swap3A_1000 = arith.constant 0 : index
      %swap3A_1001 = tpu.vector_load %arg9[%swap3A_999, %swap3A_1000] {strides = array<i32>} : memref<64x16xf32, #tpu.memory_space<vmem>>, vector<1x16xf32>,
      %swap3A_1002 = vector.shape_cast %swap3A_1001 : vector<1x16xf32> to vector<16xf32>
      %swap3A_1003 = vector.shape_cast %get3A_171 : vector<16xf32> to vector<1x16xf32>
      tpu.vector_store %arg9[%swap3A_999, %swap3A_1000], %swap3A_1003 {strides = array<i32>} : memref<64x16xf32, #tpu.memory_space<vmem>>, vector<1x16xf32>,
      %div3A_1004 = arith.divf %exp3A_454, %add3A_576 : vector<16xf32>
      %swap3A_1005 = arith.constant 33 : i32
      %swap3A_1006 = arith.index_cast %swap3A_1005 : i32 to index
      %swap3A_1007 = arith.constant 0 : index
      %swap3A_1008 = tpu.vector_load %arg8[%swap3A_1006, %swap3A_1007] {strides = array<i32>} : memref<64x16xf32, #tpu.memory_space<vmem>>, vector<1x16xf32>,
      %swap3A_1009 = vector.shape_cast %swap3A_1008 : vector<1x16xf32> to vector<16xf32>
      %swap3A_1010 = vector.shape_cast %div3A_1004 : vector<16xf32> to vector<1x16xf32>
      tpu.vector_store %arg8[%swap3A_1006, %swap3A_1007], %swap3A_1010 {strides = array<i32>} : memref<64x16xf32, #tpu.memory_space<vmem>>, vector<1x16xf32>,
      %swap3A_1011 = arith.constant 33 : i32
      %swap3A_1012 = arith.index_cast %swap3A_1011 : i32 to index
      %swap3A_1013 = arith.constant 0 : index
      %swap3A_1014 = tpu.vector_load %arg9[%swap3A_1012, %swap3A_1013] {strides = array<i32>} : memref<64x16xf32, #tpu.memory_space<vmem>>, vector<1x16xf32>,
      %swap3A_1015 = vector.shape_cast %swap3A_1014 : vector<1x16xf32> to vector<16xf32>
      %swap3A_1016 = vector.shape_cast %get3A_176 : vector<16xf32> to vector<1x16xf32>
      tpu.vector_store %arg9[%swap3A_1012, %swap3A_1013], %swap3A_1016 {strides = array<i32>} : memref<64x16xf32, #tpu.memory_space<vmem>>, vector<1x16xf32>,
      %div3A_1017 = arith.divf %exp3A_456, %add3A_576 : vector<16xf32>
      %swap3A_1018 = arith.constant 34 : i32
      %swap3A_1019 = arith.index_cast %swap3A_1018 : i32 to index
      %swap3A_1020 = arith.constant 0 : index
      %swap3A_1021 = tpu.vector_load %arg8[%swap3A_1019, %swap3A_1020] {strides = array<i32>} : memref<64x16xf32, #tpu.memory_space<vmem>>, vector<1x16xf32>,
      %swap3A_1022 = vector.shape_cast %swap3A_1021 : vector<1x16xf32> to vector<16xf32>
      %swap3A_1023 = vector.shape_cast %div3A_1017 : vector<16xf32> to vector<1x16xf32>
      tpu.vector_store %arg8[%swap3A_1019, %swap3A_1020], %swap3A_1023 {strides = array<i32>} : memref<64x16xf32, #tpu.memory_space<vmem>>, vector<1x16xf32>,
      %swap3A_1024 = arith.constant 34 : i32
      %swap3A_1025 = arith.index_cast %swap3A_1024 : i32 to index
      %swap3A_1026 = arith.constant 0 : index
      %swap3A_1027 = tpu.vector_load %arg9[%swap3A_1025, %swap3A_1026] {strides = array<i32>} : memref<64x16xf32, #tpu.memory_space<vmem>>, vector<1x16xf32>,
      %swap3A_1028 = vector.shape_cast %swap3A_1027 : vector<1x16xf32> to vector<16xf32>
      %swap3A_1029 = vector.shape_cast %get3A_181 : vector<16xf32> to vector<1x16xf32>
      tpu.vector_store %arg9[%swap3A_1025, %swap3A_1026], %swap3A_1029 {strides = array<i32>} : memref<64x16xf32, #tpu.memory_space<vmem>>, vector<1x16xf32>,
      %div3A_1030 = arith.divf %exp3A_458, %add3A_576 : vector<16xf32>
      %swap3A_1031 = arith.constant 35 : i32
      %swap3A_1032 = arith.index_cast %swap3A_1031 : i32 to index
      %swap3A_1033 = arith.constant 0 : index
      %swap3A_1034 = tpu.vector_load %arg8[%swap3A_1032, %swap3A_1033] {strides = array<i32>} : memref<64x16xf32, #tpu.memory_space<vmem>>, vector<1x16xf32>,
      %swap3A_1035 = vector.shape_cast %swap3A_1034 : vector<1x16xf32> to vector<16xf32>
      %swap3A_1036 = vector.shape_cast %div3A_1030 : vector<16xf32> to vector<1x16xf32>
      tpu.vector_store %arg8[%swap3A_1032, %swap3A_1033], %swap3A_1036 {strides = array<i32>} : memref<64x16xf32, #tpu.memory_space<vmem>>, vector<1x16xf32>,
      %swap3A_1037 = arith.constant 35 : i32
      %swap3A_1038 = arith.index_cast %swap3A_1037 : i32 to index
      %swap3A_1039 = arith.constant 0 : index
      %swap3A_1040 = tpu.vector_load %arg9[%swap3A_1038, %swap3A_1039] {strides = array<i32>} : memref<64x16xf32, #tpu.memory_space<vmem>>, vector<1x16xf32>,
      %swap3A_1041 = vector.shape_cast %swap3A_1040 : vector<1x16xf32> to vector<16xf32>
      %swap3A_1042 = vector.shape_cast %get3A_186 : vector<16xf32> to vector<1x16xf32>
      tpu.vector_store %arg9[%swap3A_1038, %swap3A_1039], %swap3A_1042 {strides = array<i32>} : memref<64x16xf32, #tpu.memory_space<vmem>>, vector<1x16xf32>,
      %div3A_1043 = arith.divf %exp3A_460, %add3A_576 : vector<16xf32>
      %swap3A_1044 = arith.constant 36 : i32
      %swap3A_1045 = arith.index_cast %swap3A_1044 : i32 to index
      %swap3A_1046 = arith.constant 0 : index
      %swap3A_1047 = tpu.vector_load %arg8[%swap3A_1045, %swap3A_1046] {strides = array<i32>} : memref<64x16xf32, #tpu.memory_space<vmem>>, vector<1x16xf32>,
      %swap3A_1048 = vector.shape_cast %swap3A_1047 : vector<1x16xf32> to vector<16xf32>
      %swap3A_1049 = vector.shape_cast %div3A_1043 : vector<16xf32> to vector<1x16xf32>
      tpu.vector_store %arg8[%swap3A_1045, %swap3A_1046], %swap3A_1049 {strides = array<i32>} : memref<64x16xf32, #tpu.memory_space<vmem>>, vector<1x16xf32>,
      %swap3A_1050 = arith.constant 36 : i32
      %swap3A_1051 = arith.index_cast %swap3A_1050 : i32 to index
      %swap3A_1052 = arith.constant 0 : index
      %swap3A_1053 = tpu.vector_load %arg9[%swap3A_1051, %swap3A_1052] {strides = array<i32>} : memref<64x16xf32, #tpu.memory_space<vmem>>, vector<1x16xf32>,
      %swap3A_1054 = vector.shape_cast %swap3A_1053 : vector<1x16xf32> to vector<16xf32>
      %swap3A_1055 = vector.shape_cast %get3A_191 : vector<16xf32> to vector<1x16xf32>
      tpu.vector_store %arg9[%swap3A_1051, %swap3A_1052], %swap3A_1055 {strides = array<i32>} : memref<64x16xf32, #tpu.memory_space<vmem>>, vector<1x16xf32>,
      %div3A_1056 = arith.divf %exp3A_462, %add3A_576 : vector<16xf32>
      %swap3A_1057 = arith.constant 37 : i32
      %swap3A_1058 = arith.index_cast %swap3A_1057 : i32 to index
      %swap3A_1059 = arith.constant 0 : index
      %swap3A_1060 = tpu.vector_load %arg8[%swap3A_1058, %swap3A_1059] {strides = array<i32>} : memref<64x16xf32, #tpu.memory_space<vmem>>, vector<1x16xf32>,
      %swap3A_1061 = vector.shape_cast %swap3A_1060 : vector<1x16xf32> to vector<16xf32>
      %swap3A_1062 = vector.shape_cast %div3A_1056 : vector<16xf32> to vector<1x16xf32>
      tpu.vector_store %arg8[%swap3A_1058, %swap3A_1059], %swap3A_1062 {strides = array<i32>} : memref<64x16xf32, #tpu.memory_space<vmem>>, vector<1x16xf32>,
      %swap3A_1063 = arith.constant 37 : i32
      %swap3A_1064 = arith.index_cast %swap3A_1063 : i32 to index
      %swap3A_1065 = arith.constant 0 : index
      %swap3A_1066 = tpu.vector_load %arg9[%swap3A_1064, %swap3A_1065] {strides = array<i32>} : memref<64x16xf32, #tpu.memory_space<vmem>>, vector<1x16xf32>,
      %swap3A_1067 = vector.shape_cast %swap3A_1066 : vector<1x16xf32> to vector<16xf32>
      %swap3A_1068 = vector.shape_cast %get3A_196 : vector<16xf32> to vector<1x16xf32>
      tpu.vector_store %arg9[%swap3A_1064, %swap3A_1065], %swap3A_1068 {strides = array<i32>} : memref<64x16xf32, #tpu.memory_space<vmem>>, vector<1x16xf32>,
      %div3A_1069 = arith.divf %exp3A_464, %add3A_576 : vector<16xf32>
      %swap3A_1070 = arith.constant 38 : i32
      %swap3A_1071 = arith.index_cast %swap3A_1070 : i32 to index
      %swap3A_1072 = arith.constant 0 : index
      %swap3A_1073 = tpu.vector_load %arg8[%swap3A_1071, %swap3A_1072] {strides = array<i32>} : memref<64x16xf32, #tpu.memory_space<vmem>>, vector<1x16xf32>,
      %swap3A_1074 = vector.shape_cast %swap3A_1073 : vector<1x16xf32> to vector<16xf32>
      %swap3A_1075 = vector.shape_cast %div3A_1069 : vector<16xf32> to vector<1x16xf32>
      tpu.vector_store %arg8[%swap3A_1071, %swap3A_1072], %swap3A_1075 {strides = array<i32>} : memref<64x16xf32, #tpu.memory_space<vmem>>, vector<1x16xf32>,
      %swap3A_1076 = arith.constant 38 : i32
      %swap3A_1077 = arith.index_cast %swap3A_1076 : i32 to index
      %swap3A_1078 = arith.constant 0 : index
      %swap3A_1079 = tpu.vector_load %arg9[%swap3A_1077, %swap3A_1078] {strides = array<i32>} : memref<64x16xf32, #tpu.memory_space<vmem>>, vector<1x16xf32>,
      %swap3A_1080 = vector.shape_cast %swap3A_1079 : vector<1x16xf32> to vector<16xf32>
      %swap3A_1081 = vector.shape_cast %get3A_201 : vector<16xf32> to vector<1x16xf32>
      tpu.vector_store %arg9[%swap3A_1077, %swap3A_1078], %swap3A_1081 {strides = array<i32>} : memref<64x16xf32, #tpu.memory_space<vmem>>, vector<1x16xf32>,
      %div3A_1082 = arith.divf %exp3A_466, %add3A_576 : vector<16xf32>
      %swap3A_1083 = arith.constant 39 : i32
      %swap3A_1084 = arith.index_cast %swap3A_1083 : i32 to index
      %swap3A_1085 = arith.constant 0 : index
      %swap3A_1086 = tpu.vector_load %arg8[%swap3A_1084, %swap3A_1085] {strides = array<i32>} : memref<64x16xf32, #tpu.memory_space<vmem>>, vector<1x16xf32>,
      %swap3A_1087 = vector.shape_cast %swap3A_1086 : vector<1x16xf32> to vector<16xf32>
      %swap3A_1088 = vector.shape_cast %div3A_1082 : vector<16xf32> to vector<1x16xf32>
      tpu.vector_store %arg8[%swap3A_1084, %swap3A_1085], %swap3A_1088 {strides = array<i32>} : memref<64x16xf32, #tpu.memory_space<vmem>>, vector<1x16xf32>,
      %swap3A_1089 = arith.constant 39 : i32
      %swap3A_1090 = arith.index_cast %swap3A_1089 : i32 to index
      %swap3A_1091 = arith.constant 0 : index
      %swap3A_1092 = tpu.vector_load %arg9[%swap3A_1090, %swap3A_1091] {strides = array<i32>} : memref<64x16xf32, #tpu.memory_space<vmem>>, vector<1x16xf32>,
      %swap3A_1093 = vector.shape_cast %swap3A_1092 : vector<1x16xf32> to vector<16xf32>
      %swap3A_1094 = vector.shape_cast %get3A_206 : vector<16xf32> to vector<1x16xf32>
      tpu.vector_store %arg9[%swap3A_1090, %swap3A_1091], %swap3A_1094 {strides = array<i32>} : memref<64x16xf32, #tpu.memory_space<vmem>>, vector<1x16xf32>,
      %div3A_1095 = arith.divf %exp3A_468, %add3A_576 : vector<16xf32>
      %swap3A_1096 = arith.constant 40 : i32
      %swap3A_1097 = arith.index_cast %swap3A_1096 : i32 to index
      %swap3A_1098 = arith.constant 0 : index
      %swap3A_1099 = tpu.vector_load %arg8[%swap3A_1097, %swap3A_1098] {strides = array<i32>} : memref<64x16xf32, #tpu.memory_space<vmem>>, vector<1x16xf32>,
      %swap3A_1100 = vector.shape_cast %swap3A_1099 : vector<1x16xf32> to vector<16xf32>
      %swap3A_1101 = vector.shape_cast %div3A_1095 : vector<16xf32> to vector<1x16xf32>
      tpu.vector_store %arg8[%swap3A_1097, %swap3A_1098], %swap3A_1101 {strides = array<i32>} : memref<64x16xf32, #tpu.memory_space<vmem>>, vector<1x16xf32>,
      %swap3A_1102 = arith.constant 40 : i32
      %swap3A_1103 = arith.index_cast %swap3A_1102 : i32 to index
      %swap3A_1104 = arith.constant 0 : index
      %swap3A_1105 = tpu.vector_load %arg9[%swap3A_1103, %swap3A_1104] {strides = array<i32>} : memref<64x16xf32, #tpu.memory_space<vmem>>, vector<1x16xf32>,
      %swap3A_1106 = vector.shape_cast %swap3A_1105 : vector<1x16xf32> to vector<16xf32>
      %swap3A_1107 = vector.shape_cast %get3A_211 : vector<16xf32> to vector<1x16xf32>
      tpu.vector_store %arg9[%swap3A_1103, %swap3A_1104], %swap3A_1107 {strides = array<i32>} : memref<64x16xf32, #tpu.memory_space<vmem>>, vector<1x16xf32>,
      %div3A_1108 = arith.divf %exp3A_470, %add3A_576 : vector<16xf32>
      %swap3A_1109 = arith.constant 41 : i32
      %swap3A_1110 = arith.index_cast %swap3A_1109 : i32 to index
      %swap3A_1111 = arith.constant 0 : index
      %swap3A_1112 = tpu.vector_load %arg8[%swap3A_1110, %swap3A_1111] {strides = array<i32>} : memref<64x16xf32, #tpu.memory_space<vmem>>, vector<1x16xf32>,
      %swap3A_1113 = vector.shape_cast %swap3A_1112 : vector<1x16xf32> to vector<16xf32>
      %swap3A_1114 = vector.shape_cast %div3A_1108 : vector<16xf32> to vector<1x16xf32>
      tpu.vector_store %arg8[%swap3A_1110, %swap3A_1111], %swap3A_1114 {strides = array<i32>} : memref<64x16xf32, #tpu.memory_space<vmem>>, vector<1x16xf32>,
      %swap3A_1115 = arith.constant 41 : i32
      %swap3A_1116 = arith.index_cast %swap3A_1115 : i32 to index
      %swap3A_1117 = arith.constant 0 : index
      %swap3A_1118 = tpu.vector_load %arg9[%swap3A_1116, %swap3A_1117] {strides = array<i32>} : memref<64x16xf32, #tpu.memory_space<vmem>>, vector<1x16xf32>,
      %swap3A_1119 = vector.shape_cast %swap3A_1118 : vector<1x16xf32> to vector<16xf32>
      %swap3A_1120 = vector.shape_cast %get3A_216 : vector<16xf32> to vector<1x16xf32>
      tpu.vector_store %arg9[%swap3A_1116, %swap3A_1117], %swap3A_1120 {strides = array<i32>} : memref<64x16xf32, #tpu.memory_space<vmem>>, vector<1x16xf32>,
      %div3A_1121 = arith.divf %exp3A_472, %add3A_576 : vector<16xf32>
      %swap3A_1122 = arith.constant 42 : i32
      %swap3A_1123 = arith.index_cast %swap3A_1122 : i32 to index
      %swap3A_1124 = arith.constant 0 : index
      %swap3A_1125 = tpu.vector_load %arg8[%swap3A_1123, %swap3A_1124] {strides = array<i32>} : memref<64x16xf32, #tpu.memory_space<vmem>>, vector<1x16xf32>,
      %swap3A_1126 = vector.shape_cast %swap3A_1125 : vector<1x16xf32> to vector<16xf32>
      %swap3A_1127 = vector.shape_cast %div3A_1121 : vector<16xf32> to vector<1x16xf32>
      tpu.vector_store %arg8[%swap3A_1123, %swap3A_1124], %swap3A_1127 {strides = array<i32>} : memref<64x16xf32, #tpu.memory_space<vmem>>, vector<1x16xf32>,
      %swap3A_1128 = arith.constant 42 : i32
      %swap3A_1129 = arith.index_cast %swap3A_1128 : i32 to index
      %swap3A_1130 = arith.constant 0 : index
      %swap3A_1131 = tpu.vector_load %arg9[%swap3A_1129, %swap3A_1130] {strides = array<i32>} : memref<64x16xf32, #tpu.memory_space<vmem>>, vector<1x16xf32>,
      %swap3A_1132 = vector.shape_cast %swap3A_1131 : vector<1x16xf32> to vector<16xf32>
      %swap3A_1133 = vector.shape_cast %get3A_221 : vector<16xf32> to vector<1x16xf32>
      tpu.vector_store %arg9[%swap3A_1129, %swap3A_1130], %swap3A_1133 {strides = array<i32>} : memref<64x16xf32, #tpu.memory_space<vmem>>, vector<1x16xf32>,
      %div3A_1134 = arith.divf %exp3A_474, %add3A_576 : vector<16xf32>
      %swap3A_1135 = arith.constant 43 : i32
      %swap3A_1136 = arith.index_cast %swap3A_1135 : i32 to index
      %swap3A_1137 = arith.constant 0 : index
      %swap3A_1138 = tpu.vector_load %arg8[%swap3A_1136, %swap3A_1137] {strides = array<i32>} : memref<64x16xf32, #tpu.memory_space<vmem>>, vector<1x16xf32>,
      %swap3A_1139 = vector.shape_cast %swap3A_1138 : vector<1x16xf32> to vector<16xf32>
      %swap3A_1140 = vector.shape_cast %div3A_1134 : vector<16xf32> to vector<1x16xf32>
      tpu.vector_store %arg8[%swap3A_1136, %swap3A_1137], %swap3A_1140 {strides = array<i32>} : memref<64x16xf32, #tpu.memory_space<vmem>>, vector<1x16xf32>,
      %swap3A_1141 = arith.constant 43 : i32
      %swap3A_1142 = arith.index_cast %swap3A_1141 : i32 to index
      %swap3A_1143 = arith.constant 0 : index
      %swap3A_1144 = tpu.vector_load %arg9[%swap3A_1142, %swap3A_1143] {strides = array<i32>} : memref<64x16xf32, #tpu.memory_space<vmem>>, vector<1x16xf32>,
      %swap3A_1145 = vector.shape_cast %swap3A_1144 : vector<1x16xf32> to vector<16xf32>
      %swap3A_1146 = vector.shape_cast %get3A_226 : vector<16xf32> to vector<1x16xf32>
      tpu.vector_store %arg9[%swap3A_1142, %swap3A_1143], %swap3A_1146 {strides = array<i32>} : memref<64x16xf32, #tpu.memory_space<vmem>>, vector<1x16xf32>,
      %div3A_1147 = arith.divf %exp3A_476, %add3A_576 : vector<16xf32>
      %swap3A_1148 = arith.constant 44 : i32
      %swap3A_1149 = arith.index_cast %swap3A_1148 : i32 to index
      %swap3A_1150 = arith.constant 0 : index
      %swap3A_1151 = tpu.vector_load %arg8[%swap3A_1149, %swap3A_1150] {strides = array<i32>} : memref<64x16xf32, #tpu.memory_space<vmem>>, vector<1x16xf32>,
      %swap3A_1152 = vector.shape_cast %swap3A_1151 : vector<1x16xf32> to vector<16xf32>
      %swap3A_1153 = vector.shape_cast %div3A_1147 : vector<16xf32> to vector<1x16xf32>
      tpu.vector_store %arg8[%swap3A_1149, %swap3A_1150], %swap3A_1153 {strides = array<i32>} : memref<64x16xf32, #tpu.memory_space<vmem>>, vector<1x16xf32>,
      %swap3A_1154 = arith.constant 44 : i32
      %swap3A_1155 = arith.index_cast %swap3A_1154 : i32 to index
      %swap3A_1156 = arith.constant 0 : index
      %swap3A_1157 = tpu.vector_load %arg9[%swap3A_1155, %swap3A_1156] {strides = array<i32>} : memref<64x16xf32, #tpu.memory_space<vmem>>, vector<1x16xf32>,
      %swap3A_1158 = vector.shape_cast %swap3A_1157 : vector<1x16xf32> to vector<16xf32>
      %swap3A_1159 = vector.shape_cast %get3A_231 : vector<16xf32> to vector<1x16xf32>
      tpu.vector_store %arg9[%swap3A_1155, %swap3A_1156], %swap3A_1159 {strides = array<i32>} : memref<64x16xf32, #tpu.memory_space<vmem>>, vector<1x16xf32>,
      %div3A_1160 = arith.divf %exp3A_478, %add3A_576 : vector<16xf32>
      %swap3A_1161 = arith.constant 45 : i32
      %swap3A_1162 = arith.index_cast %swap3A_1161 : i32 to index
      %swap3A_1163 = arith.constant 0 : index
      %swap3A_1164 = tpu.vector_load %arg8[%swap3A_1162, %swap3A_1163] {strides = array<i32>} : memref<64x16xf32, #tpu.memory_space<vmem>>, vector<1x16xf32>,
      %swap3A_1165 = vector.shape_cast %swap3A_1164 : vector<1x16xf32> to vector<16xf32>
      %swap3A_1166 = vector.shape_cast %div3A_1160 : vector<16xf32> to vector<1x16xf32>
      tpu.vector_store %arg8[%swap3A_1162, %swap3A_1163], %swap3A_1166 {strides = array<i32>} : memref<64x16xf32, #tpu.memory_space<vmem>>, vector<1x16xf32>,
      %swap3A_1167 = arith.constant 45 : i32
      %swap3A_1168 = arith.index_cast %swap3A_1167 : i32 to index
      %swap3A_1169 = arith.constant 0 : index
      %swap3A_1170 = tpu.vector_load %arg9[%swap3A_1168, %swap3A_1169] {strides = array<i32>} : memref<64x16xf32, #tpu.memory_space<vmem>>, vector<1x16xf32>,
      %swap3A_1171 = vector.shape_cast %swap3A_1170 : vector<1x16xf32> to vector<16xf32>
      %swap3A_1172 = vector.shape_cast %get3A_236 : vector<16xf32> to vector<1x16xf32>
      tpu.vector_store %arg9[%swap3A_1168, %swap3A_1169], %swap3A_1172 {strides = array<i32>} : memref<64x16xf32, #tpu.memory_space<vmem>>, vector<1x16xf32>,
      %div3A_1173 = arith.divf %exp3A_480, %add3A_576 : vector<16xf32>
      %swap3A_1174 = arith.constant 46 : i32
      %swap3A_1175 = arith.index_cast %swap3A_1174 : i32 to index
      %swap3A_1176 = arith.constant 0 : index
      %swap3A_1177 = tpu.vector_load %arg8[%swap3A_1175, %swap3A_1176] {strides = array<i32>} : memref<64x16xf32, #tpu.memory_space<vmem>>, vector<1x16xf32>,
      %swap3A_1178 = vector.shape_cast %swap3A_1177 : vector<1x16xf32> to vector<16xf32>
      %swap3A_1179 = vector.shape_cast %div3A_1173 : vector<16xf32> to vector<1x16xf32>
      tpu.vector_store %arg8[%swap3A_1175, %swap3A_1176], %swap3A_1179 {strides = array<i32>} : memref<64x16xf32, #tpu.memory_space<vmem>>, vector<1x16xf32>,
      %swap3A_1180 = arith.constant 46 : i32
      %swap3A_1181 = arith.index_cast %swap3A_1180 : i32 to index
      %swap3A_1182 = arith.constant 0 : index
      %swap3A_1183 = tpu.vector_load %arg9[%swap3A_1181, %swap3A_1182] {strides = array<i32>} : memref<64x16xf32, #tpu.memory_space<vmem>>, vector<1x16xf32>,
      %swap3A_1184 = vector.shape_cast %swap3A_1183 : vector<1x16xf32> to vector<16xf32>
      %swap3A_1185 = vector.shape_cast %get3A_241 : vector<16xf32> to vector<1x16xf32>
      tpu.vector_store %arg9[%swap3A_1181, %swap3A_1182], %swap3A_1185 {strides = array<i32>} : memref<64x16xf32, #tpu.memory_space<vmem>>, vector<1x16xf32>,
      %div3A_1186 = arith.divf %exp3A_482, %add3A_576 : vector<16xf32>
      %swap3A_1187 = arith.constant 47 : i32
      %swap3A_1188 = arith.index_cast %swap3A_1187 : i32 to index
      %swap3A_1189 = arith.constant 0 : index
      %swap3A_1190 = tpu.vector_load %arg8[%swap3A_1188, %swap3A_1189] {strides = array<i32>} : memref<64x16xf32, #tpu.memory_space<vmem>>, vector<1x16xf32>,
      %swap3A_1191 = vector.shape_cast %swap3A_1190 : vector<1x16xf32> to vector<16xf32>
      %swap3A_1192 = vector.shape_cast %div3A_1186 : vector<16xf32> to vector<1x16xf32>
      tpu.vector_store %arg8[%swap3A_1188, %swap3A_1189], %swap3A_1192 {strides = array<i32>} : memref<64x16xf32, #tpu.memory_space<vmem>>, vector<1x16xf32>,
      %swap3A_1193 = arith.constant 47 : i32
      %swap3A_1194 = arith.index_cast %swap3A_1193 : i32 to index
      %swap3A_1195 = arith.constant 0 : index
      %swap3A_1196 = tpu.vector_load %arg9[%swap3A_1194, %swap3A_1195] {strides = array<i32>} : memref<64x16xf32, #tpu.memory_space<vmem>>, vector<1x16xf32>,
      %swap3A_1197 = vector.shape_cast %swap3A_1196 : vector<1x16xf32> to vector<16xf32>
      %swap3A_1198 = vector.shape_cast %get3A_246 : vector<16xf32> to vector<1x16xf32>
      tpu.vector_store %arg9[%swap3A_1194, %swap3A_1195], %swap3A_1198 {strides = array<i32>} : memref<64x16xf32, #tpu.memory_space<vmem>>, vector<1x16xf32>,
      %div3A_1199 = arith.divf %exp3A_484, %add3A_576 : vector<16xf32>
      %swap3A_1200 = arith.constant 48 : i32
      %swap3A_1201 = arith.index_cast %swap3A_1200 : i32 to index
      %swap3A_1202 = arith.constant 0 : index
      %swap3A_1203 = tpu.vector_load %arg8[%swap3A_1201, %swap3A_1202] {strides = array<i32>} : memref<64x16xf32, #tpu.memory_space<vmem>>, vector<1x16xf32>,
      %swap3A_1204 = vector.shape_cast %swap3A_1203 : vector<1x16xf32> to vector<16xf32>
      %swap3A_1205 = vector.shape_cast %div3A_1199 : vector<16xf32> to vector<1x16xf32>
      tpu.vector_store %arg8[%swap3A_1201, %swap3A_1202], %swap3A_1205 {strides = array<i32>} : memref<64x16xf32, #tpu.memory_space<vmem>>, vector<1x16xf32>,
      %swap3A_1206 = arith.constant 48 : i32
      %swap3A_1207 = arith.index_cast %swap3A_1206 : i32 to index
      %swap3A_1208 = arith.constant 0 : index
      %swap3A_1209 = tpu.vector_load %arg9[%swap3A_1207, %swap3A_1208] {strides = array<i32>} : memref<64x16xf32, #tpu.memory_space<vmem>>, vector<1x16xf32>,
      %swap3A_1210 = vector.shape_cast %swap3A_1209 : vector<1x16xf32> to vector<16xf32>
      %swap3A_1211 = vector.shape_cast %get3A_251 : vector<16xf32> to vector<1x16xf32>
      tpu.vector_store %arg9[%swap3A_1207, %swap3A_1208], %swap3A_1211 {strides = array<i32>} : memref<64x16xf32, #tpu.memory_space<vmem>>, vector<1x16xf32>,
      %div3A_1212 = arith.divf %exp3A_486, %add3A_576 : vector<16xf32>
      %swap3A_1213 = arith.constant 49 : i32
      %swap3A_1214 = arith.index_cast %swap3A_1213 : i32 to index
      %swap3A_1215 = arith.constant 0 : index
      %swap3A_1216 = tpu.vector_load %arg8[%swap3A_1214, %swap3A_1215] {strides = array<i32>} : memref<64x16xf32, #tpu.memory_space<vmem>>, vector<1x16xf32>,
      %swap3A_1217 = vector.shape_cast %swap3A_1216 : vector<1x16xf32> to vector<16xf32>
      %swap3A_1218 = vector.shape_cast %div3A_1212 : vector<16xf32> to vector<1x16xf32>
      tpu.vector_store %arg8[%swap3A_1214, %swap3A_1215], %swap3A_1218 {strides = array<i32>} : memref<64x16xf32, #tpu.memory_space<vmem>>, vector<1x16xf32>,
      %swap3A_1219 = arith.constant 49 : i32
      %swap3A_1220 = arith.index_cast %swap3A_1219 : i32 to index
      %swap3A_1221 = arith.constant 0 : index
      %swap3A_1222 = tpu.vector_load %arg9[%swap3A_1220, %swap3A_1221] {strides = array<i32>} : memref<64x16xf32, #tpu.memory_space<vmem>>, vector<1x16xf32>,
      %swap3A_1223 = vector.shape_cast %swap3A_1222 : vector<1x16xf32> to vector<16xf32>
      %swap3A_1224 = vector.shape_cast %get3A_256 : vector<16xf32> to vector<1x16xf32>
      tpu.vector_store %arg9[%swap3A_1220, %swap3A_1221], %swap3A_1224 {strides = array<i32>} : memref<64x16xf32, #tpu.memory_space<vmem>>, vector<1x16xf32>,
      %div3A_1225 = arith.divf %exp3A_488, %add3A_576 : vector<16xf32>
      %swap3A_1226 = arith.constant 50 : i32
      %swap3A_1227 = arith.index_cast %swap3A_1226 : i32 to index
      %swap3A_1228 = arith.constant 0 : index
      %swap3A_1229 = tpu.vector_load %arg8[%swap3A_1227, %swap3A_1228] {strides = array<i32>} : memref<64x16xf32, #tpu.memory_space<vmem>>, vector<1x16xf32>,
      %swap3A_1230 = vector.shape_cast %swap3A_1229 : vector<1x16xf32> to vector<16xf32>
      %swap3A_1231 = vector.shape_cast %div3A_1225 : vector<16xf32> to vector<1x16xf32>
      tpu.vector_store %arg8[%swap3A_1227, %swap3A_1228], %swap3A_1231 {strides = array<i32>} : memref<64x16xf32, #tpu.memory_space<vmem>>, vector<1x16xf32>,
      %swap3A_1232 = arith.constant 50 : i32
      %swap3A_1233 = arith.index_cast %swap3A_1232 : i32 to index
      %swap3A_1234 = arith.constant 0 : index
      %swap3A_1235 = tpu.vector_load %arg9[%swap3A_1233, %swap3A_1234] {strides = array<i32>} : memref<64x16xf32, #tpu.memory_space<vmem>>, vector<1x16xf32>,
      %swap3A_1236 = vector.shape_cast %swap3A_1235 : vector<1x16xf32> to vector<16xf32>
      %swap3A_1237 = vector.shape_cast %get3A_261 : vector<16xf32> to vector<1x16xf32>
      tpu.vector_store %arg9[%swap3A_1233, %swap3A_1234], %swap3A_1237 {strides = array<i32>} : memref<64x16xf32, #tpu.memory_space<vmem>>, vector<1x16xf32>,
      %div3A_1238 = arith.divf %exp3A_490, %add3A_576 : vector<16xf32>
      %swap3A_1239 = arith.constant 51 : i32
      %swap3A_1240 = arith.index_cast %swap3A_1239 : i32 to index
      %swap3A_1241 = arith.constant 0 : index
      %swap3A_1242 = tpu.vector_load %arg8[%swap3A_1240, %swap3A_1241] {strides = array<i32>} : memref<64x16xf32, #tpu.memory_space<vmem>>, vector<1x16xf32>,
      %swap3A_1243 = vector.shape_cast %swap3A_1242 : vector<1x16xf32> to vector<16xf32>
      %swap3A_1244 = vector.shape_cast %div3A_1238 : vector<16xf32> to vector<1x16xf32>
      tpu.vector_store %arg8[%swap3A_1240, %swap3A_1241], %swap3A_1244 {strides = array<i32>} : memref<64x16xf32, #tpu.memory_space<vmem>>, vector<1x16xf32>,
      %swap3A_1245 = arith.constant 51 : i32
      %swap3A_1246 = arith.index_cast %swap3A_1245 : i32 to index
      %swap3A_1247 = arith.constant 0 : index
      %swap3A_1248 = tpu.vector_load %arg9[%swap3A_1246, %swap3A_1247] {strides = array<i32>} : memref<64x16xf32, #tpu.memory_space<vmem>>, vector<1x16xf32>,
      %swap3A_1249 = vector.shape_cast %swap3A_1248 : vector<1x16xf32> to vector<16xf32>
      %swap3A_1250 = vector.shape_cast %get3A_266 : vector<16xf32> to vector<1x16xf32>
      tpu.vector_store %arg9[%swap3A_1246, %swap3A_1247], %swap3A_1250 {strides = array<i32>} : memref<64x16xf32, #tpu.memory_space<vmem>>, vector<1x16xf32>,
      %div3A_1251 = arith.divf %exp3A_492, %add3A_576 : vector<16xf32>
      %swap3A_1252 = arith.constant 52 : i32
      %swap3A_1253 = arith.index_cast %swap3A_1252 : i32 to index
      %swap3A_1254 = arith.constant 0 : index
      %swap3A_1255 = tpu.vector_load %arg8[%swap3A_1253, %swap3A_1254] {strides = array<i32>} : memref<64x16xf32, #tpu.memory_space<vmem>>, vector<1x16xf32>,
      %swap3A_1256 = vector.shape_cast %swap3A_1255 : vector<1x16xf32> to vector<16xf32>
      %swap3A_1257 = vector.shape_cast %div3A_1251 : vector<16xf32> to vector<1x16xf32>
      tpu.vector_store %arg8[%swap3A_1253, %swap3A_1254], %swap3A_1257 {strides = array<i32>} : memref<64x16xf32, #tpu.memory_space<vmem>>, vector<1x16xf32>,
      %swap3A_1258 = arith.constant 52 : i32
      %swap3A_1259 = arith.index_cast %swap3A_1258 : i32 to index
      %swap3A_1260 = arith.constant 0 : index
      %swap3A_1261 = tpu.vector_load %arg9[%swap3A_1259, %swap3A_1260] {strides = array<i32>} : memref<64x16xf32, #tpu.memory_space<vmem>>, vector<1x16xf32>,
      %swap3A_1262 = vector.shape_cast %swap3A_1261 : vector<1x16xf32> to vector<16xf32>
      %swap3A_1263 = vector.shape_cast %get3A_271 : vector<16xf32> to vector<1x16xf32>
      tpu.vector_store %arg9[%swap3A_1259, %swap3A_1260], %swap3A_1263 {strides = array<i32>} : memref<64x16xf32, #tpu.memory_space<vmem>>, vector<1x16xf32>,
      %div3A_1264 = arith.divf %exp3A_494, %add3A_576 : vector<16xf32>
      %swap3A_1265 = arith.constant 53 : i32
      %swap3A_1266 = arith.index_cast %swap3A_1265 : i32 to index
      %swap3A_1267 = arith.constant 0 : index
      %swap3A_1268 = tpu.vector_load %arg8[%swap3A_1266, %swap3A_1267] {strides = array<i32>} : memref<64x16xf32, #tpu.memory_space<vmem>>, vector<1x16xf32>,
      %swap3A_1269 = vector.shape_cast %swap3A_1268 : vector<1x16xf32> to vector<16xf32>
      %swap3A_1270 = vector.shape_cast %div3A_1264 : vector<16xf32> to vector<1x16xf32>
      tpu.vector_store %arg8[%swap3A_1266, %swap3A_1267], %swap3A_1270 {strides = array<i32>} : memref<64x16xf32, #tpu.memory_space<vmem>>, vector<1x16xf32>,
      %swap3A_1271 = arith.constant 53 : i32
      %swap3A_1272 = arith.index_cast %swap3A_1271 : i32 to index
      %swap3A_1273 = arith.constant 0 : index
      %swap3A_1274 = tpu.vector_load %arg9[%swap3A_1272, %swap3A_1273] {strides = array<i32>} : memref<64x16xf32, #tpu.memory_space<vmem>>, vector<1x16xf32>,
      %swap3A_1275 = vector.shape_cast %swap3A_1274 : vector<1x16xf32> to vector<16xf32>
      %swap3A_1276 = vector.shape_cast %get3A_276 : vector<16xf32> to vector<1x16xf32>
      tpu.vector_store %arg9[%swap3A_1272, %swap3A_1273], %swap3A_1276 {strides = array<i32>} : memref<64x16xf32, #tpu.memory_space<vmem>>, vector<1x16xf32>,
      %div3A_1277 = arith.divf %exp3A_496, %add3A_576 : vector<16xf32>
      %swap3A_1278 = arith.constant 54 : i32
      %swap3A_1279 = arith.index_cast %swap3A_1278 : i32 to index
      %swap3A_1280 = arith.constant 0 : index
      %swap3A_1281 = tpu.vector_load %arg8[%swap3A_1279, %swap3A_1280] {strides = array<i32>} : memref<64x16xf32, #tpu.memory_space<vmem>>, vector<1x16xf32>,
      %swap3A_1282 = vector.shape_cast %swap3A_1281 : vector<1x16xf32> to vector<16xf32>
      %swap3A_1283 = vector.shape_cast %div3A_1277 : vector<16xf32> to vector<1x16xf32>
      tpu.vector_store %arg8[%swap3A_1279, %swap3A_1280], %swap3A_1283 {strides = array<i32>} : memref<64x16xf32, #tpu.memory_space<vmem>>, vector<1x16xf32>,
      %swap3A_1284 = arith.constant 54 : i32
      %swap3A_1285 = arith.index_cast %swap3A_1284 : i32 to index
      %swap3A_1286 = arith.constant 0 : index
      %swap3A_1287 = tpu.vector_load %arg9[%swap3A_1285, %swap3A_1286] {strides = array<i32>} : memref<64x16xf32, #tpu.memory_space<vmem>>, vector<1x16xf32>,
      %swap3A_1288 = vector.shape_cast %swap3A_1287 : vector<1x16xf32> to vector<16xf32>
      %swap3A_1289 = vector.shape_cast %get3A_281 : vector<16xf32> to vector<1x16xf32>
      tpu.vector_store %arg9[%swap3A_1285, %swap3A_1286], %swap3A_1289 {strides = array<i32>} : memref<64x16xf32, #tpu.memory_space<vmem>>, vector<1x16xf32>,
      %div3A_1290 = arith.divf %exp3A_498, %add3A_576 : vector<16xf32>
      %swap3A_1291 = arith.constant 55 : i32
      %swap3A_1292 = arith.index_cast %swap3A_1291 : i32 to index
      %swap3A_1293 = arith.constant 0 : index
      %swap3A_1294 = tpu.vector_load %arg8[%swap3A_1292, %swap3A_1293] {strides = array<i32>} : memref<64x16xf32, #tpu.memory_space<vmem>>, vector<1x16xf32>,
      %swap3A_1295 = vector.shape_cast %swap3A_1294 : vector<1x16xf32> to vector<16xf32>
      %swap3A_1296 = vector.shape_cast %div3A_1290 : vector<16xf32> to vector<1x16xf32>
      tpu.vector_store %arg8[%swap3A_1292, %swap3A_1293], %swap3A_1296 {strides = array<i32>} : memref<64x16xf32, #tpu.memory_space<vmem>>, vector<1x16xf32>,
      %swap3A_1297 = arith.constant 55 : i32
      %swap3A_1298 = arith.index_cast %swap3A_1297 : i32 to index
      %swap3A_1299 = arith.constant 0 : index
      %swap3A_1300 = tpu.vector_load %arg9[%swap3A_1298, %swap3A_1299] {strides = array<i32>} : memref<64x16xf32, #tpu.memory_space<vmem>>, vector<1x16xf32>,
      %swap3A_1301 = vector.shape_cast %swap3A_1300 : vector<1x16xf32> to vector<16xf32>
      %swap3A_1302 = vector.shape_cast %get3A_286 : vector<16xf32> to vector<1x16xf32>
      tpu.vector_store %arg9[%swap3A_1298, %swap3A_1299], %swap3A_1302 {strides = array<i32>} : memref<64x16xf32, #tpu.memory_space<vmem>>, vector<1x16xf32>,
      %div3A_1303 = arith.divf %exp3A_500, %add3A_576 : vector<16xf32>
      %swap3A_1304 = arith.constant 56 : i32
      %swap3A_1305 = arith.index_cast %swap3A_1304 : i32 to index
      %swap3A_1306 = arith.constant 0 : index
      %swap3A_1307 = tpu.vector_load %arg8[%swap3A_1305, %swap3A_1306] {strides = array<i32>} : memref<64x16xf32, #tpu.memory_space<vmem>>, vector<1x16xf32>,
      %swap3A_1308 = vector.shape_cast %swap3A_1307 : vector<1x16xf32> to vector<16xf32>
      %swap3A_1309 = vector.shape_cast %div3A_1303 : vector<16xf32> to vector<1x16xf32>
      tpu.vector_store %arg8[%swap3A_1305, %swap3A_1306], %swap3A_1309 {strides = array<i32>} : memref<64x16xf32, #tpu.memory_space<vmem>>, vector<1x16xf32>,
      %swap3A_1310 = arith.constant 56 : i32
      %swap3A_1311 = arith.index_cast %swap3A_1310 : i32 to index
      %swap3A_1312 = arith.constant 0 : index
      %swap3A_1313 = tpu.vector_load %arg9[%swap3A_1311, %swap3A_1312] {strides = array<i32>} : memref<64x16xf32, #tpu.memory_space<vmem>>, vector<1x16xf32>,
      %swap3A_1314 = vector.shape_cast %swap3A_1313 : vector<1x16xf32> to vector<16xf32>
      %swap3A_1315 = vector.shape_cast %get3A_291 : vector<16xf32> to vector<1x16xf32>
      tpu.vector_store %arg9[%swap3A_1311, %swap3A_1312], %swap3A_1315 {strides = array<i32>} : memref<64x16xf32, #tpu.memory_space<vmem>>, vector<1x16xf32>,
      %div3A_1316 = arith.divf %exp3A_502, %add3A_576 : vector<16xf32>
      %swap3A_1317 = arith.constant 57 : i32
      %swap3A_1318 = arith.index_cast %swap3A_1317 : i32 to index
      %swap3A_1319 = arith.constant 0 : index
      %swap3A_1320 = tpu.vector_load %arg8[%swap3A_1318, %swap3A_1319] {strides = array<i32>} : memref<64x16xf32, #tpu.memory_space<vmem>>, vector<1x16xf32>,
      %swap3A_1321 = vector.shape_cast %swap3A_1320 : vector<1x16xf32> to vector<16xf32>
      %swap3A_1322 = vector.shape_cast %div3A_1316 : vector<16xf32> to vector<1x16xf32>
      tpu.vector_store %arg8[%swap3A_1318, %swap3A_1319], %swap3A_1322 {strides = array<i32>} : memref<64x16xf32, #tpu.memory_space<vmem>>, vector<1x16xf32>,
      %swap3A_1323 = arith.constant 57 : i32
      %swap3A_1324 = arith.index_cast %swap3A_1323 : i32 to index
      %swap3A_1325 = arith.constant 0 : index
      %swap3A_1326 = tpu.vector_load %arg9[%swap3A_1324, %swap3A_1325] {strides = array<i32>} : memref<64x16xf32, #tpu.memory_space<vmem>>, vector<1x16xf32>,
      %swap3A_1327 = vector.shape_cast %swap3A_1326 : vector<1x16xf32> to vector<16xf32>
      %swap3A_1328 = vector.shape_cast %get3A_296 : vector<16xf32> to vector<1x16xf32>
      tpu.vector_store %arg9[%swap3A_1324, %swap3A_1325], %swap3A_1328 {strides = array<i32>} : memref<64x16xf32, #tpu.memory_space<vmem>>, vector<1x16xf32>,
      %div3A_1329 = arith.divf %exp3A_504, %add3A_576 : vector<16xf32>
      %swap3A_1330 = arith.constant 58 : i32
      %swap3A_1331 = arith.index_cast %swap3A_1330 : i32 to index
      %swap3A_1332 = arith.constant 0 : index
      %swap3A_1333 = tpu.vector_load %arg8[%swap3A_1331, %swap3A_1332] {strides = array<i32>} : memref<64x16xf32, #tpu.memory_space<vmem>>, vector<1x16xf32>,
      %swap3A_1334 = vector.shape_cast %swap3A_1333 : vector<1x16xf32> to vector<16xf32>
      %swap3A_1335 = vector.shape_cast %div3A_1329 : vector<16xf32> to vector<1x16xf32>
      tpu.vector_store %arg8[%swap3A_1331, %swap3A_1332], %swap3A_1335 {strides = array<i32>} : memref<64x16xf32, #tpu.memory_space<vmem>>, vector<1x16xf32>,
      %swap3A_1336 = arith.constant 58 : i32
      %swap3A_1337 = arith.index_cast %swap3A_1336 : i32 to index
      %swap3A_1338 = arith.constant 0 : index
      %swap3A_1339 = tpu.vector_load %arg9[%swap3A_1337, %swap3A_1338] {strides = array<i32>} : memref<64x16xf32, #tpu.memory_space<vmem>>, vector<1x16xf32>,
      %swap3A_1340 = vector.shape_cast %swap3A_1339 : vector<1x16xf32> to vector<16xf32>
      %swap3A_1341 = vector.shape_cast %get3A_301 : vector<16xf32> to vector<1x16xf32>
      tpu.vector_store %arg9[%swap3A_1337, %swap3A_1338], %swap3A_1341 {strides = array<i32>} : memref<64x16xf32, #tpu.memory_space<vmem>>, vector<1x16xf32>,
      %div3A_1342 = arith.divf %exp3A_506, %add3A_576 : vector<16xf32>
      %swap3A_1343 = arith.constant 59 : i32
      %swap3A_1344 = arith.index_cast %swap3A_1343 : i32 to index
      %swap3A_1345 = arith.constant 0 : index
      %swap3A_1346 = tpu.vector_load %arg8[%swap3A_1344, %swap3A_1345] {strides = array<i32>} : memref<64x16xf32, #tpu.memory_space<vmem>>, vector<1x16xf32>,
      %swap3A_1347 = vector.shape_cast %swap3A_1346 : vector<1x16xf32> to vector<16xf32>
      %swap3A_1348 = vector.shape_cast %div3A_1342 : vector<16xf32> to vector<1x16xf32>
      tpu.vector_store %arg8[%swap3A_1344, %swap3A_1345], %swap3A_1348 {strides = array<i32>} : memref<64x16xf32, #tpu.memory_space<vmem>>, vector<1x16xf32>,
      %swap3A_1349 = arith.constant 59 : i32
      %swap3A_1350 = arith.index_cast %swap3A_1349 : i32 to index
      %swap3A_1351 = arith.constant 0 : index
      %swap3A_1352 = tpu.vector_load %arg9[%swap3A_1350, %swap3A_1351] {strides = array<i32>} : memref<64x16xf32, #tpu.memory_space<vmem>>, vector<1x16xf32>,
      %swap3A_1353 = vector.shape_cast %swap3A_1352 : vector<1x16xf32> to vector<16xf32>
      %swap3A_1354 = vector.shape_cast %get3A_306 : vector<16xf32> to vector<1x16xf32>
      tpu.vector_store %arg9[%swap3A_1350, %swap3A_1351], %swap3A_1354 {strides = array<i32>} : memref<64x16xf32, #tpu.memory_space<vmem>>, vector<1x16xf32>,
      %div3A_1355 = arith.divf %exp3A_508, %add3A_576 : vector<16xf32>
      %swap3A_1356 = arith.constant 60 : i32
      %swap3A_1357 = arith.index_cast %swap3A_1356 : i32 to index
      %swap3A_1358 = arith.constant 0 : index
      %swap3A_1359 = tpu.vector_load %arg8[%swap3A_1357, %swap3A_1358] {strides = array<i32>} : memref<64x16xf32, #tpu.memory_space<vmem>>, vector<1x16xf32>,
      %swap3A_1360 = vector.shape_cast %swap3A_1359 : vector<1x16xf32> to vector<16xf32>
      %swap3A_1361 = vector.shape_cast %div3A_1355 : vector<16xf32> to vector<1x16xf32>
      tpu.vector_store %arg8[%swap3A_1357, %swap3A_1358], %swap3A_1361 {strides = array<i32>} : memref<64x16xf32, #tpu.memory_space<vmem>>, vector<1x16xf32>,
      %swap3A_1362 = arith.constant 60 : i32
      %swap3A_1363 = arith.index_cast %swap3A_1362 : i32 to index
      %swap3A_1364 = arith.constant 0 : index
      %swap3A_1365 = tpu.vector_load %arg9[%swap3A_1363, %swap3A_1364] {strides = array<i32>} : memref<64x16xf32, #tpu.memory_space<vmem>>, vector<1x16xf32>,
      %swap3A_1366 = vector.shape_cast %swap3A_1365 : vector<1x16xf32> to vector<16xf32>
      %swap3A_1367 = vector.shape_cast %get3A_311 : vector<16xf32> to vector<1x16xf32>
      tpu.vector_store %arg9[%swap3A_1363, %swap3A_1364], %swap3A_1367 {strides = array<i32>} : memref<64x16xf32, #tpu.memory_space<vmem>>, vector<1x16xf32>,
      %div3A_1368 = arith.divf %exp3A_510, %add3A_576 : vector<16xf32>
      %swap3A_1369 = arith.constant 61 : i32
      %swap3A_1370 = arith.index_cast %swap3A_1369 : i32 to index
      %swap3A_1371 = arith.constant 0 : index
      %swap3A_1372 = tpu.vector_load %arg8[%swap3A_1370, %swap3A_1371] {strides = array<i32>} : memref<64x16xf32, #tpu.memory_space<vmem>>, vector<1x16xf32>,
      %swap3A_1373 = vector.shape_cast %swap3A_1372 : vector<1x16xf32> to vector<16xf32>
      %swap3A_1374 = vector.shape_cast %div3A_1368 : vector<16xf32> to vector<1x16xf32>
      tpu.vector_store %arg8[%swap3A_1370, %swap3A_1371], %swap3A_1374 {strides = array<i32>} : memref<64x16xf32, #tpu.memory_space<vmem>>, vector<1x16xf32>,
      %swap3A_1375 = arith.constant 61 : i32
      %swap3A_1376 = arith.index_cast %swap3A_1375 : i32 to index
      %swap3A_1377 = arith.constant 0 : index
      %swap3A_1378 = tpu.vector_load %arg9[%swap3A_1376, %swap3A_1377] {strides = array<i32>} : memref<64x16xf32, #tpu.memory_space<vmem>>, vector<1x16xf32>,
      %swap3A_1379 = vector.shape_cast %swap3A_1378 : vector<1x16xf32> to vector<16xf32>
      %swap3A_1380 = vector.shape_cast %get3A_316 : vector<16xf32> to vector<1x16xf32>
      tpu.vector_store %arg9[%swap3A_1376, %swap3A_1377], %swap3A_1380 {strides = array<i32>} : memref<64x16xf32, #tpu.memory_space<vmem>>, vector<1x16xf32>,
      %div3A_1381 = arith.divf %exp3A_512, %add3A_576 : vector<16xf32>
      %swap3A_1382 = arith.constant 62 : i32
      %swap3A_1383 = arith.index_cast %swap3A_1382 : i32 to index
      %swap3A_1384 = arith.constant 0 : index
      %swap3A_1385 = tpu.vector_load %arg8[%swap3A_1383, %swap3A_1384] {strides = array<i32>} : memref<64x16xf32, #tpu.memory_space<vmem>>, vector<1x16xf32>,
      %swap3A_1386 = vector.shape_cast %swap3A_1385 : vector<1x16xf32> to vector<16xf32>
      %swap3A_1387 = vector.shape_cast %div3A_1381 : vector<16xf32> to vector<1x16xf32>
      tpu.vector_store %arg8[%swap3A_1383, %swap3A_1384], %swap3A_1387 {strides = array<i32>} : memref<64x16xf32, #tpu.memory_space<vmem>>, vector<1x16xf32>,
      %swap3A_1388 = arith.constant 62 : i32
      %swap3A_1389 = arith.index_cast %swap3A_1388 : i32 to index
      %swap3A_1390 = arith.constant 0 : index
      %swap3A_1391 = tpu.vector_load %arg9[%swap3A_1389, %swap3A_1390] {strides = array<i32>} : memref<64x16xf32, #tpu.memory_space<vmem>>, vector<1x16xf32>,
      %swap3A_1392 = vector.shape_cast %swap3A_1391 : vector<1x16xf32> to vector<16xf32>
      %swap3A_1393 = vector.shape_cast %get3A_321 : vector<16xf32> to vector<1x16xf32>
      tpu.vector_store %arg9[%swap3A_1389, %swap3A_1390], %swap3A_1393 {strides = array<i32>} : memref<64x16xf32, #tpu.memory_space<vmem>>, vector<1x16xf32>,
      %div3A_1394 = arith.divf %exp3A_514, %add3A_576 : vector<16xf32>
      %swap3A_1395 = arith.constant 63 : i32
      %swap3A_1396 = arith.index_cast %swap3A_1395 : i32 to index
      %swap3A_1397 = arith.constant 0 : index
      %swap3A_1398 = tpu.vector_load %arg8[%swap3A_1396, %swap3A_1397] {strides = array<i32>} : memref<64x16xf32, #tpu.memory_space<vmem>>, vector<1x16xf32>,
      %swap3A_1399 = vector.shape_cast %swap3A_1398 : vector<1x16xf32> to vector<16xf32>
      %swap3A_1400 = vector.shape_cast %div3A_1394 : vector<16xf32> to vector<1x16xf32>
      tpu.vector_store %arg8[%swap3A_1396, %swap3A_1397], %swap3A_1400 {strides = array<i32>} : memref<64x16xf32, #tpu.memory_space<vmem>>, vector<1x16xf32>,
      %swap3A_1401 = arith.constant 63 : i32
      %swap3A_1402 = arith.index_cast %swap3A_1401 : i32 to index
      %swap3A_1403 = arith.constant 0 : index
      %swap3A_1404 = tpu.vector_load %arg9[%swap3A_1402, %swap3A_1403] {strides = array<i32>} : memref<64x16xf32, #tpu.memory_space<vmem>>, vector<1x16xf32>,
      %swap3A_1405 = vector.shape_cast %swap3A_1404 : vector<1x16xf32> to vector<16xf32>
      %swap3A_1406 = vector.shape_cast %get3A_326 : vector<16xf32> to vector<1x16xf32>
      tpu.vector_store %arg9[%swap3A_1402, %swap3A_1403], %swap3A_1406 {strides = array<i32>} : memref<64x16xf32, #tpu.memory_space<vmem>>, vector<1x16xf32>,
      "tpu.region"() ({
        %run_scoped3A = tpu.sem_alloc : memref<!tpu.dma_semaphore, #tpu.memory_space<semaphore_mem>>
        tpu.enqueue_dma source(%arg8 : memref<64x16xf32, #tpu.memory_space<vmem>>) target(%arg4 : memref<64x16xf32, #tpu.memory_space<hbm>>) target_semaphore(%run_scoped3A : memref<!tpu.dma_semaphore, #tpu.memory_space<semaphore_mem>>)
        tpu.wait_dma2 semaphore(%run_scoped3A : memref<!tpu.dma_semaphore, #tpu.memory_space<semaphore_mem>>) src(%arg8 : memref<64x16xf32, #tpu.memory_space<vmem>>) dst(%arg4 : memref<64x16xf32, #tpu.memory_space<hbm>>)
        tpu.yield
      }) : () -> ()
      "tpu.region"() ({
        %run_scoped3A = tpu.sem_alloc : memref<!tpu.dma_semaphore, #tpu.memory_space<semaphore_mem>>
        tpu.enqueue_dma source(%arg9 : memref<64x16xf32, #tpu.memory_space<vmem>>) target(%arg5 : memref<64x16xf32, #tpu.memory_space<hbm>>) target_semaphore(%run_scoped3A : memref<!tpu.dma_semaphore, #tpu.memory_space<semaphore_mem>>)
        tpu.wait_dma2 semaphore(%run_scoped3A : memref<!tpu.dma_semaphore, #tpu.memory_space<semaphore_mem>>) src(%arg9 : memref<64x16xf32, #tpu.memory_space<vmem>>) dst(%arg5 : memref<64x16xf32, #tpu.memory_space<hbm>>)
        tpu.yield
      }) : () -> ()
    } else {
    }
    return
  }
}

module attributes {stable_mosaic.version = 14 : i64} {
  func.func @_pass2_kernel(%arg0: i32, %arg1: memref<8192x128xbf16, #tpu.memory_space<vmem>>, %arg2: memref<1x128xf32, #tpu.memory_space<vmem>>, %arg3: memref<1x128xf32, #tpu.memory_space<vmem>>, %arg4: memref<128x128xbf16, #tpu.memory_space<vmem>>, %arg5: memref<1x128xf32, #tpu.memory_space<vmem>>, %arg6: memref<1x128xf32, #tpu.memory_space<vmem>>, %arg7: memref<128x128xf32, #tpu.memory_space<vmem>>, %arg8: memref<1x128xf32, #tpu.memory_space<vmem>>, %arg9: memref<128x128xf32, #tpu.memory_space<vmem>>, %arg10: memref<1x128xf32, #tpu.memory_space<vmem>>, %arg11: memref<5x128xf32, #tpu.memory_space<vmem>>, %arg12: memref<5x128xf32, #tpu.memory_space<vmem>>, %arg13: memref<128x128xf32, #tpu.memory_space<vmem>>, %arg14: memref<1x128xf32, #tpu.memory_space<vmem>>, %arg15: memref<128x512xf32, #tpu.memory_space<vmem>>, %arg16: memref<128x512xf32, #tpu.memory_space<vmem>>, %arg17: memref<1x512xf32, #tpu.memory_space<vmem>>, %arg18: memref<128x512xf32, #tpu.memory_space<vmem>>, %arg19: memref<1x512xf32, #tpu.memory_space<vmem>>, %arg20: memref<128x128xf32, #tpu.memory_space<vmem>>, %arg21: memref<1x128xf32, #tpu.memory_space<vmem>>, %arg22: memref<128x128xf32, #tpu.memory_space<vmem>>, %arg23: memref<1x128xf32, #tpu.memory_space<vmem>>, %arg24: memref<128x128xf32, #tpu.memory_space<vmem>>, %arg25: memref<1x128xf32, #tpu.memory_space<vmem>>, %arg26: memref<128x128xf32, #tpu.memory_space<vmem>>, %arg27: memref<128x128xf32, #tpu.memory_space<vmem>>, %arg28: memref<128x128xf32, #tpu.memory_space<vmem>>, %arg29: memref<1x128xf32, #tpu.memory_space<vmem>>, %arg30: memref<128x64xf32, #tpu.memory_space<vmem>>, %arg31: memref<1x64xf32, #tpu.memory_space<vmem>>, %arg32: memref<64x1024xf32, #tpu.memory_space<vmem>>, %arg33: memref<1024x1xf32, #tpu.memory_space<vmem>>, %arg34: memref<1024x128xf32, #tpu.memory_space<vmem>>, %arg35: memref<1x128xf32, #tpu.memory_space<vmem>>, %arg36: memref<1x128xf32, #tpu.memory_space<vmem>>) attributes {dimension_semantics = [#tpu.dimension_semantics<arbitrary>], iteration_bounds = array<i64: 13>, scalar_prefetch = 0 : i64, scratch_operands = 2 : i64, tpu.core_type = #tpu.core_type<tc>, window_params = [{transform_indices = @transform_0, window_bounds = array<i64: 8192, 128>}, {pipeline_mode = #tpu.pipeline_mode<synchronous>, transform_indices = @transform_1, window_bounds = array<i64: 1, 128>}, {pipeline_mode = #tpu.pipeline_mode<synchronous>, transform_indices = @transform_2, window_bounds = array<i64: 1, 128>}, {pipeline_mode = #tpu.pipeline_mode<synchronous>, transform_indices = @transform_3, window_bounds = array<i64: 128, 128>}, {pipeline_mode = #tpu.pipeline_mode<synchronous>, transform_indices = @transform_4, window_bounds = array<i64: 1, 128>}, {pipeline_mode = #tpu.pipeline_mode<synchronous>, transform_indices = @transform_5, window_bounds = array<i64: 1, 128>}, {pipeline_mode = #tpu.pipeline_mode<synchronous>, transform_indices = @transform_6, window_bounds = array<i64: 128, 128>}, {pipeline_mode = #tpu.pipeline_mode<synchronous>, transform_indices = @transform_7, window_bounds = array<i64: 1, 128>}, {pipeline_mode = #tpu.pipeline_mode<synchronous>, transform_indices = @transform_8, window_bounds = array<i64: 128, 128>}, {pipeline_mode = #tpu.pipeline_mode<synchronous>, transform_indices = @transform_9, window_bounds = array<i64: 1, 128>}, {pipeline_mode = #tpu.pipeline_mode<synchronous>, transform_indices = @transform_10, window_bounds = array<i64: 5, 128>}, {pipeline_mode = #tpu.pipeline_mode<synchronous>, transform_indices = @transform_11, window_bounds = array<i64: 5, 128>}, {pipeline_mode = #tpu.pipeline_mode<synchronous>, transform_indices = @transform_12, window_bounds = array<i64: 128, 128>}, {pipeline_mode = #tpu.pipeline_mode<synchronous>, transform_indices = @transform_13, window_bounds = array<i64: 1, 128>}, {pipeline_mode = #tpu.pipeline_mode<synchronous>, transform_indices = @transform_14, window_bounds = array<i64: 128, 512>}, {pipeline_mode = #tpu.pipeline_mode<synchronous>, transform_indices = @transform_15, window_bounds = array<i64: 128, 512>}, {pipeline_mode = #tpu.pipeline_mode<synchronous>, transform_indices = @transform_16, window_bounds = array<i64: 1, 512>}, {pipeline_mode = #tpu.pipeline_mode<synchronous>, transform_indices = @transform_17, window_bounds = array<i64: 128, 512>}, {pipeline_mode = #tpu.pipeline_mode<synchronous>, transform_indices = @transform_18, window_bounds = array<i64: 1, 512>}, {pipeline_mode = #tpu.pipeline_mode<synchronous>, transform_indices = @transform_19, window_bounds = array<i64: 128, 128>}, {pipeline_mode = #tpu.pipeline_mode<synchronous>, transform_indices = @transform_20, window_bounds = array<i64: 1, 128>}, {pipeline_mode = #tpu.pipeline_mode<synchronous>, transform_indices = @transform_21, window_bounds = array<i64: 128, 128>}, {pipeline_mode = #tpu.pipeline_mode<synchronous>, transform_indices = @transform_22, window_bounds = array<i64: 1, 128>}, {pipeline_mode = #tpu.pipeline_mode<synchronous>, transform_indices = @transform_23, window_bounds = array<i64: 128, 128>}, {pipeline_mode = #tpu.pipeline_mode<synchronous>, transform_indices = @transform_24, window_bounds = array<i64: 1, 128>}, {pipeline_mode = #tpu.pipeline_mode<synchronous>, transform_indices = @transform_25, window_bounds = array<i64: 128, 128>}, {pipeline_mode = #tpu.pipeline_mode<synchronous>, transform_indices = @transform_26, window_bounds = array<i64: 128, 128>}, {pipeline_mode = #tpu.pipeline_mode<synchronous>, transform_indices = @transform_27, window_bounds = array<i64: 128, 128>}, {pipeline_mode = #tpu.pipeline_mode<synchronous>, transform_indices = @transform_28, window_bounds = array<i64: 1, 128>}, {pipeline_mode = #tpu.pipeline_mode<synchronous>, transform_indices = @transform_29, window_bounds = array<i64: 128, 64>}, {pipeline_mode = #tpu.pipeline_mode<synchronous>, transform_indices = @transform_30, window_bounds = array<i64: 1, 64>}, {pipeline_mode = #tpu.pipeline_mode<synchronous>, transform_indices = @transform_31, window_bounds = array<i64: 64, 1024>}, {pipeline_mode = #tpu.pipeline_mode<synchronous>, transform_indices = @transform_32, window_bounds = array<i64: 1024, 1>}, {pipeline_mode = #tpu.pipeline_mode<synchronous>, transform_indices = @transform_33, window_bounds = array<i64: 1024, 128>}]} {
    %eq3A = arith.constant 0 : i32
    %eq3A_0 = arith.cmpi eq, %arg0, %eq3A : i32
    %convert_element_type3A = arith.extui %eq3A_0 : i1 to i32
    %cond3A = arith.constant 0 : i32
    %cond3A_1 = arith.cmpi ne, %convert_element_type3A, %cond3A : i32
    scf.if %cond3A_1 {
      %broadcast_in_dim3A_92 = arith.constant 0.000000e+00 : f32
      %broadcast_in_dim3A_93 = vector.broadcast %broadcast_in_dim3A_92 : f32 to vector<1x128xf32>
      %swap3A_94 = arith.constant 0 : index
      %swap3A_95 = arith.constant 0 : index
      %swap3A_96 = vector.load %arg35[%swap3A_94, %swap3A_95] : memref<1x128xf32, #tpu.memory_space<vmem>>, vector<1x128xf32>
      tpu.vector_store %arg35[%swap3A_94, %swap3A_95], %broadcast_in_dim3A_93 {strides = array<i32>} : memref<1x128xf32, #tpu.memory_space<vmem>>, vector<1x128xf32>,
      %broadcast_in_dim3A_97 = arith.constant 0.000000e+00 : f32
      %broadcast_in_dim3A_98 = vector.broadcast %broadcast_in_dim3A_97 : f32 to vector<1x128xf32>
      %swap3A_99 = arith.constant 0 : index
      %swap3A_100 = arith.constant 0 : index
      %swap3A_101 = vector.load %arg36[%swap3A_99, %swap3A_100] : memref<1x128xf32, #tpu.memory_space<vmem>>, vector<1x128xf32>
      tpu.vector_store %arg36[%swap3A_99, %swap3A_100], %broadcast_in_dim3A_98 {strides = array<i32>} : memref<1x128xf32, #tpu.memory_space<vmem>>, vector<1x128xf32>,
    } else {
    }
    %iota3A = tpu.iota {dimensions = array<i32: 1>} : vector<1x128xi32>
    %get3A = arith.constant 0 : index
    %get3A_2 = arith.constant 0 : index
    %get3A_3 = vector.load %arg3[%get3A, %get3A_2] : memref<1x128xf32, #tpu.memory_space<vmem>>, vector<1x128xf32>
    %eq3A_4 = arith.constant 0 : i32
    %eq3A_5 = vector.broadcast %eq3A_4 : i32 to vector<1x128xi32>
    %eq3A_6 = arith.cmpi eq, %iota3A, %eq3A_5 : vector<1x128xi32>
    %jit3A = arith.constant 0.000000e+00 : f32
    %broadcast_in_dim3A = vector.broadcast %jit3A : f32 to vector<1x128xf32>
    %select_n3A = arith.select %eq3A_6, %get3A_3, %broadcast_in_dim3A : vector<1x128xi1>, vector<1x128xf32>
    %reduce_sum3A = vector.shape_cast %select_n3A : vector<1x128xf32> to vector<1x1x128xf32>
    %reduce_sum3A_7 = arith.constant dense<0.000000e+00> : vector<1xf32>
    %reduce_sum3A_8 = vector.multi_reduction <add>, %reduce_sum3A, %reduce_sum3A_7 [1, 2] : vector<1x1x128xf32> to vector<1xf32>
    %reduce_sum3A_9 = vector.shape_cast %reduce_sum3A_8 : vector<1xf32> to vector<1x1x1xf32>
    %reduce_sum3A_10 = vector.extract %reduce_sum3A_9[0, 0, 0] : f32 from vector<1x1x1xf32>
    %eq3A_11 = arith.constant 1 : i32
    %eq3A_12 = vector.broadcast %eq3A_11 : i32 to vector<1x128xi32>
    %eq3A_13 = arith.cmpi eq, %iota3A, %eq3A_12 : vector<1x128xi32>
    %jit3A_14 = arith.constant 0.000000e+00 : f32
    %broadcast_in_dim3A_15 = vector.broadcast %jit3A_14 : f32 to vector<1x128xf32>
    %select_n3A_16 = arith.select %eq3A_13, %get3A_3, %broadcast_in_dim3A_15 : vector<1x128xi1>, vector<1x128xf32>
    %reduce_sum3A_17 = vector.shape_cast %select_n3A_16 : vector<1x128xf32> to vector<1x1x128xf32>
    %reduce_sum3A_18 = arith.constant dense<0.000000e+00> : vector<1xf32>
    %reduce_sum3A_19 = vector.multi_reduction <add>, %reduce_sum3A_17, %reduce_sum3A_18 [1, 2] : vector<1x1x128xf32> to vector<1xf32>
    %reduce_sum3A_20 = vector.shape_cast %reduce_sum3A_19 : vector<1xf32> to vector<1x1x1xf32>
    %reduce_sum3A_21 = vector.extract %reduce_sum3A_20[0, 0, 0] : f32 from vector<1x1x1xf32>
    %eq3A_22 = arith.constant 2 : i32
    %eq3A_23 = vector.broadcast %eq3A_22 : i32 to vector<1x128xi32>
    %eq3A_24 = arith.cmpi eq, %iota3A, %eq3A_23 : vector<1x128xi32>
    %jit3A_25 = arith.constant 0.000000e+00 : f32
    %broadcast_in_dim3A_26 = vector.broadcast %jit3A_25 : f32 to vector<1x128xf32>
    %select_n3A_27 = arith.select %eq3A_24, %get3A_3, %broadcast_in_dim3A_26 : vector<1x128xi1>, vector<1x128xf32>
    %reduce_sum3A_28 = vector.shape_cast %select_n3A_27 : vector<1x128xf32> to vector<1x1x128xf32>
    %reduce_sum3A_29 = arith.constant dense<0.000000e+00> : vector<1xf32>
    %reduce_sum3A_30 = vector.multi_reduction <add>, %reduce_sum3A_28, %reduce_sum3A_29 [1, 2] : vector<1x1x128xf32> to vector<1xf32>
    %reduce_sum3A_31 = vector.shape_cast %reduce_sum3A_30 : vector<1xf32> to vector<1x1x1xf32>
    %reduce_sum3A_32 = vector.extract %reduce_sum3A_31[0, 0, 0] : f32 from vector<1x1x1xf32>
    %add3A = arith.addf %reduce_sum3A_32, %reduce_sum3A_21 : f32
    %gt3A = arith.constant 0.000000e+00 : f32
    %gt3A_33 = arith.cmpf ogt, %add3A, %gt3A : f32
    %mul3A = arith.constant 2.000000e-01 : f32
    %mul3A_34 = arith.mulf %mul3A, %add3A : f32
    %select_n3A_35 = arith.select %gt3A_33, %add3A, %mul3A_34 : f32
    %get3A_36 = arith.constant 0 : index
    %get3A_37 = arith.constant 0 : index
    %get3A_38 = vector.load %arg1[%get3A_36, %get3A_37] : memref<8192x128xbf16, #tpu.memory_space<vmem>>, vector<8192x128xbf16>
    %convert_element_type3A_39 = arith.extf %get3A_38 : vector<8192x128xbf16> to vector<8192x128xf32>
    %iota3A_40 = tpu.iota {dimensions = array<i32: 0>} : vector<8192x128xi32>
    %mul3A_41 = arith.constant 8192 : i32
    %mul3A_42 = arith.muli %arg0, %mul3A_41 : i32
    %add3A_43 = vector.broadcast %mul3A_42 : i32 to vector<8192x128xi32>
    %add3A_44 = arith.addi %add3A_43, %iota3A_40 : vector<8192x128xi32>
    %lt3A = arith.constant 99999 : i32
    %lt3A_45 = vector.broadcast %lt3A : i32 to vector<8192x128xi32>
    %lt3A_46 = arith.cmpi slt, %add3A_44, %lt3A_45 : vector<8192x128xi32>
    %jit3A_47 = arith.constant 0.000000e+00 : f32
    %broadcast_in_dim3A_48 = vector.broadcast %jit3A_47 : f32 to vector<8192x128xf32>
    %select_n3A_49 = arith.select %lt3A_46, %convert_element_type3A_39, %broadcast_in_dim3A_48 : vector<8192x128xi1>, vector<8192x128xf32>
    %get3A_50 = arith.constant 0 : index
    %get3A_51 = arith.constant 0 : index
    %get3A_52 = vector.load %arg4[%get3A_50, %get3A_51] : memref<128x128xbf16, #tpu.memory_space<vmem>>, vector<128x128xbf16>
    %dot_general3A = arith.constant dense<0.000000e+00> : vector<8192x128xf32>
    %dot_general3A_53 = tpu.matmul %get3A_38, %get3A_52, %dot_general3A {dimension_numbers = #tpu.dot_dimension_numbers<[1], [0], [0], [1], [0, 0, 1, 1], [], []>, transpose_lhs_hint = false} : vector<8192x128xbf16>, vector<128x128xbf16>, vector<8192x128xf32> -> vector<8192x128xf32>
    %add3A_54 = vector.broadcast %reduce_sum3A_21 : f32 to vector<8192x128xf32>
    %add3A_55 = arith.addf %dot_general3A_53, %add3A_54 : vector<8192x128xf32>
    %gt3A_56 = arith.constant 0.000000e+00 : f32
    %gt3A_57 = vector.broadcast %gt3A_56 : f32 to vector<8192x128xf32>
    %gt3A_58 = arith.cmpf ogt, %add3A_55, %gt3A_57 : vector<8192x128xf32>
    %mul3A_59 = arith.constant 2.000000e-01 : f32
    %mul3A_60 = vector.broadcast %mul3A_59 : f32 to vector<8192x128xf32>
    %mul3A_61 = arith.mulf %mul3A_60, %add3A_55 : vector<8192x128xf32>
    %select_n3A_62 = arith.select %gt3A_58, %add3A_55, %mul3A_61 : vector<8192x128xi1>, vector<8192x128xf32>
    %jit3A_63 = arith.constant -1.000000e+30 : f32
    %broadcast_in_dim3A_64 = vector.broadcast %jit3A_63 : f32 to vector<8192x128xf32>
    %select_n3A_65 = arith.select %lt3A_46, %select_n3A_62, %broadcast_in_dim3A_64 : vector<8192x128xi1>, vector<8192x128xf32>
    %sub3A = vector.broadcast %select_n3A_35 : f32 to vector<8192x128xf32>
    %sub3A_66 = arith.subf %select_n3A_65, %sub3A : vector<8192x128xf32>
    %exp3A = math.exp %sub3A_66 : vector<8192x128xf32>
    %get3A_67 = arith.constant 0 : index
    %get3A_68 = arith.constant 0 : index
    %get3A_69 = vector.load %arg36[%get3A_67, %get3A_68] : memref<1x128xf32, #tpu.memory_space<vmem>>, vector<1x128xf32>
    %mul3A_70 = arith.mulf %exp3A, %select_n3A_49 : vector<8192x128xf32>
    %reduce_sum3A_71 = arith.constant dense<0.000000e+00> : vector<128xf32>
    %reduce_sum3A_72 = vector.multi_reduction <add>, %mul3A_70, %reduce_sum3A_71 [0] : vector<8192x128xf32> to vector<128xf32>
    %broadcast_in_dim3A_73 = vector.shape_cast %reduce_sum3A_72 : vector<128xf32> to vector<1x128xf32>
    %add3A_74 = arith.addf %get3A_69, %broadcast_in_dim3A_73 : vector<1x128xf32>
    %swap3A = arith.constant 0 : index
    %swap3A_75 = arith.constant 0 : index
    %swap3A_76 = vector.load %arg36[%swap3A, %swap3A_75] : memref<1x128xf32, #tpu.memory_space<vmem>>, vector<1x128xf32>
    tpu.vector_store %arg36[%swap3A, %swap3A_75], %add3A_74 {strides = array<i32>} : memref<1x128xf32, #tpu.memory_space<vmem>>, vector<1x128xf32>,
    %get3A_77 = arith.constant 0 : index
    %get3A_78 = arith.constant 0 : index
    %get3A_79 = vector.load %arg35[%get3A_77, %get3A_78] : memref<1x128xf32, #tpu.memory_space<vmem>>, vector<1x128xf32>
    %reduce_sum3A_80 = arith.constant dense<0.000000e+00> : vector<128xf32>
    %reduce_sum3A_81 = vector.multi_reduction <add>, %exp3A, %reduce_sum3A_80 [0] : vector<8192x128xf32> to vector<128xf32>
    %broadcast_in_dim3A_82 = vector.shape_cast %reduce_sum3A_81 : vector<128xf32> to vector<1x128xf32>
    %add3A_83 = arith.addf %get3A_79, %broadcast_in_dim3A_82 : vector<1x128xf32>
    %swap3A_84 = arith.constant 0 : index
    %swap3A_85 = arith.constant 0 : index
    %swap3A_86 = vector.load %arg35[%swap3A_84, %swap3A_85] : memref<1x128xf32, #tpu.memory_space<vmem>>, vector<1x128xf32>
    tpu.vector_store %arg35[%swap3A_84, %swap3A_85], %add3A_83 {strides = array<i32>} : memref<1x128xf32, #tpu.memory_space<vmem>>, vector<1x128xf32>,
    %eq3A_87 = arith.constant 12 : i32
    %eq3A_88 = arith.cmpi eq, %arg0, %eq3A_87 : i32
    %convert_element_type3A_89 = arith.extui %eq3A_88 : i1 to i32
    %cond3A_90 = arith.constant 0 : i32
    %cond3A_91 = arith.cmpi ne, %convert_element_type3A_89, %cond3A_90 : i32
    scf.if %cond3A_91 {
      %add3A_92 = arith.addf %reduce_sum3A_10, %reduce_sum3A_21 : f32
      %gt3A_93 = arith.constant 0.000000e+00 : f32
      %gt3A_94 = arith.cmpf ogt, %add3A_92, %gt3A_93 : f32
      %mul3A_95 = arith.constant 2.000000e-01 : f32
      %mul3A_96 = arith.mulf %mul3A_95, %add3A_92 : f32
      %select_n3A_97 = arith.select %gt3A_94, %add3A_92, %mul3A_96 : f32
      %sub3A_98 = arith.subf %select_n3A_97, %select_n3A_35 : f32
      %exp3A_99 = math.exp %sub3A_98 : f32
      %get3A_100 = arith.constant 0 : index
      %get3A_101 = arith.constant 0 : index
      %get3A_102 = vector.load %arg36[%get3A_100, %get3A_101] : memref<1x128xf32, #tpu.memory_space<vmem>>, vector<1x128xf32>
      %get3A_103 = arith.constant 0 : index
      %get3A_104 = arith.constant 0 : index
      %get3A_105 = vector.load %arg2[%get3A_103, %get3A_104] : memref<1x128xf32, #tpu.memory_space<vmem>>, vector<1x128xf32>
      %mul3A_106 = vector.broadcast %exp3A_99 : f32 to vector<1x128xf32>
      %mul3A_107 = arith.mulf %mul3A_106, %get3A_105 : vector<1x128xf32>
      %add3A_108 = arith.addf %get3A_102, %mul3A_107 : vector<1x128xf32>
      %get3A_109 = arith.constant 0 : index
      %get3A_110 = arith.constant 0 : index
      %get3A_111 = vector.load %arg35[%get3A_109, %get3A_110] : memref<1x128xf32, #tpu.memory_space<vmem>>, vector<1x128xf32>
      %add3A_112 = vector.broadcast %exp3A_99 : f32 to vector<1x128xf32>
      %add3A_113 = arith.addf %get3A_111, %add3A_112 : vector<1x128xf32>
      %div3A = arith.divf %add3A_108, %add3A_113 : vector<1x128xf32>
      %get3A_114 = arith.constant 0 : index
      %get3A_115 = arith.constant 0 : index
      %get3A_116 = vector.load %arg5[%get3A_114, %get3A_115] : memref<1x128xf32, #tpu.memory_space<vmem>>, vector<1x128xf32>
      %add3A_117 = arith.addf %div3A, %get3A_116 : vector<1x128xf32>
      %max3A = arith.constant 0.000000e+00 : f32
      %max3A_118 = vector.broadcast %max3A : f32 to vector<1x128xf32>
      %max3A_119 = arith.maximumf %add3A_117, %max3A_118 : vector<1x128xf32>
      %get3A_120 = arith.constant 0 : index
      %get3A_121 = arith.constant 0 : index
      %get3A_122 = vector.load %arg6[%get3A_120, %get3A_121] : memref<1x128xf32, #tpu.memory_space<vmem>>, vector<1x128xf32>
      %get3A_123 = arith.constant 0 : index
      %get3A_124 = arith.constant 0 : index
      %get3A_125 = vector.load %arg7[%get3A_123, %get3A_124] : memref<128x128xf32, #tpu.memory_space<vmem>>, vector<128x128xf32>
      %dot_general3A_126 = arith.constant dense<0.000000e+00> : vector<1x128xf32>
      %dot_general3A_127 = tpu.matmul %get3A_122, %get3A_125, %dot_general3A_126 {dimension_numbers = #tpu.dot_dimension_numbers<[1], [0], [0], [1], [0, 0, 1, 1], [], []>, transpose_lhs_hint = false} : vector<1x128xf32>, vector<128x128xf32>, vector<1x128xf32> -> vector<1x128xf32>
      %get3A_128 = arith.constant 0 : index
      %get3A_129 = arith.constant 0 : index
      %get3A_130 = vector.load %arg8[%get3A_128, %get3A_129] : memref<1x128xf32, #tpu.memory_space<vmem>>, vector<1x128xf32>
      %add3A_131 = arith.addf %dot_general3A_127, %get3A_130 : vector<1x128xf32>
      %max3A_132 = arith.constant 0.000000e+00 : f32
      %max3A_133 = vector.broadcast %max3A_132 : f32 to vector<1x128xf32>
      %max3A_134 = arith.maximumf %add3A_131, %max3A_133 : vector<1x128xf32>
      %get3A_135 = arith.constant 0 : index
      %get3A_136 = arith.constant 0 : index
      %get3A_137 = vector.load %arg9[%get3A_135, %get3A_136] : memref<128x128xf32, #tpu.memory_space<vmem>>, vector<128x128xf32>
      %dot_general3A_138 = arith.constant dense<0.000000e+00> : vector<1x128xf32>
      %dot_general3A_139 = tpu.matmul %max3A_134, %get3A_137, %dot_general3A_138 {dimension_numbers = #tpu.dot_dimension_numbers<[1], [0], [0], [1], [0, 0, 1, 1], [], []>, transpose_lhs_hint = false} : vector<1x128xf32>, vector<128x128xf32>, vector<1x128xf32> -> vector<1x128xf32>
      %get3A_140 = arith.constant 0 : index
      %get3A_141 = arith.constant 0 : index
      %get3A_142 = vector.load %arg10[%get3A_140, %get3A_141] : memref<1x128xf32, #tpu.memory_space<vmem>>, vector<1x128xf32>
      %add3A_143 = arith.addf %dot_general3A_139, %get3A_142 : vector<1x128xf32>
      %get3A_144 = arith.constant 0 : index
      %get3A_145 = arith.constant 0 : index
      %get3A_146 = vector.load %arg11[%get3A_144, %get3A_145] : memref<5x128xf32, #tpu.memory_space<vmem>>, vector<5x128xf32>
      %get3A_147 = arith.constant 0 : index
      %get3A_148 = arith.constant 0 : index
      %get3A_149 = vector.load %arg13[%get3A_147, %get3A_148] : memref<128x128xf32, #tpu.memory_space<vmem>>, vector<128x128xf32>
      %dot_general3A_150 = arith.constant dense<0.000000e+00> : vector<5x128xf32>
      %dot_general3A_151 = tpu.matmul %get3A_146, %get3A_149, %dot_general3A_150 {dimension_numbers = #tpu.dot_dimension_numbers<[1], [0], [0], [1], [0, 0, 1, 1], [], []>, transpose_lhs_hint = false} : vector<5x128xf32>, vector<128x128xf32>, vector<5x128xf32> -> vector<5x128xf32>
      %get3A_152 = arith.constant 0 : index
      %get3A_153 = arith.constant 0 : index
      %get3A_154 = vector.load %arg14[%get3A_152, %get3A_153] : memref<1x128xf32, #tpu.memory_space<vmem>>, vector<1x128xf32>
      %add3A_155 = vector.broadcast %get3A_154 : vector<1x128xf32> to vector<5x128xf32>
      %add3A_156 = arith.addf %dot_general3A_151, %add3A_155 : vector<5x128xf32>
      %get3A_157 = arith.constant 0 : index
      %get3A_158 = arith.constant 0 : index
      %get3A_159 = vector.load %arg12[%get3A_157, %get3A_158] : memref<5x128xf32, #tpu.memory_space<vmem>>, vector<5x128xf32>
      %broadcast_in_dim3A_160 = arith.constant 0.000000e+00 : f32
      %broadcast_in_dim3A_161 = vector.broadcast %broadcast_in_dim3A_160 : f32 to vector<1x128xf32>
      %broadcast_in_dim3A_162 = arith.constant 0.000000e+00 : f32
      %broadcast_in_dim3A_163 = vector.broadcast %broadcast_in_dim3A_162 : f32 to vector<1x128xf32>
      %slice3A = vector.extract_strided_slice %add3A_156 {offsets = [0, 0], sizes = [1, 128], strides = [1, 1]} : vector<5x128xf32> to vector<1x128xf32>
      %get3A_164 = arith.constant 0 : index
      %get3A_165 = arith.constant 0 : index
      %get3A_166 = vector.load %arg15[%get3A_164, %get3A_165] : memref<128x512xf32, #tpu.memory_space<vmem>>, vector<128x512xf32>
      %dot_general3A_167 = arith.constant dense<0.000000e+00> : vector<1x512xf32>
      %dot_general3A_168 = tpu.matmul %slice3A, %get3A_166, %dot_general3A_167 {dimension_numbers = #tpu.dot_dimension_numbers<[1], [0], [0], [1], [0, 0, 1, 1], [], []>, transpose_lhs_hint = false} : vector<1x128xf32>, vector<128x512xf32>, vector<1x512xf32> -> vector<1x512xf32>
      %slice3A_169 = vector.extract_strided_slice %get3A_159 {offsets = [0, 0], sizes = [1, 128], strides = [1, 1]} : vector<5x128xf32> to vector<1x128xf32>
      %get3A_170 = arith.constant 0 : index
      %get3A_171 = arith.constant 0 : index
      %get3A_172 = vector.load %arg16[%get3A_170, %get3A_171] : memref<128x512xf32, #tpu.memory_space<vmem>>, vector<128x512xf32>
      %dot_general3A_173 = arith.constant dense<0.000000e+00> : vector<1x512xf32>
      %dot_general3A_174 = tpu.matmul %slice3A_169, %get3A_172, %dot_general3A_173 {dimension_numbers = #tpu.dot_dimension_numbers<[1], [0], [0], [1], [0, 0, 1, 1], [], []>, transpose_lhs_hint = false} : vector<1x128xf32>, vector<128x512xf32>, vector<1x512xf32> -> vector<1x512xf32>
      %add3A_175 = arith.addf %dot_general3A_168, %dot_general3A_174 : vector<1x512xf32>
      %get3A_176 = arith.constant 0 : index
      %get3A_177 = arith.constant 0 : index
      %get3A_178 = vector.load %arg17[%get3A_176, %get3A_177] : memref<1x512xf32, #tpu.memory_space<vmem>>, vector<1x512xf32>
      %add3A_179 = arith.addf %add3A_175, %get3A_178 : vector<1x512xf32>
      %get3A_180 = arith.constant 0 : index
      %get3A_181 = arith.constant 0 : index
      %get3A_182 = vector.load %arg18[%get3A_180, %get3A_181] : memref<128x512xf32, #tpu.memory_space<vmem>>, vector<128x512xf32>
      %dot_general3A_183 = arith.constant dense<0.000000e+00> : vector<1x512xf32>
      %dot_general3A_184 = tpu.matmul %broadcast_in_dim3A_161, %get3A_182, %dot_general3A_183 {dimension_numbers = #tpu.dot_dimension_numbers<[1], [0], [0], [1], [0, 0, 1, 1], [], []>, transpose_lhs_hint = false} : vector<1x128xf32>, vector<128x512xf32>, vector<1x512xf32> -> vector<1x512xf32>
      %add3A_185 = arith.addf %add3A_179, %dot_general3A_184 : vector<1x512xf32>
      %get3A_186 = arith.constant 0 : index
      %get3A_187 = arith.constant 0 : index
      %get3A_188 = vector.load %arg19[%get3A_186, %get3A_187] : memref<1x512xf32, #tpu.memory_space<vmem>>, vector<1x512xf32>
      %add3A_189 = arith.addf %add3A_185, %get3A_188 : vector<1x512xf32>
      %slice3A_190 = vector.extract_strided_slice %add3A_189 {offsets = [0, 0], sizes = [1, 128], strides = [1, 1]} : vector<1x512xf32> to vector<1x128xf32>
      %logistic3A = arith.negf %slice3A_190 : vector<1x128xf32>
      %logistic3A_191 = math.exp %logistic3A : vector<1x128xf32>
      %logistic3A_192 = arith.constant 1.000000e+00 : f32
      %logistic3A_193 = vector.broadcast %logistic3A_192 : f32 to vector<1x128xf32>
      %logistic3A_194 = arith.addf %logistic3A_193, %logistic3A_191 : vector<1x128xf32>
      %logistic3A_195 = arith.divf %logistic3A_193, %logistic3A_194 : vector<1x128xf32>
      %slice3A_196 = vector.extract_strided_slice %add3A_189 {offsets = [0, 128], sizes = [1, 128], strides = [1, 1]} : vector<1x512xf32> to vector<1x128xf32>
      %logistic3A_197 = arith.negf %slice3A_196 : vector<1x128xf32>
      %logistic3A_198 = math.exp %logistic3A_197 : vector<1x128xf32>
      %logistic3A_199 = arith.constant 1.000000e+00 : f32
      %logistic3A_200 = vector.broadcast %logistic3A_199 : f32 to vector<1x128xf32>
      %logistic3A_201 = arith.addf %logistic3A_200, %logistic3A_198 : vector<1x128xf32>
      %logistic3A_202 = arith.divf %logistic3A_200, %logistic3A_201 : vector<1x128xf32>
      %slice3A_203 = vector.extract_strided_slice %add3A_189 {offsets = [0, 256], sizes = [1, 128], strides = [1, 1]} : vector<1x512xf32> to vector<1x128xf32>
      %tanh3A = math.tanh %slice3A_203 : vector<1x128xf32>
      %slice3A_204 = vector.extract_strided_slice %add3A_189 {offsets = [0, 384], sizes = [1, 128], strides = [1, 1]} : vector<1x512xf32> to vector<1x128xf32>
      %logistic3A_205 = arith.negf %slice3A_204 : vector<1x128xf32>
      %logistic3A_206 = math.exp %logistic3A_205 : vector<1x128xf32>
      %logistic3A_207 = arith.constant 1.000000e+00 : f32
      %logistic3A_208 = vector.broadcast %logistic3A_207 : f32 to vector<1x128xf32>
      %logistic3A_209 = arith.addf %logistic3A_208, %logistic3A_206 : vector<1x128xf32>
      %logistic3A_210 = arith.divf %logistic3A_208, %logistic3A_209 : vector<1x128xf32>
      %mul3A_211 = arith.mulf %logistic3A_202, %broadcast_in_dim3A_163 : vector<1x128xf32>
      %mul3A_212 = arith.mulf %logistic3A_195, %tanh3A : vector<1x128xf32>
      %add3A_213 = arith.addf %mul3A_211, %mul3A_212 : vector<1x128xf32>
      %tanh3A_214 = math.tanh %add3A_213 : vector<1x128xf32>
      %mul3A_215 = arith.mulf %logistic3A_210, %tanh3A_214 : vector<1x128xf32>
      %slice3A_216 = vector.extract_strided_slice %add3A_156 {offsets = [1, 0], sizes = [1, 128], strides = [1, 1]} : vector<5x128xf32> to vector<1x128xf32>
      %get3A_217 = arith.constant 0 : index
      %get3A_218 = arith.constant 0 : index
      %get3A_219 = vector.load %arg15[%get3A_217, %get3A_218] : memref<128x512xf32, #tpu.memory_space<vmem>>, vector<128x512xf32>
      %dot_general3A_220 = arith.constant dense<0.000000e+00> : vector<1x512xf32>
      %dot_general3A_221 = tpu.matmul %slice3A_216, %get3A_219, %dot_general3A_220 {dimension_numbers = #tpu.dot_dimension_numbers<[1], [0], [0], [1], [0, 0, 1, 1], [], []>, transpose_lhs_hint = false} : vector<1x128xf32>, vector<128x512xf32>, vector<1x512xf32> -> vector<1x512xf32>
      %slice3A_222 = vector.extract_strided_slice %get3A_159 {offsets = [1, 0], sizes = [1, 128], strides = [1, 1]} : vector<5x128xf32> to vector<1x128xf32>
      %get3A_223 = arith.constant 0 : index
      %get3A_224 = arith.constant 0 : index
      %get3A_225 = vector.load %arg16[%get3A_223, %get3A_224] : memref<128x512xf32, #tpu.memory_space<vmem>>, vector<128x512xf32>
      %dot_general3A_226 = arith.constant dense<0.000000e+00> : vector<1x512xf32>
      %dot_general3A_227 = tpu.matmul %slice3A_222, %get3A_225, %dot_general3A_226 {dimension_numbers = #tpu.dot_dimension_numbers<[1], [0], [0], [1], [0, 0, 1, 1], [], []>, transpose_lhs_hint = false} : vector<1x128xf32>, vector<128x512xf32>, vector<1x512xf32> -> vector<1x512xf32>
      %add3A_228 = arith.addf %dot_general3A_221, %dot_general3A_227 : vector<1x512xf32>
      %get3A_229 = arith.constant 0 : index
      %get3A_230 = arith.constant 0 : index
      %get3A_231 = vector.load %arg17[%get3A_229, %get3A_230] : memref<1x512xf32, #tpu.memory_space<vmem>>, vector<1x512xf32>
      %add3A_232 = arith.addf %add3A_228, %get3A_231 : vector<1x512xf32>
      %get3A_233 = arith.constant 0 : index
      %get3A_234 = arith.constant 0 : index
      %get3A_235 = vector.load %arg18[%get3A_233, %get3A_234] : memref<128x512xf32, #tpu.memory_space<vmem>>, vector<128x512xf32>
      %dot_general3A_236 = arith.constant dense<0.000000e+00> : vector<1x512xf32>
      %dot_general3A_237 = tpu.matmul %mul3A_215, %get3A_235, %dot_general3A_236 {dimension_numbers = #tpu.dot_dimension_numbers<[1], [0], [0], [1], [0, 0, 1, 1], [], []>, transpose_lhs_hint = false} : vector<1x128xf32>, vector<128x512xf32>, vector<1x512xf32> -> vector<1x512xf32>
      %add3A_238 = arith.addf %add3A_232, %dot_general3A_237 : vector<1x512xf32>
      %get3A_239 = arith.constant 0 : index
      %get3A_240 = arith.constant 0 : index
      %get3A_241 = vector.load %arg19[%get3A_239, %get3A_240] : memref<1x512xf32, #tpu.memory_space<vmem>>, vector<1x512xf32>
      %add3A_242 = arith.addf %add3A_238, %get3A_241 : vector<1x512xf32>
      %slice3A_243 = vector.extract_strided_slice %add3A_242 {offsets = [0, 0], sizes = [1, 128], strides = [1, 1]} : vector<1x512xf32> to vector<1x128xf32>
      %logistic3A_244 = arith.negf %slice3A_243 : vector<1x128xf32>
      %logistic3A_245 = math.exp %logistic3A_244 : vector<1x128xf32>
      %logistic3A_246 = arith.constant 1.000000e+00 : f32
      %logistic3A_247 = vector.broadcast %logistic3A_246 : f32 to vector<1x128xf32>
      %logistic3A_248 = arith.addf %logistic3A_247, %logistic3A_245 : vector<1x128xf32>
      %logistic3A_249 = arith.divf %logistic3A_247, %logistic3A_248 : vector<1x128xf32>
      %slice3A_250 = vector.extract_strided_slice %add3A_242 {offsets = [0, 128], sizes = [1, 128], strides = [1, 1]} : vector<1x512xf32> to vector<1x128xf32>
      %logistic3A_251 = arith.negf %slice3A_250 : vector<1x128xf32>
      %logistic3A_252 = math.exp %logistic3A_251 : vector<1x128xf32>
      %logistic3A_253 = arith.constant 1.000000e+00 : f32
      %logistic3A_254 = vector.broadcast %logistic3A_253 : f32 to vector<1x128xf32>
      %logistic3A_255 = arith.addf %logistic3A_254, %logistic3A_252 : vector<1x128xf32>
      %logistic3A_256 = arith.divf %logistic3A_254, %logistic3A_255 : vector<1x128xf32>
      %slice3A_257 = vector.extract_strided_slice %add3A_242 {offsets = [0, 256], sizes = [1, 128], strides = [1, 1]} : vector<1x512xf32> to vector<1x128xf32>
      %tanh3A_258 = math.tanh %slice3A_257 : vector<1x128xf32>
      %slice3A_259 = vector.extract_strided_slice %add3A_242 {offsets = [0, 384], sizes = [1, 128], strides = [1, 1]} : vector<1x512xf32> to vector<1x128xf32>
      %logistic3A_260 = arith.negf %slice3A_259 : vector<1x128xf32>
      %logistic3A_261 = math.exp %logistic3A_260 : vector<1x128xf32>
      %logistic3A_262 = arith.constant 1.000000e+00 : f32
      %logistic3A_263 = vector.broadcast %logistic3A_262 : f32 to vector<1x128xf32>
      %logistic3A_264 = arith.addf %logistic3A_263, %logistic3A_261 : vector<1x128xf32>
      %logistic3A_265 = arith.divf %logistic3A_263, %logistic3A_264 : vector<1x128xf32>
      %mul3A_266 = arith.mulf %logistic3A_256, %add3A_213 : vector<1x128xf32>
      %mul3A_267 = arith.mulf %logistic3A_249, %tanh3A_258 : vector<1x128xf32>
      %add3A_268 = arith.addf %mul3A_266, %mul3A_267 : vector<1x128xf32>
      %tanh3A_269 = math.tanh %add3A_268 : vector<1x128xf32>
      %mul3A_270 = arith.mulf %logistic3A_265, %tanh3A_269 : vector<1x128xf32>
      %slice3A_271 = vector.extract_strided_slice %add3A_156 {offsets = [2, 0], sizes = [1, 128], strides = [1, 1]} : vector<5x128xf32> to vector<1x128xf32>
      %get3A_272 = arith.constant 0 : index
      %get3A_273 = arith.constant 0 : index
      %get3A_274 = vector.load %arg15[%get3A_272, %get3A_273] : memref<128x512xf32, #tpu.memory_space<vmem>>, vector<128x512xf32>
      %dot_general3A_275 = arith.constant dense<0.000000e+00> : vector<1x512xf32>
      %dot_general3A_276 = tpu.matmul %slice3A_271, %get3A_274, %dot_general3A_275 {dimension_numbers = #tpu.dot_dimension_numbers<[1], [0], [0], [1], [0, 0, 1, 1], [], []>, transpose_lhs_hint = false} : vector<1x128xf32>, vector<128x512xf32>, vector<1x512xf32> -> vector<1x512xf32>
      %slice3A_277 = vector.extract_strided_slice %get3A_159 {offsets = [2, 0], sizes = [1, 128], strides = [1, 1]} : vector<5x128xf32> to vector<1x128xf32>
      %get3A_278 = arith.constant 0 : index
      %get3A_279 = arith.constant 0 : index
      %get3A_280 = vector.load %arg16[%get3A_278, %get3A_279] : memref<128x512xf32, #tpu.memory_space<vmem>>, vector<128x512xf32>
      %dot_general3A_281 = arith.constant dense<0.000000e+00> : vector<1x512xf32>
      %dot_general3A_282 = tpu.matmul %slice3A_277, %get3A_280, %dot_general3A_281 {dimension_numbers = #tpu.dot_dimension_numbers<[1], [0], [0], [1], [0, 0, 1, 1], [], []>, transpose_lhs_hint = false} : vector<1x128xf32>, vector<128x512xf32>, vector<1x512xf32> -> vector<1x512xf32>
      %add3A_283 = arith.addf %dot_general3A_276, %dot_general3A_282 : vector<1x512xf32>
      %get3A_284 = arith.constant 0 : index
      %get3A_285 = arith.constant 0 : index
      %get3A_286 = vector.load %arg17[%get3A_284, %get3A_285] : memref<1x512xf32, #tpu.memory_space<vmem>>, vector<1x512xf32>
      %add3A_287 = arith.addf %add3A_283, %get3A_286 : vector<1x512xf32>
      %get3A_288 = arith.constant 0 : index
      %get3A_289 = arith.constant 0 : index
      %get3A_290 = vector.load %arg18[%get3A_288, %get3A_289] : memref<128x512xf32, #tpu.memory_space<vmem>>, vector<128x512xf32>
      %dot_general3A_291 = arith.constant dense<0.000000e+00> : vector<1x512xf32>
      %dot_general3A_292 = tpu.matmul %mul3A_270, %get3A_290, %dot_general3A_291 {dimension_numbers = #tpu.dot_dimension_numbers<[1], [0], [0], [1], [0, 0, 1, 1], [], []>, transpose_lhs_hint = false} : vector<1x128xf32>, vector<128x512xf32>, vector<1x512xf32> -> vector<1x512xf32>
      %add3A_293 = arith.addf %add3A_287, %dot_general3A_292 : vector<1x512xf32>
      %get3A_294 = arith.constant 0 : index
      %get3A_295 = arith.constant 0 : index
      %get3A_296 = vector.load %arg19[%get3A_294, %get3A_295] : memref<1x512xf32, #tpu.memory_space<vmem>>, vector<1x512xf32>
      %add3A_297 = arith.addf %add3A_293, %get3A_296 : vector<1x512xf32>
      %slice3A_298 = vector.extract_strided_slice %add3A_297 {offsets = [0, 0], sizes = [1, 128], strides = [1, 1]} : vector<1x512xf32> to vector<1x128xf32>
      %logistic3A_299 = arith.negf %slice3A_298 : vector<1x128xf32>
      %logistic3A_300 = math.exp %logistic3A_299 : vector<1x128xf32>
      %logistic3A_301 = arith.constant 1.000000e+00 : f32
      %logistic3A_302 = vector.broadcast %logistic3A_301 : f32 to vector<1x128xf32>
      %logistic3A_303 = arith.addf %logistic3A_302, %logistic3A_300 : vector<1x128xf32>
      %logistic3A_304 = arith.divf %logistic3A_302, %logistic3A_303 : vector<1x128xf32>
      %slice3A_305 = vector.extract_strided_slice %add3A_297 {offsets = [0, 128], sizes = [1, 128], strides = [1, 1]} : vector<1x512xf32> to vector<1x128xf32>
      %logistic3A_306 = arith.negf %slice3A_305 : vector<1x128xf32>
      %logistic3A_307 = math.exp %logistic3A_306 : vector<1x128xf32>
      %logistic3A_308 = arith.constant 1.000000e+00 : f32
      %logistic3A_309 = vector.broadcast %logistic3A_308 : f32 to vector<1x128xf32>
      %logistic3A_310 = arith.addf %logistic3A_309, %logistic3A_307 : vector<1x128xf32>
      %logistic3A_311 = arith.divf %logistic3A_309, %logistic3A_310 : vector<1x128xf32>
      %slice3A_312 = vector.extract_strided_slice %add3A_297 {offsets = [0, 256], sizes = [1, 128], strides = [1, 1]} : vector<1x512xf32> to vector<1x128xf32>
      %tanh3A_313 = math.tanh %slice3A_312 : vector<1x128xf32>
      %slice3A_314 = vector.extract_strided_slice %add3A_297 {offsets = [0, 384], sizes = [1, 128], strides = [1, 1]} : vector<1x512xf32> to vector<1x128xf32>
      %logistic3A_315 = arith.negf %slice3A_314 : vector<1x128xf32>
      %logistic3A_316 = math.exp %logistic3A_315 : vector<1x128xf32>
      %logistic3A_317 = arith.constant 1.000000e+00 : f32
      %logistic3A_318 = vector.broadcast %logistic3A_317 : f32 to vector<1x128xf32>
      %logistic3A_319 = arith.addf %logistic3A_318, %logistic3A_316 : vector<1x128xf32>
      %logistic3A_320 = arith.divf %logistic3A_318, %logistic3A_319 : vector<1x128xf32>
      %mul3A_321 = arith.mulf %logistic3A_311, %add3A_268 : vector<1x128xf32>
      %mul3A_322 = arith.mulf %logistic3A_304, %tanh3A_313 : vector<1x128xf32>
      %add3A_323 = arith.addf %mul3A_321, %mul3A_322 : vector<1x128xf32>
      %tanh3A_324 = math.tanh %add3A_323 : vector<1x128xf32>
      %mul3A_325 = arith.mulf %logistic3A_320, %tanh3A_324 : vector<1x128xf32>
      %slice3A_326 = vector.extract_strided_slice %add3A_156 {offsets = [3, 0], sizes = [1, 128], strides = [1, 1]} : vector<5x128xf32> to vector<1x128xf32>
      %get3A_327 = arith.constant 0 : index
      %get3A_328 = arith.constant 0 : index
      %get3A_329 = vector.load %arg15[%get3A_327, %get3A_328] : memref<128x512xf32, #tpu.memory_space<vmem>>, vector<128x512xf32>
      %dot_general3A_330 = arith.constant dense<0.000000e+00> : vector<1x512xf32>
      %dot_general3A_331 = tpu.matmul %slice3A_326, %get3A_329, %dot_general3A_330 {dimension_numbers = #tpu.dot_dimension_numbers<[1], [0], [0], [1], [0, 0, 1, 1], [], []>, transpose_lhs_hint = false} : vector<1x128xf32>, vector<128x512xf32>, vector<1x512xf32> -> vector<1x512xf32>
      %slice3A_332 = vector.extract_strided_slice %get3A_159 {offsets = [3, 0], sizes = [1, 128], strides = [1, 1]} : vector<5x128xf32> to vector<1x128xf32>
      %get3A_333 = arith.constant 0 : index
      %get3A_334 = arith.constant 0 : index
      %get3A_335 = vector.load %arg16[%get3A_333, %get3A_334] : memref<128x512xf32, #tpu.memory_space<vmem>>, vector<128x512xf32>
      %dot_general3A_336 = arith.constant dense<0.000000e+00> : vector<1x512xf32>
      %dot_general3A_337 = tpu.matmul %slice3A_332, %get3A_335, %dot_general3A_336 {dimension_numbers = #tpu.dot_dimension_numbers<[1], [0], [0], [1], [0, 0, 1, 1], [], []>, transpose_lhs_hint = false} : vector<1x128xf32>, vector<128x512xf32>, vector<1x512xf32> -> vector<1x512xf32>
      %add3A_338 = arith.addf %dot_general3A_331, %dot_general3A_337 : vector<1x512xf32>
      %get3A_339 = arith.constant 0 : index
      %get3A_340 = arith.constant 0 : index
      %get3A_341 = vector.load %arg17[%get3A_339, %get3A_340] : memref<1x512xf32, #tpu.memory_space<vmem>>, vector<1x512xf32>
      %add3A_342 = arith.addf %add3A_338, %get3A_341 : vector<1x512xf32>
      %get3A_343 = arith.constant 0 : index
      %get3A_344 = arith.constant 0 : index
      %get3A_345 = vector.load %arg18[%get3A_343, %get3A_344] : memref<128x512xf32, #tpu.memory_space<vmem>>, vector<128x512xf32>
      %dot_general3A_346 = arith.constant dense<0.000000e+00> : vector<1x512xf32>
      %dot_general3A_347 = tpu.matmul %mul3A_325, %get3A_345, %dot_general3A_346 {dimension_numbers = #tpu.dot_dimension_numbers<[1], [0], [0], [1], [0, 0, 1, 1], [], []>, transpose_lhs_hint = false} : vector<1x128xf32>, vector<128x512xf32>, vector<1x512xf32> -> vector<1x512xf32>
      %add3A_348 = arith.addf %add3A_342, %dot_general3A_347 : vector<1x512xf32>
      %get3A_349 = arith.constant 0 : index
      %get3A_350 = arith.constant 0 : index
      %get3A_351 = vector.load %arg19[%get3A_349, %get3A_350] : memref<1x512xf32, #tpu.memory_space<vmem>>, vector<1x512xf32>
      %add3A_352 = arith.addf %add3A_348, %get3A_351 : vector<1x512xf32>
      %slice3A_353 = vector.extract_strided_slice %add3A_352 {offsets = [0, 0], sizes = [1, 128], strides = [1, 1]} : vector<1x512xf32> to vector<1x128xf32>
      %logistic3A_354 = arith.negf %slice3A_353 : vector<1x128xf32>
      %logistic3A_355 = math.exp %logistic3A_354 : vector<1x128xf32>
      %logistic3A_356 = arith.constant 1.000000e+00 : f32
      %logistic3A_357 = vector.broadcast %logistic3A_356 : f32 to vector<1x128xf32>
      %logistic3A_358 = arith.addf %logistic3A_357, %logistic3A_355 : vector<1x128xf32>
      %logistic3A_359 = arith.divf %logistic3A_357, %logistic3A_358 : vector<1x128xf32>
      %slice3A_360 = vector.extract_strided_slice %add3A_352 {offsets = [0, 128], sizes = [1, 128], strides = [1, 1]} : vector<1x512xf32> to vector<1x128xf32>
      %logistic3A_361 = arith.negf %slice3A_360 : vector<1x128xf32>
      %logistic3A_362 = math.exp %logistic3A_361 : vector<1x128xf32>
      %logistic3A_363 = arith.constant 1.000000e+00 : f32
      %logistic3A_364 = vector.broadcast %logistic3A_363 : f32 to vector<1x128xf32>
      %logistic3A_365 = arith.addf %logistic3A_364, %logistic3A_362 : vector<1x128xf32>
      %logistic3A_366 = arith.divf %logistic3A_364, %logistic3A_365 : vector<1x128xf32>
      %slice3A_367 = vector.extract_strided_slice %add3A_352 {offsets = [0, 256], sizes = [1, 128], strides = [1, 1]} : vector<1x512xf32> to vector<1x128xf32>
      %tanh3A_368 = math.tanh %slice3A_367 : vector<1x128xf32>
      %slice3A_369 = vector.extract_strided_slice %add3A_352 {offsets = [0, 384], sizes = [1, 128], strides = [1, 1]} : vector<1x512xf32> to vector<1x128xf32>
      %logistic3A_370 = arith.negf %slice3A_369 : vector<1x128xf32>
      %logistic3A_371 = math.exp %logistic3A_370 : vector<1x128xf32>
      %logistic3A_372 = arith.constant 1.000000e+00 : f32
      %logistic3A_373 = vector.broadcast %logistic3A_372 : f32 to vector<1x128xf32>
      %logistic3A_374 = arith.addf %logistic3A_373, %logistic3A_371 : vector<1x128xf32>
      %logistic3A_375 = arith.divf %logistic3A_373, %logistic3A_374 : vector<1x128xf32>
      %mul3A_376 = arith.mulf %logistic3A_366, %add3A_323 : vector<1x128xf32>
      %mul3A_377 = arith.mulf %logistic3A_359, %tanh3A_368 : vector<1x128xf32>
      %add3A_378 = arith.addf %mul3A_376, %mul3A_377 : vector<1x128xf32>
      %tanh3A_379 = math.tanh %add3A_378 : vector<1x128xf32>
      %mul3A_380 = arith.mulf %logistic3A_375, %tanh3A_379 : vector<1x128xf32>
      %slice3A_381 = vector.extract_strided_slice %add3A_156 {offsets = [4, 0], sizes = [1, 128], strides = [1, 1]} : vector<5x128xf32> to vector<1x128xf32>
      %get3A_382 = arith.constant 0 : index
      %get3A_383 = arith.constant 0 : index
      %get3A_384 = vector.load %arg15[%get3A_382, %get3A_383] : memref<128x512xf32, #tpu.memory_space<vmem>>, vector<128x512xf32>
      %dot_general3A_385 = arith.constant dense<0.000000e+00> : vector<1x512xf32>
      %dot_general3A_386 = tpu.matmul %slice3A_381, %get3A_384, %dot_general3A_385 {dimension_numbers = #tpu.dot_dimension_numbers<[1], [0], [0], [1], [0, 0, 1, 1], [], []>, transpose_lhs_hint = false} : vector<1x128xf32>, vector<128x512xf32>, vector<1x512xf32> -> vector<1x512xf32>
      %slice3A_387 = vector.extract_strided_slice %get3A_159 {offsets = [4, 0], sizes = [1, 128], strides = [1, 1]} : vector<5x128xf32> to vector<1x128xf32>
      %get3A_388 = arith.constant 0 : index
      %get3A_389 = arith.constant 0 : index
      %get3A_390 = vector.load %arg16[%get3A_388, %get3A_389] : memref<128x512xf32, #tpu.memory_space<vmem>>, vector<128x512xf32>
      %dot_general3A_391 = arith.constant dense<0.000000e+00> : vector<1x512xf32>
      %dot_general3A_392 = tpu.matmul %slice3A_387, %get3A_390, %dot_general3A_391 {dimension_numbers = #tpu.dot_dimension_numbers<[1], [0], [0], [1], [0, 0, 1, 1], [], []>, transpose_lhs_hint = false} : vector<1x128xf32>, vector<128x512xf32>, vector<1x512xf32> -> vector<1x512xf32>
      %add3A_393 = arith.addf %dot_general3A_386, %dot_general3A_392 : vector<1x512xf32>
      %get3A_394 = arith.constant 0 : index
      %get3A_395 = arith.constant 0 : index
      %get3A_396 = vector.load %arg17[%get3A_394, %get3A_395] : memref<1x512xf32, #tpu.memory_space<vmem>>, vector<1x512xf32>
      %add3A_397 = arith.addf %add3A_393, %get3A_396 : vector<1x512xf32>
      %get3A_398 = arith.constant 0 : index
      %get3A_399 = arith.constant 0 : index
      %get3A_400 = vector.load %arg18[%get3A_398, %get3A_399] : memref<128x512xf32, #tpu.memory_space<vmem>>, vector<128x512xf32>
      %dot_general3A_401 = arith.constant dense<0.000000e+00> : vector<1x512xf32>
      %dot_general3A_402 = tpu.matmul %mul3A_380, %get3A_400, %dot_general3A_401 {dimension_numbers = #tpu.dot_dimension_numbers<[1], [0], [0], [1], [0, 0, 1, 1], [], []>, transpose_lhs_hint = false} : vector<1x128xf32>, vector<128x512xf32>, vector<1x512xf32> -> vector<1x512xf32>
      %add3A_403 = arith.addf %add3A_397, %dot_general3A_402 : vector<1x512xf32>
      %get3A_404 = arith.constant 0 : index
      %get3A_405 = arith.constant 0 : index
      %get3A_406 = vector.load %arg19[%get3A_404, %get3A_405] : memref<1x512xf32, #tpu.memory_space<vmem>>, vector<1x512xf32>
      %add3A_407 = arith.addf %add3A_403, %get3A_406 : vector<1x512xf32>
      %slice3A_408 = vector.extract_strided_slice %add3A_407 {offsets = [0, 0], sizes = [1, 128], strides = [1, 1]} : vector<1x512xf32> to vector<1x128xf32>
      %logistic3A_409 = arith.negf %slice3A_408 : vector<1x128xf32>
      %logistic3A_410 = math.exp %logistic3A_409 : vector<1x128xf32>
      %logistic3A_411 = arith.constant 1.000000e+00 : f32
      %logistic3A_412 = vector.broadcast %logistic3A_411 : f32 to vector<1x128xf32>
      %logistic3A_413 = arith.addf %logistic3A_412, %logistic3A_410 : vector<1x128xf32>
      %logistic3A_414 = arith.divf %logistic3A_412, %logistic3A_413 : vector<1x128xf32>
      %slice3A_415 = vector.extract_strided_slice %add3A_407 {offsets = [0, 128], sizes = [1, 128], strides = [1, 1]} : vector<1x512xf32> to vector<1x128xf32>
      %logistic3A_416 = arith.negf %slice3A_415 : vector<1x128xf32>
      %logistic3A_417 = math.exp %logistic3A_416 : vector<1x128xf32>
      %logistic3A_418 = arith.constant 1.000000e+00 : f32
      %logistic3A_419 = vector.broadcast %logistic3A_418 : f32 to vector<1x128xf32>
      %logistic3A_420 = arith.addf %logistic3A_419, %logistic3A_417 : vector<1x128xf32>
      %logistic3A_421 = arith.divf %logistic3A_419, %logistic3A_420 : vector<1x128xf32>
      %slice3A_422 = vector.extract_strided_slice %add3A_407 {offsets = [0, 256], sizes = [1, 128], strides = [1, 1]} : vector<1x512xf32> to vector<1x128xf32>
      %tanh3A_423 = math.tanh %slice3A_422 : vector<1x128xf32>
      %slice3A_424 = vector.extract_strided_slice %add3A_407 {offsets = [0, 384], sizes = [1, 128], strides = [1, 1]} : vector<1x512xf32> to vector<1x128xf32>
      %logistic3A_425 = arith.negf %slice3A_424 : vector<1x128xf32>
      %logistic3A_426 = math.exp %logistic3A_425 : vector<1x128xf32>
      %logistic3A_427 = arith.constant 1.000000e+00 : f32
      %logistic3A_428 = vector.broadcast %logistic3A_427 : f32 to vector<1x128xf32>
      %logistic3A_429 = arith.addf %logistic3A_428, %logistic3A_426 : vector<1x128xf32>
      %logistic3A_430 = arith.divf %logistic3A_428, %logistic3A_429 : vector<1x128xf32>
      %mul3A_431 = arith.mulf %logistic3A_421, %add3A_378 : vector<1x128xf32>
      %mul3A_432 = arith.mulf %logistic3A_414, %tanh3A_423 : vector<1x128xf32>
      %add3A_433 = arith.addf %mul3A_431, %mul3A_432 : vector<1x128xf32>
      %tanh3A_434 = math.tanh %add3A_433 : vector<1x128xf32>
      %mul3A_435 = arith.mulf %logistic3A_430, %tanh3A_434 : vector<1x128xf32>
      %get3A_436 = arith.constant 0 : index
      %get3A_437 = arith.constant 0 : index
      %get3A_438 = vector.load %arg20[%get3A_436, %get3A_437] : memref<128x128xf32, #tpu.memory_space<vmem>>, vector<128x128xf32>
      %dot_general3A_439 = arith.constant dense<0.000000e+00> : vector<1x128xf32>
      %dot_general3A_440 = tpu.matmul %add3A_143, %get3A_438, %dot_general3A_439 {dimension_numbers = #tpu.dot_dimension_numbers<[1], [0], [0], [1], [0, 0, 1, 1], [], []>, transpose_lhs_hint = false} : vector<1x128xf32>, vector<128x128xf32>, vector<1x128xf32> -> vector<1x128xf32>
      %get3A_441 = arith.constant 0 : index
      %get3A_442 = arith.constant 0 : index
      %get3A_443 = vector.load %arg21[%get3A_441, %get3A_442] : memref<1x128xf32, #tpu.memory_space<vmem>>, vector<1x128xf32>
      %add3A_444 = arith.addf %dot_general3A_440, %get3A_443 : vector<1x128xf32>
      %get3A_445 = arith.constant 0 : index
      %get3A_446 = arith.constant 0 : index
      %get3A_447 = vector.load %arg22[%get3A_445, %get3A_446] : memref<128x128xf32, #tpu.memory_space<vmem>>, vector<128x128xf32>
      %dot_general3A_448 = arith.constant dense<0.000000e+00> : vector<1x128xf32>
      %dot_general3A_449 = tpu.matmul %mul3A_435, %get3A_447, %dot_general3A_448 {dimension_numbers = #tpu.dot_dimension_numbers<[1], [0], [0], [1], [0, 0, 1, 1], [], []>, transpose_lhs_hint = false} : vector<1x128xf32>, vector<128x128xf32>, vector<1x128xf32> -> vector<1x128xf32>
      %get3A_450 = arith.constant 0 : index
      %get3A_451 = arith.constant 0 : index
      %get3A_452 = vector.load %arg23[%get3A_450, %get3A_451] : memref<1x128xf32, #tpu.memory_space<vmem>>, vector<1x128xf32>
      %add3A_453 = arith.addf %dot_general3A_449, %get3A_452 : vector<1x128xf32>
      %get3A_454 = arith.constant 0 : index
      %get3A_455 = arith.constant 0 : index
      %get3A_456 = vector.load %arg24[%get3A_454, %get3A_455] : memref<128x128xf32, #tpu.memory_space<vmem>>, vector<128x128xf32>
      %dot_general3A_457 = arith.constant dense<0.000000e+00> : vector<1x128xf32>
      %dot_general3A_458 = tpu.matmul %max3A_119, %get3A_456, %dot_general3A_457 {dimension_numbers = #tpu.dot_dimension_numbers<[1], [0], [0], [1], [0, 0, 1, 1], [], []>, transpose_lhs_hint = false} : vector<1x128xf32>, vector<128x128xf32>, vector<1x128xf32> -> vector<1x128xf32>
      %get3A_459 = arith.constant 0 : index
      %get3A_460 = arith.constant 0 : index
      %get3A_461 = vector.load %arg25[%get3A_459, %get3A_460] : memref<1x128xf32, #tpu.memory_space<vmem>>, vector<1x128xf32>
      %add3A_462 = arith.addf %dot_general3A_458, %get3A_461 : vector<1x128xf32>
      %get3A_463 = arith.constant 0 : index
      %get3A_464 = arith.constant 0 : index
      %get3A_465 = vector.load %arg26[%get3A_463, %get3A_464] : memref<128x128xf32, #tpu.memory_space<vmem>>, vector<128x128xf32>
      %dot_general3A_466 = arith.constant dense<0.000000e+00> : vector<1x128xf32>
      %dot_general3A_467 = tpu.matmul %add3A_444, %get3A_465, %dot_general3A_466 {dimension_numbers = #tpu.dot_dimension_numbers<[1], [0], [0], [1], [0, 0, 1, 1], [], []>, transpose_lhs_hint = false} : vector<1x128xf32>, vector<128x128xf32>, vector<1x128xf32> -> vector<1x128xf32>
      %get3A_468 = arith.constant 0 : index
      %get3A_469 = arith.constant 0 : index
      %get3A_470 = vector.load %arg27[%get3A_468, %get3A_469] : memref<128x128xf32, #tpu.memory_space<vmem>>, vector<128x128xf32>
      %dot_general3A_471 = arith.constant dense<0.000000e+00> : vector<1x128xf32>
      %dot_general3A_472 = tpu.matmul %add3A_453, %get3A_470, %dot_general3A_471 {dimension_numbers = #tpu.dot_dimension_numbers<[1], [0], [0], [1], [0, 0, 1, 1], [], []>, transpose_lhs_hint = false} : vector<1x128xf32>, vector<128x128xf32>, vector<1x128xf32> -> vector<1x128xf32>
      %add3A_473 = arith.addf %dot_general3A_467, %dot_general3A_472 : vector<1x128xf32>
      %get3A_474 = arith.constant 0 : index
      %get3A_475 = arith.constant 0 : index
      %get3A_476 = vector.load %arg28[%get3A_474, %get3A_475] : memref<128x128xf32, #tpu.memory_space<vmem>>, vector<128x128xf32>
      %dot_general3A_477 = arith.constant dense<0.000000e+00> : vector<1x128xf32>
      %dot_general3A_478 = tpu.matmul %add3A_462, %get3A_476, %dot_general3A_477 {dimension_numbers = #tpu.dot_dimension_numbers<[1], [0], [0], [1], [0, 0, 1, 1], [], []>, transpose_lhs_hint = false} : vector<1x128xf32>, vector<128x128xf32>, vector<1x128xf32> -> vector<1x128xf32>
      %add3A_479 = arith.addf %add3A_473, %dot_general3A_478 : vector<1x128xf32>
      %get3A_480 = arith.constant 0 : index
      %get3A_481 = arith.constant 0 : index
      %get3A_482 = vector.load %arg29[%get3A_480, %get3A_481] : memref<1x128xf32, #tpu.memory_space<vmem>>, vector<1x128xf32>
      %add3A_483 = arith.addf %add3A_479, %get3A_482 : vector<1x128xf32>
      %max3A_484 = arith.constant 0.000000e+00 : f32
      %max3A_485 = vector.broadcast %max3A_484 : f32 to vector<1x128xf32>
      %max3A_486 = arith.maximumf %add3A_483, %max3A_485 : vector<1x128xf32>
      %get3A_487 = arith.constant 0 : index
      %get3A_488 = arith.constant 0 : index
      %get3A_489 = vector.load %arg30[%get3A_487, %get3A_488] : memref<128x64xf32, #tpu.memory_space<vmem>>, vector<128x64xf32>
      %dot_general3A_490 = arith.constant dense<0.000000e+00> : vector<1x64xf32>
      %dot_general3A_491 = tpu.matmul %max3A_486, %get3A_489, %dot_general3A_490 {dimension_numbers = #tpu.dot_dimension_numbers<[1], [0], [0], [1], [0, 0, 1, 1], [], []>, transpose_lhs_hint = false} : vector<1x128xf32>, vector<128x64xf32>, vector<1x64xf32> -> vector<1x64xf32>
      %get3A_492 = arith.constant 0 : index
      %get3A_493 = arith.constant 0 : index
      %get3A_494 = vector.load %arg31[%get3A_492, %get3A_493] : memref<1x64xf32, #tpu.memory_space<vmem>>, vector<1x64xf32>
      %add3A_495 = arith.addf %dot_general3A_491, %get3A_494 : vector<1x64xf32>
      %max3A_496 = arith.constant 0.000000e+00 : f32
      %max3A_497 = vector.broadcast %max3A_496 : f32 to vector<1x64xf32>
      %max3A_498 = arith.maximumf %add3A_495, %max3A_497 : vector<1x64xf32>
      %get3A_499 = arith.constant 0 : index
      %get3A_500 = arith.constant 0 : index
      %get3A_501 = vector.load %arg32[%get3A_499, %get3A_500] : memref<64x1024xf32, #tpu.memory_space<vmem>>, vector<64x1024xf32>
      %dot_general3A_502 = arith.constant dense<0.000000e+00> : vector<1024x1xf32>
      %dot_general3A_503 = tpu.matmul %get3A_501, %max3A_498, %dot_general3A_502 {dimension_numbers = #tpu.dot_dimension_numbers<[0], [1], [1], [0], [0, 1, 1, 0], [], []>, transpose_lhs_hint = false} : vector<64x1024xf32>, vector<1x64xf32>, vector<1024x1xf32> -> vector<1024x1xf32>
      %get3A_504 = arith.constant 0 : index
      %get3A_505 = arith.constant 0 : index
      %get3A_506 = vector.load %arg33[%get3A_504, %get3A_505] : memref<1024x1xf32, #tpu.memory_space<vmem>>, vector<1024x1xf32>
      %add3A_507 = arith.addf %dot_general3A_503, %get3A_506 : vector<1024x1xf32>
      %broadcast_in_dim3A_508 = vector.shape_cast %add3A_507 : vector<1024x1xf32> to vector<1024x1xf32>
      %broadcast_in_dim3A_509 = vector.broadcast %broadcast_in_dim3A_508 : vector<1024x1xf32> to vector<1024x128xf32>
      %swap3A_510 = arith.constant 0 : index
      %swap3A_511 = arith.constant 0 : index
      %swap3A_512 = vector.load %arg34[%swap3A_510, %swap3A_511] : memref<1024x128xf32, #tpu.memory_space<vmem>>, vector<1024x128xf32>
      tpu.vector_store %arg34[%swap3A_510, %swap3A_511], %broadcast_in_dim3A_509 {strides = array<i32>} : memref<1024x128xf32, #tpu.memory_space<vmem>>, vector<1024x128xf32>,
    } else {
    }
    return
  }
  func.func @transform_0(%arg0: i32) -> (i32, i32) {
    %c0_i32 = arith.constant 0 : i32
    %c0_i32_0 = arith.constant 0 : i32
    return %arg0, %c0_i32 : i32, i32
  }
  func.func @transform_1(%arg0: i32) -> (i32, i32) {
    %c0_i32 = arith.constant 0 : i32
    %c0_i32_0 = arith.constant 0 : i32
    %c0_i32_1 = arith.constant 0 : i32
    return %c0_i32, %c0_i32_0 : i32, i32
  }
  func.func @transform_2(%arg0: i32) -> (i32, i32) {
    %c0_i32 = arith.constant 0 : i32
    %c0_i32_0 = arith.constant 0 : i32
    %c0_i32_1 = arith.constant 0 : i32
    return %c0_i32, %c0_i32_0 : i32, i32
  }
  func.func @transform_3(%arg0: i32) -> (i32, i32) {
    %c0_i32 = arith.constant 0 : i32
    %c0_i32_0 = arith.constant 0 : i32
    %c0_i32_1 = arith.constant 0 : i32
    return %c0_i32, %c0_i32_0 : i32, i32
  }
  func.func @transform_4(%arg0: i32) -> (i32, i32) {
    %c0_i32 = arith.constant 0 : i32
    %c0_i32_0 = arith.constant 0 : i32
    %c0_i32_1 = arith.constant 0 : i32
    return %c0_i32, %c0_i32_0 : i32, i32
  }
  func.func @transform_5(%arg0: i32) -> (i32, i32) {
    %c0_i32 = arith.constant 0 : i32
    %c0_i32_0 = arith.constant 0 : i32
    %c0_i32_1 = arith.constant 0 : i32
    return %c0_i32, %c0_i32_0 : i32, i32
  }
  func.func @transform_6(%arg0: i32) -> (i32, i32) {
    %c0_i32 = arith.constant 0 : i32
    %c0_i32_0 = arith.constant 0 : i32
    %c0_i32_1 = arith.constant 0 : i32
    return %c0_i32, %c0_i32_0 : i32, i32
  }
  func.func @transform_7(%arg0: i32) -> (i32, i32) {
    %c0_i32 = arith.constant 0 : i32
    %c0_i32_0 = arith.constant 0 : i32
    %c0_i32_1 = arith.constant 0 : i32
    return %c0_i32, %c0_i32_0 : i32, i32
  }
  func.func @transform_8(%arg0: i32) -> (i32, i32) {
    %c0_i32 = arith.constant 0 : i32
    %c0_i32_0 = arith.constant 0 : i32
    %c0_i32_1 = arith.constant 0 : i32
    return %c0_i32, %c0_i32_0 : i32, i32
  }
  func.func @transform_9(%arg0: i32) -> (i32, i32) {
    %c0_i32 = arith.constant 0 : i32
    %c0_i32_0 = arith.constant 0 : i32
    %c0_i32_1 = arith.constant 0 : i32
    return %c0_i32, %c0_i32_0 : i32, i32
  }
  func.func @transform_10(%arg0: i32) -> (i32, i32) {
    %c0_i32 = arith.constant 0 : i32
    %c0_i32_0 = arith.constant 0 : i32
    %c0_i32_1 = arith.constant 0 : i32
    return %c0_i32, %c0_i32_0 : i32, i32
  }
  func.func @transform_11(%arg0: i32) -> (i32, i32) {
    %c0_i32 = arith.constant 0 : i32
    %c0_i32_0 = arith.constant 0 : i32
    %c0_i32_1 = arith.constant 0 : i32
    return %c0_i32, %c0_i32_0 : i32, i32
  }
  func.func @transform_12(%arg0: i32) -> (i32, i32) {
    %c0_i32 = arith.constant 0 : i32
    %c0_i32_0 = arith.constant 0 : i32
    %c0_i32_1 = arith.constant 0 : i32
    return %c0_i32, %c0_i32_0 : i32, i32
  }
  func.func @transform_13(%arg0: i32) -> (i32, i32) {
    %c0_i32 = arith.constant 0 : i32
    %c0_i32_0 = arith.constant 0 : i32
    %c0_i32_1 = arith.constant 0 : i32
    return %c0_i32, %c0_i32_0 : i32, i32
  }
  func.func @transform_14(%arg0: i32) -> (i32, i32) {
    %c0_i32 = arith.constant 0 : i32
    %c0_i32_0 = arith.constant 0 : i32
    %c0_i32_1 = arith.constant 0 : i32
    return %c0_i32, %c0_i32_0 : i32, i32
  }
  func.func @transform_15(%arg0: i32) -> (i32, i32) {
    %c0_i32 = arith.constant 0 : i32
    %c0_i32_0 = arith.constant 0 : i32
    %c0_i32_1 = arith.constant 0 : i32
    return %c0_i32, %c0_i32_0 : i32, i32
  }
  func.func @transform_16(%arg0: i32) -> (i32, i32) {
    %c0_i32 = arith.constant 0 : i32
    %c0_i32_0 = arith.constant 0 : i32
    %c0_i32_1 = arith.constant 0 : i32
    return %c0_i32, %c0_i32_0 : i32, i32
  }
  func.func @transform_17(%arg0: i32) -> (i32, i32) {
    %c0_i32 = arith.constant 0 : i32
    %c0_i32_0 = arith.constant 0 : i32
    %c0_i32_1 = arith.constant 0 : i32
    return %c0_i32, %c0_i32_0 : i32, i32
  }
  func.func @transform_18(%arg0: i32) -> (i32, i32) {
    %c0_i32 = arith.constant 0 : i32
    %c0_i32_0 = arith.constant 0 : i32
    %c0_i32_1 = arith.constant 0 : i32
    return %c0_i32, %c0_i32_0 : i32, i32
  }
  func.func @transform_19(%arg0: i32) -> (i32, i32) {
    %c0_i32 = arith.constant 0 : i32
    %c0_i32_0 = arith.constant 0 : i32
    %c0_i32_1 = arith.constant 0 : i32
    return %c0_i32, %c0_i32_0 : i32, i32
  }
  func.func @transform_20(%arg0: i32) -> (i32, i32) {
    %c0_i32 = arith.constant 0 : i32
    %c0_i32_0 = arith.constant 0 : i32
    %c0_i32_1 = arith.constant 0 : i32
    return %c0_i32, %c0_i32_0 : i32, i32
  }
  func.func @transform_21(%arg0: i32) -> (i32, i32) {
    %c0_i32 = arith.constant 0 : i32
    %c0_i32_0 = arith.constant 0 : i32
    %c0_i32_1 = arith.constant 0 : i32
    return %c0_i32, %c0_i32_0 : i32, i32
  }
  func.func @transform_22(%arg0: i32) -> (i32, i32) {
    %c0_i32 = arith.constant 0 : i32
    %c0_i32_0 = arith.constant 0 : i32
    %c0_i32_1 = arith.constant 0 : i32
    return %c0_i32, %c0_i32_0 : i32, i32
  }
  func.func @transform_23(%arg0: i32) -> (i32, i32) {
    %c0_i32 = arith.constant 0 : i32
    %c0_i32_0 = arith.constant 0 : i32
    %c0_i32_1 = arith.constant 0 : i32
    return %c0_i32, %c0_i32_0 : i32, i32
  }
  func.func @transform_24(%arg0: i32) -> (i32, i32) {
    %c0_i32 = arith.constant 0 : i32
    %c0_i32_0 = arith.constant 0 : i32
    %c0_i32_1 = arith.constant 0 : i32
    return %c0_i32, %c0_i32_0 : i32, i32
  }
  func.func @transform_25(%arg0: i32) -> (i32, i32) {
    %c0_i32 = arith.constant 0 : i32
    %c0_i32_0 = arith.constant 0 : i32
    %c0_i32_1 = arith.constant 0 : i32
    return %c0_i32, %c0_i32_0 : i32, i32
  }
  func.func @transform_26(%arg0: i32) -> (i32, i32) {
    %c0_i32 = arith.constant 0 : i32
    %c0_i32_0 = arith.constant 0 : i32
    %c0_i32_1 = arith.constant 0 : i32
    return %c0_i32, %c0_i32_0 : i32, i32
  }
  func.func @transform_27(%arg0: i32) -> (i32, i32) {
    %c0_i32 = arith.constant 0 : i32
    %c0_i32_0 = arith.constant 0 : i32
    %c0_i32_1 = arith.constant 0 : i32
    return %c0_i32, %c0_i32_0 : i32, i32
  }
  func.func @transform_28(%arg0: i32) -> (i32, i32) {
    %c0_i32 = arith.constant 0 : i32
    %c0_i32_0 = arith.constant 0 : i32
    %c0_i32_1 = arith.constant 0 : i32
    return %c0_i32, %c0_i32_0 : i32, i32
  }
  func.func @transform_29(%arg0: i32) -> (i32, i32) {
    %c0_i32 = arith.constant 0 : i32
    %c0_i32_0 = arith.constant 0 : i32
    %c0_i32_1 = arith.constant 0 : i32
    return %c0_i32, %c0_i32_0 : i32, i32
  }
  func.func @transform_30(%arg0: i32) -> (i32, i32) {
    %c0_i32 = arith.constant 0 : i32
    %c0_i32_0 = arith.constant 0 : i32
    %c0_i32_1 = arith.constant 0 : i32
    return %c0_i32, %c0_i32_0 : i32, i32
  }
  func.func @transform_31(%arg0: i32) -> (i32, i32) {
    %c0_i32 = arith.constant 0 : i32
    %c0_i32_0 = arith.constant 0 : i32
    %c0_i32_1 = arith.constant 0 : i32
    return %c0_i32, %c0_i32_0 : i32, i32
  }
  func.func @transform_32(%arg0: i32) -> (i32, i32) {
    %c0_i32 = arith.constant 0 : i32
    %c0_i32_0 = arith.constant 0 : i32
    %c0_i32_1 = arith.constant 0 : i32
    return %c0_i32, %c0_i32_0 : i32, i32
  }
  func.func @transform_33(%arg0: i32) -> (i32, i32) {
    %c0_i32 = arith.constant 0 : i32
    %c0_i32_0 = arith.constant 0 : i32
    %c0_i32_1 = arith.constant 0 : i32
    return %c0_i32, %c0_i32_0 : i32, i32
  }
}

module attributes {stable_mosaic.version = 14 : i64} {
  func.func @_pass1_kernel(%arg0: i32, %arg1: memref<4096x128xf32, #tpu.memory_space<vmem>>, %arg2: memref<1x128xbf16, #tpu.memory_space<vmem>>, %arg3: memref<128x512xbf16, #tpu.memory_space<vmem>>, %arg4: memref<128x512xf32, #tpu.memory_space<vmem>>, %arg5: memref<512x128xbf16, #tpu.memory_space<vmem>>, %arg6: memref<512x128xbf16, #tpu.memory_space<vmem>>, %arg7: memref<128x512xf32, #tpu.memory_space<vmem>>, %arg8: memref<1x512xbf16, #tpu.memory_space<vmem>>, %arg9: memref<512x128xbf16, #tpu.memory_space<vmem>>, %arg10: memref<128x128xbf16, #tpu.memory_space<vmem>>, %arg11: memref<1x128xf32, #tpu.memory_space<vmem>>, %arg12: memref<1x128xf32, #tpu.memory_space<vmem>>, %arg13: memref<4096x128xbf16, #tpu.memory_space<vmem>>, %arg14: memref<1x128xf32, #tpu.memory_space<vmem>>, %arg15: memref<1x128xf32, #tpu.memory_space<vmem>>, %arg16: memref<1x128xf32, #tpu.memory_space<vmem>>, %arg17: memref<1x128xf32, #tpu.memory_space<vmem>>, %arg18: memref<128x128xf32, #tpu.memory_space<vmem>>, %arg19: memref<1x128xf32, #tpu.memory_space<vmem>>, %arg20: memref<128x128xbf16, #tpu.memory_space<vmem>>, %arg21: memref<128x128xbf16, #tpu.memory_space<vmem>>) attributes {dimension_semantics = [#tpu.dimension_semantics<arbitrary>], iteration_bounds = array<i64: 25>, scalar_prefetch = 0 : i64, scratch_operands = 6 : i64, tpu.core_type = #tpu.core_type<tc>, window_params = [{transform_indices = @transform_0, window_bounds = array<i64: 4096, 128>}, {pipeline_mode = #tpu.pipeline_mode<synchronous>, transform_indices = @transform_1, window_bounds = array<i64: 1, 128>}, {pipeline_mode = #tpu.pipeline_mode<synchronous>, transform_indices = @transform_2, window_bounds = array<i64: 128, 512>}, {pipeline_mode = #tpu.pipeline_mode<synchronous>, transform_indices = @transform_3, window_bounds = array<i64: 128, 512>}, {pipeline_mode = #tpu.pipeline_mode<synchronous>, transform_indices = @transform_4, window_bounds = array<i64: 512, 128>}, {pipeline_mode = #tpu.pipeline_mode<synchronous>, transform_indices = @transform_5, window_bounds = array<i64: 512, 128>}, {pipeline_mode = #tpu.pipeline_mode<synchronous>, transform_indices = @transform_6, window_bounds = array<i64: 128, 512>}, {pipeline_mode = #tpu.pipeline_mode<synchronous>, transform_indices = @transform_7, window_bounds = array<i64: 1, 512>}, {pipeline_mode = #tpu.pipeline_mode<synchronous>, transform_indices = @transform_8, window_bounds = array<i64: 512, 128>}, {pipeline_mode = #tpu.pipeline_mode<synchronous>, transform_indices = @transform_9, window_bounds = array<i64: 128, 128>}, {pipeline_mode = #tpu.pipeline_mode<synchronous>, transform_indices = @transform_10, window_bounds = array<i64: 1, 128>}, {pipeline_mode = #tpu.pipeline_mode<synchronous>, transform_indices = @transform_11, window_bounds = array<i64: 1, 128>}, {transform_indices = @transform_12, window_bounds = array<i64: 4096, 128>}, {pipeline_mode = #tpu.pipeline_mode<synchronous>, transform_indices = @transform_13, window_bounds = array<i64: 1, 128>}, {pipeline_mode = #tpu.pipeline_mode<synchronous>, transform_indices = @transform_14, window_bounds = array<i64: 1, 128>}]} {
    %eq3A = arith.constant 0 : i32
    %eq3A_0 = arith.cmpi eq, %arg0, %eq3A : i32
    %convert_element_type3A = arith.extui %eq3A_0 : i1 to i32
    %cond3A = arith.constant 0 : i32
    %cond3A_1 = arith.cmpi ne, %convert_element_type3A, %cond3A : i32
    scf.if %cond3A_1 {
      %broadcast_in_dim3A_175 = arith.constant -1.000000e+30 : f32
      %broadcast_in_dim3A_176 = vector.broadcast %broadcast_in_dim3A_175 : f32 to vector<1x128xf32>
      %swap3A_177 = arith.constant 0 : index
      %swap3A_178 = arith.constant 0 : index
      %swap3A_179 = vector.load %arg16[%swap3A_177, %swap3A_178] : memref<1x128xf32, #tpu.memory_space<vmem>>, vector<1x128xf32>
      tpu.vector_store %arg16[%swap3A_177, %swap3A_178], %broadcast_in_dim3A_176 {strides = array<i32>} : memref<1x128xf32, #tpu.memory_space<vmem>>, vector<1x128xf32>,
      %broadcast_in_dim3A_180 = arith.constant 0.000000e+00 : f32
      %broadcast_in_dim3A_181 = vector.broadcast %broadcast_in_dim3A_180 : f32 to vector<1x128xf32>
      %swap3A_182 = arith.constant 0 : index
      %swap3A_183 = arith.constant 0 : index
      %swap3A_184 = vector.load %arg17[%swap3A_182, %swap3A_183] : memref<1x128xf32, #tpu.memory_space<vmem>>, vector<1x128xf32>
      tpu.vector_store %arg17[%swap3A_182, %swap3A_183], %broadcast_in_dim3A_181 {strides = array<i32>} : memref<1x128xf32, #tpu.memory_space<vmem>>, vector<1x128xf32>,
      %broadcast_in_dim3A_185 = arith.constant 0.000000e+00 : f32
      %broadcast_in_dim3A_186 = vector.broadcast %broadcast_in_dim3A_185 : f32 to vector<128x128xf32>
      %swap3A_187 = arith.constant 0 : index
      %swap3A_188 = arith.constant 0 : index
      %swap3A_189 = vector.load %arg18[%swap3A_187, %swap3A_188] : memref<128x128xf32, #tpu.memory_space<vmem>>, vector<128x128xf32>
      tpu.vector_store %arg18[%swap3A_187, %swap3A_188], %broadcast_in_dim3A_186 {strides = array<i32>} : memref<128x128xf32, #tpu.memory_space<vmem>>, vector<128x128xf32>,
      %broadcast_in_dim3A_190 = arith.constant -1.000000e+30 : f32
      %broadcast_in_dim3A_191 = vector.broadcast %broadcast_in_dim3A_190 : f32 to vector<1x128xf32>
      %swap3A_192 = arith.constant 0 : index
      %swap3A_193 = arith.constant 0 : index
      %swap3A_194 = vector.load %arg19[%swap3A_192, %swap3A_193] : memref<1x128xf32, #tpu.memory_space<vmem>>, vector<1x128xf32>
      tpu.vector_store %arg19[%swap3A_192, %swap3A_193], %broadcast_in_dim3A_191 {strides = array<i32>} : memref<1x128xf32, #tpu.memory_space<vmem>>, vector<1x128xf32>,
      %get3A_195 = arith.constant 0 : index
      %get3A_196 = arith.constant 0 : index
      %get3A_197 = vector.load %arg3[%get3A_195, %get3A_196] : memref<128x512xbf16, #tpu.memory_space<vmem>>, vector<128x512xbf16>
      %get3A_198 = arith.constant 0 : index
      %get3A_199 = arith.constant 0 : index
      %get3A_200 = vector.load %arg5[%get3A_198, %get3A_199] : memref<512x128xbf16, #tpu.memory_space<vmem>>, vector<512x128xbf16>
      %dot_general3A_201 = arith.constant dense<0.000000e+00> : vector<128x128xf32>
      %dot_general3A_202 = tpu.matmul %get3A_197, %get3A_200, %dot_general3A_201 {dimension_numbers = #tpu.dot_dimension_numbers<[1], [0], [0], [1], [0, 0, 1, 1], [], []>, transpose_lhs_hint = false} : vector<128x512xbf16>, vector<512x128xbf16>, vector<128x128xf32> -> vector<128x128xf32>
      %convert_element_type3A_203 = arith.truncf %dot_general3A_202 : vector<128x128xf32> to vector<128x128xbf16>
      %swap3A_204 = arith.constant 0 : index
      %swap3A_205 = arith.constant 0 : index
      %swap3A_206 = vector.load %arg20[%swap3A_204, %swap3A_205] : memref<128x128xbf16, #tpu.memory_space<vmem>>, vector<128x128xbf16>
      tpu.vector_store %arg20[%swap3A_204, %swap3A_205], %convert_element_type3A_203 {strides = array<i32>} : memref<128x128xbf16, #tpu.memory_space<vmem>>, vector<128x128xbf16>,
      %get3A_207 = arith.constant 0 : index
      %get3A_208 = arith.constant 0 : index
      %get3A_209 = vector.load %arg3[%get3A_207, %get3A_208] : memref<128x512xbf16, #tpu.memory_space<vmem>>, vector<128x512xbf16>
      %get3A_210 = arith.constant 0 : index
      %get3A_211 = arith.constant 0 : index
      %get3A_212 = vector.load %arg6[%get3A_210, %get3A_211] : memref<512x128xbf16, #tpu.memory_space<vmem>>, vector<512x128xbf16>
      %dot_general3A_213 = arith.constant dense<0.000000e+00> : vector<128x128xf32>
      %dot_general3A_214 = tpu.matmul %get3A_209, %get3A_212, %dot_general3A_213 {dimension_numbers = #tpu.dot_dimension_numbers<[1], [0], [0], [1], [0, 0, 1, 1], [], []>, transpose_lhs_hint = false} : vector<128x512xbf16>, vector<512x128xbf16>, vector<128x128xf32> -> vector<128x128xf32>
      %convert_element_type3A_215 = arith.truncf %dot_general3A_214 : vector<128x128xf32> to vector<128x128xbf16>
      %swap3A_216 = arith.constant 0 : index
      %swap3A_217 = arith.constant 0 : index
      %swap3A_218 = vector.load %arg21[%swap3A_216, %swap3A_217] : memref<128x128xbf16, #tpu.memory_space<vmem>>, vector<128x128xbf16>
      tpu.vector_store %arg21[%swap3A_216, %swap3A_217], %convert_element_type3A_215 {strides = array<i32>} : memref<128x128xbf16, #tpu.memory_space<vmem>>, vector<128x128xbf16>,
    } else {
    }
    %mul3A = arith.constant 4096 : i32
    %mul3A_2 = arith.muli %arg0, %mul3A : i32
    %iota3A = tpu.iota {dimensions = array<i32: 0>} : vector<4096x128xi32>
    %add3A = vector.broadcast %mul3A_2 : i32 to vector<4096x128xi32>
    %add3A_3 = arith.addi %add3A, %iota3A : vector<4096x128xi32>
    %lt3A = arith.constant 99999 : i32
    %lt3A_4 = vector.broadcast %lt3A : i32 to vector<4096x128xi32>
    %lt3A_5 = arith.cmpi slt, %add3A_3, %lt3A_4 : vector<4096x128xi32>
    %get3A = arith.constant 0 : index
    %get3A_6 = arith.constant 0 : index
    %get3A_7 = vector.load %arg1[%get3A, %get3A_6] : memref<4096x128xf32, #tpu.memory_space<vmem>>, vector<4096x128xf32>
    %jit3A = arith.constant 0.000000e+00 : f32
    %broadcast_in_dim3A = vector.broadcast %jit3A : f32 to vector<4096x128xf32>
    %select_n3A = arith.select %lt3A_5, %get3A_7, %broadcast_in_dim3A : vector<4096x128xi1>, vector<4096x128xf32>
    %convert_element_type3A_8 = arith.truncf %select_n3A : vector<4096x128xf32> to vector<4096x128xbf16>
    %get3A_9 = arith.constant 0 : index
    %get3A_10 = arith.constant 0 : index
    %get3A_11 = vector.load %arg3[%get3A_9, %get3A_10] : memref<128x512xbf16, #tpu.memory_space<vmem>>, vector<128x512xbf16>
    %dot_general3A = arith.constant dense<0.000000e+00> : vector<4096x512xf32>
    %dot_general3A_12 = tpu.matmul %convert_element_type3A_8, %get3A_11, %dot_general3A {dimension_numbers = #tpu.dot_dimension_numbers<[1], [0], [0], [1], [0, 0, 1, 1], [], []>, transpose_lhs_hint = false} : vector<4096x128xbf16>, vector<128x512xbf16>, vector<4096x512xf32> -> vector<4096x512xf32>
    %get3A_13 = arith.constant 0 : index
    %get3A_14 = arith.constant 0 : index
    %get3A_15 = vector.load %arg20[%get3A_13, %get3A_14] : memref<128x128xbf16, #tpu.memory_space<vmem>>, vector<128x128xbf16>
    %dot_general3A_16 = arith.constant dense<0.000000e+00> : vector<4096x128xf32>
    %dot_general3A_17 = tpu.matmul %convert_element_type3A_8, %get3A_15, %dot_general3A_16 {dimension_numbers = #tpu.dot_dimension_numbers<[1], [0], [0], [1], [0, 0, 1, 1], [], []>, transpose_lhs_hint = false} : vector<4096x128xbf16>, vector<128x128xbf16>, vector<4096x128xf32> -> vector<4096x128xf32>
    %get3A_18 = arith.constant 0 : index
    %get3A_19 = arith.constant 0 : index
    %get3A_20 = vector.load %arg21[%get3A_18, %get3A_19] : memref<128x128xbf16, #tpu.memory_space<vmem>>, vector<128x128xbf16>
    %dot_general3A_21 = arith.constant dense<0.000000e+00> : vector<4096x128xf32>
    %dot_general3A_22 = tpu.matmul %convert_element_type3A_8, %get3A_20, %dot_general3A_21 {dimension_numbers = #tpu.dot_dimension_numbers<[1], [0], [0], [1], [0, 0, 1, 1], [], []>, transpose_lhs_hint = false} : vector<4096x128xbf16>, vector<128x128xbf16>, vector<4096x128xf32> -> vector<4096x128xf32>
    %get3A_23 = arith.constant 0 : index
    %get3A_24 = arith.constant 0 : index
    %get3A_25 = vector.load %arg2[%get3A_23, %get3A_24] : memref<1x128xbf16, #tpu.memory_space<vmem>>, vector<1x128xbf16>
    %get3A_26 = arith.constant 0 : index
    %get3A_27 = arith.constant 0 : index
    %get3A_28 = vector.load %arg3[%get3A_26, %get3A_27] : memref<128x512xbf16, #tpu.memory_space<vmem>>, vector<128x512xbf16>
    %dot_general3A_29 = arith.constant dense<0.000000e+00> : vector<1x512xf32>
    %dot_general3A_30 = tpu.matmul %get3A_25, %get3A_28, %dot_general3A_29 {dimension_numbers = #tpu.dot_dimension_numbers<[1], [0], [0], [1], [0, 0, 1, 1], [], []>, transpose_lhs_hint = false} : vector<1x128xbf16>, vector<128x512xbf16>, vector<1x512xf32> -> vector<1x512xf32>
    %get3A_31 = arith.constant 0 : index
    %get3A_32 = arith.constant 0 : index
    %get3A_33 = vector.load %arg2[%get3A_31, %get3A_32] : memref<1x128xbf16, #tpu.memory_space<vmem>>, vector<1x128xbf16>
    %get3A_34 = arith.constant 0 : index
    %get3A_35 = arith.constant 0 : index
    %get3A_36 = vector.load %arg20[%get3A_34, %get3A_35] : memref<128x128xbf16, #tpu.memory_space<vmem>>, vector<128x128xbf16>
    %dot_general3A_37 = arith.constant dense<0.000000e+00> : vector<1x128xf32>
    %dot_general3A_38 = tpu.matmul %get3A_33, %get3A_36, %dot_general3A_37 {dimension_numbers = #tpu.dot_dimension_numbers<[1], [0], [0], [1], [0, 0, 1, 1], [], []>, transpose_lhs_hint = false} : vector<1x128xbf16>, vector<128x128xbf16>, vector<1x128xf32> -> vector<1x128xf32>
    %get3A_39 = arith.constant 0 : index
    %get3A_40 = arith.constant 0 : index
    %get3A_41 = vector.load %arg2[%get3A_39, %get3A_40] : memref<1x128xbf16, #tpu.memory_space<vmem>>, vector<1x128xbf16>
    %get3A_42 = arith.constant 0 : index
    %get3A_43 = arith.constant 0 : index
    %get3A_44 = vector.load %arg21[%get3A_42, %get3A_43] : memref<128x128xbf16, #tpu.memory_space<vmem>>, vector<128x128xbf16>
    %dot_general3A_45 = arith.constant dense<0.000000e+00> : vector<1x128xf32>
    %dot_general3A_46 = tpu.matmul %get3A_41, %get3A_44, %dot_general3A_45 {dimension_numbers = #tpu.dot_dimension_numbers<[1], [0], [0], [1], [0, 0, 1, 1], [], []>, transpose_lhs_hint = false} : vector<1x128xbf16>, vector<128x128xbf16>, vector<1x128xf32> -> vector<1x128xf32>
    %add3A_47 = vector.broadcast %dot_general3A_38 : vector<1x128xf32> to vector<4096x128xf32>
    %add3A_48 = arith.addf %add3A_47, %dot_general3A_22 : vector<4096x128xf32>
    %gt3A = arith.constant 0.000000e+00 : f32
    %gt3A_49 = vector.broadcast %gt3A : f32 to vector<4096x128xf32>
    %gt3A_50 = arith.cmpf ogt, %add3A_48, %gt3A_49 : vector<4096x128xf32>
    %mul3A_51 = arith.constant 2.000000e-01 : f32
    %mul3A_52 = vector.broadcast %mul3A_51 : f32 to vector<4096x128xf32>
    %mul3A_53 = arith.mulf %mul3A_52, %add3A_48 : vector<4096x128xf32>
    %select_n3A_54 = arith.select %gt3A_50, %add3A_48, %mul3A_53 : vector<4096x128xi1>, vector<4096x128xf32>
    %add3A_55 = arith.addf %dot_general3A_17, %dot_general3A_22 : vector<4096x128xf32>
    %gt3A_56 = arith.constant 0.000000e+00 : f32
    %gt3A_57 = vector.broadcast %gt3A_56 : f32 to vector<4096x128xf32>
    %gt3A_58 = arith.cmpf ogt, %add3A_55, %gt3A_57 : vector<4096x128xf32>
    %mul3A_59 = arith.constant 2.000000e-01 : f32
    %mul3A_60 = vector.broadcast %mul3A_59 : f32 to vector<4096x128xf32>
    %mul3A_61 = arith.mulf %mul3A_60, %add3A_55 : vector<4096x128xf32>
    %select_n3A_62 = arith.select %gt3A_58, %add3A_55, %mul3A_61 : vector<4096x128xi1>, vector<4096x128xf32>
    %sub3A = arith.subf %select_n3A_62, %select_n3A_54 : vector<4096x128xf32>
    %logistic3A = arith.negf %sub3A : vector<4096x128xf32>
    %logistic3A_63 = math.exp %logistic3A : vector<4096x128xf32>
    %logistic3A_64 = arith.constant 1.000000e+00 : f32
    %logistic3A_65 = vector.broadcast %logistic3A_64 : f32 to vector<4096x128xf32>
    %logistic3A_66 = arith.addf %logistic3A_65, %logistic3A_63 : vector<4096x128xf32>
    %logistic3A_67 = arith.divf %logistic3A_65, %logistic3A_66 : vector<4096x128xf32>
    %convert_element_type3A_68 = arith.truncf %logistic3A_67 : vector<4096x128xf32> to vector<4096x128xbf16>
    %slice3A = vector.extract_strided_slice %convert_element_type3A_68 {offsets = [0, 0], sizes = [4096, 1], strides = [1, 1]} : vector<4096x128xbf16> to vector<4096x1xbf16>
    %broadcast_in_dim3A_69 = vector.shape_cast %slice3A : vector<4096x1xbf16> to vector<4096x1xbf16>
    %broadcast_in_dim3A_70 = vector.broadcast %broadcast_in_dim3A_69 : vector<4096x1xbf16> to vector<4096x128xbf16>
    %slice3A_71 = vector.extract_strided_slice %convert_element_type3A_68 {offsets = [0, 1], sizes = [4096, 1], strides = [1, 1]} : vector<4096x128xbf16> to vector<4096x1xbf16>
    %broadcast_in_dim3A_72 = vector.shape_cast %slice3A_71 : vector<4096x1xbf16> to vector<4096x1xbf16>
    %broadcast_in_dim3A_73 = vector.broadcast %broadcast_in_dim3A_72 : vector<4096x1xbf16> to vector<4096x128xbf16>
    %slice3A_74 = vector.extract_strided_slice %convert_element_type3A_68 {offsets = [0, 2], sizes = [4096, 1], strides = [1, 1]} : vector<4096x128xbf16> to vector<4096x1xbf16>
    %broadcast_in_dim3A_75 = vector.shape_cast %slice3A_74 : vector<4096x1xbf16> to vector<4096x1xbf16>
    %broadcast_in_dim3A_76 = vector.broadcast %broadcast_in_dim3A_75 : vector<4096x1xbf16> to vector<4096x128xbf16>
    %slice3A_77 = vector.extract_strided_slice %convert_element_type3A_68 {offsets = [0, 3], sizes = [4096, 1], strides = [1, 1]} : vector<4096x128xbf16> to vector<4096x1xbf16>
    %broadcast_in_dim3A_78 = vector.shape_cast %slice3A_77 : vector<4096x1xbf16> to vector<4096x1xbf16>
    %broadcast_in_dim3A_79 = vector.broadcast %broadcast_in_dim3A_78 : vector<4096x1xbf16> to vector<4096x128xbf16>
    %concatenate3A = tpu.concatenate %broadcast_in_dim3A_70, %broadcast_in_dim3A_73, %broadcast_in_dim3A_76, %broadcast_in_dim3A_79 in 1 : vector<4096x128xbf16>, vector<4096x128xbf16>, vector<4096x128xbf16>, vector<4096x128xbf16> -> vector<4096x512xbf16>
    %convert_element_type3A_80 = arith.truncf %dot_general3A_12 : vector<4096x512xf32> to vector<4096x512xbf16>
    %convert_element_type3A_81 = arith.truncf %dot_general3A_30 : vector<1x512xf32> to vector<1x512xbf16>
    %sub3A_82 = vector.broadcast %convert_element_type3A_81 : vector<1x512xbf16> to vector<4096x512xbf16>
    %sub3A_83 = arith.subf %convert_element_type3A_80, %sub3A_82 : vector<4096x512xbf16>
    %mul3A_84 = arith.mulf %concatenate3A, %sub3A_83 : vector<4096x512xbf16>
    %add3A_85 = vector.broadcast %convert_element_type3A_81 : vector<1x512xbf16> to vector<4096x512xbf16>
    %add3A_86 = arith.addf %add3A_85, %mul3A_84 : vector<4096x512xbf16>
    %get3A_87 = arith.constant 0 : index
    %get3A_88 = arith.constant 0 : index
    %get3A_89 = vector.load %arg8[%get3A_87, %get3A_88] : memref<1x512xbf16, #tpu.memory_space<vmem>>, vector<1x512xbf16>
    %add3A_90 = vector.broadcast %get3A_89 : vector<1x512xbf16> to vector<4096x512xbf16>
    %add3A_91 = arith.addf %add3A_86, %add3A_90 : vector<4096x512xbf16>
    %max3A = arith.constant 0.000000e+00 : bf16
    %max3A_92 = vector.broadcast %max3A : bf16 to vector<4096x512xbf16>
    %max3A_93 = arith.maximumf %add3A_91, %max3A_92 : vector<4096x512xbf16>
    %add3A_94 = vector.broadcast %dot_general3A_46 : vector<1x128xf32> to vector<4096x128xf32>
    %add3A_95 = arith.addf %dot_general3A_17, %add3A_94 : vector<4096x128xf32>
    %gt3A_96 = arith.constant 0.000000e+00 : f32
    %gt3A_97 = vector.broadcast %gt3A_96 : f32 to vector<4096x128xf32>
    %gt3A_98 = arith.cmpf ogt, %add3A_95, %gt3A_97 : vector<4096x128xf32>
    %mul3A_99 = arith.constant 2.000000e-01 : f32
    %mul3A_100 = vector.broadcast %mul3A_99 : f32 to vector<4096x128xf32>
    %mul3A_101 = arith.mulf %mul3A_100, %add3A_95 : vector<4096x128xf32>
    %select_n3A_102 = arith.select %gt3A_98, %add3A_95, %mul3A_101 : vector<4096x128xi1>, vector<4096x128xf32>
    %jit3A_103 = arith.constant -1.000000e+30 : f32
    %broadcast_in_dim3A_104 = vector.broadcast %jit3A_103 : f32 to vector<4096x128xf32>
    %select_n3A_105 = arith.select %lt3A_5, %select_n3A_102, %broadcast_in_dim3A_104 : vector<4096x128xi1>, vector<4096x128xf32>
    %reduce_max3A = arith.constant dense<0xFF800000> : vector<128xf32>
    %reduce_max3A_106 = vector.multi_reduction <maximumf>, %select_n3A_105, %reduce_max3A [0] : vector<4096x128xf32> to vector<128xf32>
    %broadcast_in_dim3A_107 = vector.shape_cast %reduce_max3A_106 : vector<128xf32> to vector<1x128xf32>
    %get3A_108 = arith.constant 0 : index
    %get3A_109 = arith.constant 0 : index
    %get3A_110 = vector.load %arg16[%get3A_108, %get3A_109] : memref<1x128xf32, #tpu.memory_space<vmem>>, vector<1x128xf32>
    %max3A_111 = arith.maximumf %get3A_110, %broadcast_in_dim3A_107 : vector<1x128xf32>
    %sub3A_112 = arith.subf %get3A_110, %max3A_111 : vector<1x128xf32>
    %exp3A = math.exp %sub3A_112 : vector<1x128xf32>
    %sub3A_113 = vector.broadcast %max3A_111 : vector<1x128xf32> to vector<4096x128xf32>
    %sub3A_114 = arith.subf %select_n3A_105, %sub3A_113 : vector<4096x128xf32>
    %exp3A_115 = math.exp %sub3A_114 : vector<4096x128xf32>
    %get3A_116 = arith.constant 0 : index
    %get3A_117 = arith.constant 0 : index
    %get3A_118 = vector.load %arg17[%get3A_116, %get3A_117] : memref<1x128xf32, #tpu.memory_space<vmem>>, vector<1x128xf32>
    %mul3A_119 = arith.mulf %get3A_118, %exp3A : vector<1x128xf32>
    %reduce_sum3A = arith.constant dense<0.000000e+00> : vector<128xf32>
    %reduce_sum3A_120 = vector.multi_reduction <add>, %exp3A_115, %reduce_sum3A [0] : vector<4096x128xf32> to vector<128xf32>
    %broadcast_in_dim3A_121 = vector.shape_cast %reduce_sum3A_120 : vector<128xf32> to vector<1x128xf32>
    %add3A_122 = arith.addf %mul3A_119, %broadcast_in_dim3A_121 : vector<1x128xf32>
    %swap3A = arith.constant 0 : index
    %swap3A_123 = arith.constant 0 : index
    %swap3A_124 = vector.load %arg17[%swap3A, %swap3A_123] : memref<1x128xf32, #tpu.memory_space<vmem>>, vector<1x128xf32>
    tpu.vector_store %arg17[%swap3A, %swap3A_123], %add3A_122 {strides = array<i32>} : memref<1x128xf32, #tpu.memory_space<vmem>>, vector<1x128xf32>,
    %convert_element_type3A_125 = arith.truncf %exp3A_115 : vector<4096x128xf32> to vector<4096x128xbf16>
    %dot_general3A_126 = arith.constant dense<0.000000e+00> : vector<128x128xf32>
    %dot_general3A_127 = tpu.matmul %convert_element_type3A_8, %convert_element_type3A_125, %dot_general3A_126 {dimension_numbers = #tpu.dot_dimension_numbers<[0], [0], [1], [1], [0, 1, 1, 1], [], []>, transpose_lhs_hint = false} : vector<4096x128xbf16>, vector<4096x128xbf16>, vector<128x128xf32> -> vector<128x128xf32>
    %get3A_128 = arith.constant 0 : index
    %get3A_129 = arith.constant 0 : index
    %get3A_130 = vector.load %arg18[%get3A_128, %get3A_129] : memref<128x128xf32, #tpu.memory_space<vmem>>, vector<128x128xf32>
    %mul3A_131 = vector.broadcast %exp3A : vector<1x128xf32> to vector<128x128xf32>
    %mul3A_132 = arith.mulf %get3A_130, %mul3A_131 : vector<128x128xf32>
    %add3A_133 = arith.addf %mul3A_132, %dot_general3A_127 : vector<128x128xf32>
    %swap3A_134 = arith.constant 0 : index
    %swap3A_135 = arith.constant 0 : index
    %swap3A_136 = vector.load %arg18[%swap3A_134, %swap3A_135] : memref<128x128xf32, #tpu.memory_space<vmem>>, vector<128x128xf32>
    tpu.vector_store %arg18[%swap3A_134, %swap3A_135], %add3A_133 {strides = array<i32>} : memref<128x128xf32, #tpu.memory_space<vmem>>, vector<128x128xf32>,
    %swap3A_137 = arith.constant 0 : index
    %swap3A_138 = arith.constant 0 : index
    %swap3A_139 = vector.load %arg16[%swap3A_137, %swap3A_138] : memref<1x128xf32, #tpu.memory_space<vmem>>, vector<1x128xf32>
    tpu.vector_store %arg16[%swap3A_137, %swap3A_138], %max3A_111 {strides = array<i32>} : memref<1x128xf32, #tpu.memory_space<vmem>>, vector<1x128xf32>,
    %get3A_140 = arith.constant 0 : index
    %get3A_141 = arith.constant 0 : index
    %get3A_142 = vector.load %arg9[%get3A_140, %get3A_141] : memref<512x128xbf16, #tpu.memory_space<vmem>>, vector<512x128xbf16>
    %dot_general3A_143 = arith.constant dense<0.000000e+00> : vector<4096x128xf32>
    %dot_general3A_144 = tpu.matmul %max3A_93, %get3A_142, %dot_general3A_143 {dimension_numbers = #tpu.dot_dimension_numbers<[1], [0], [0], [1], [0, 0, 1, 1], [], []>, transpose_lhs_hint = false} : vector<4096x512xbf16>, vector<512x128xbf16>, vector<4096x128xf32> -> vector<4096x128xf32>
    %jit3A_145 = arith.constant 0.000000e+00 : f32
    %broadcast_in_dim3A_146 = vector.broadcast %jit3A_145 : f32 to vector<4096x128xf32>
    %select_n3A_147 = arith.select %lt3A_5, %dot_general3A_144, %broadcast_in_dim3A_146 : vector<4096x128xi1>, vector<4096x128xf32>
    %convert_element_type3A_148 = arith.truncf %select_n3A_147 : vector<4096x128xf32> to vector<4096x128xbf16>
    %swap3A_149 = arith.constant 0 : index
    %swap3A_150 = arith.constant 0 : index
    %swap3A_151 = vector.load %arg13[%swap3A_149, %swap3A_150] : memref<4096x128xbf16, #tpu.memory_space<vmem>>, vector<4096x128xbf16>
    tpu.vector_store %arg13[%swap3A_149, %swap3A_150], %convert_element_type3A_148 {strides = array<i32>} : memref<4096x128xbf16, #tpu.memory_space<vmem>>, vector<4096x128xbf16>,
    %get3A_152 = arith.constant 0 : index
    %get3A_153 = arith.constant 0 : index
    %get3A_154 = vector.load %arg10[%get3A_152, %get3A_153] : memref<128x128xbf16, #tpu.memory_space<vmem>>, vector<128x128xbf16>
    %dot_general3A_155 = arith.constant dense<0.000000e+00> : vector<4096x128xf32>
    %dot_general3A_156 = tpu.matmul %convert_element_type3A_148, %get3A_154, %dot_general3A_155 {dimension_numbers = #tpu.dot_dimension_numbers<[1], [0], [0], [1], [0, 0, 1, 1], [], []>, transpose_lhs_hint = false} : vector<4096x128xbf16>, vector<128x128xbf16>, vector<4096x128xf32> -> vector<4096x128xf32>
    %jit3A_157 = arith.constant -1.000000e+30 : f32
    %broadcast_in_dim3A_158 = vector.broadcast %jit3A_157 : f32 to vector<4096x128xf32>
    %select_n3A_159 = arith.select %lt3A_5, %dot_general3A_156, %broadcast_in_dim3A_158 : vector<4096x128xi1>, vector<4096x128xf32>
    %get3A_160 = arith.constant 0 : index
    %get3A_161 = arith.constant 0 : index
    %get3A_162 = vector.load %arg19[%get3A_160, %get3A_161] : memref<1x128xf32, #tpu.memory_space<vmem>>, vector<1x128xf32>
    %reduce_max3A_163 = arith.constant dense<0xFF800000> : vector<128xf32>
    %reduce_max3A_164 = vector.multi_reduction <maximumf>, %select_n3A_159, %reduce_max3A_163 [0] : vector<4096x128xf32> to vector<128xf32>
    %broadcast_in_dim3A_165 = vector.shape_cast %reduce_max3A_164 : vector<128xf32> to vector<1x128xf32>
    %max3A_166 = arith.maximumf %get3A_162, %broadcast_in_dim3A_165 : vector<1x128xf32>
    %swap3A_167 = arith.constant 0 : index
    %swap3A_168 = arith.constant 0 : index
    %swap3A_169 = vector.load %arg19[%swap3A_167, %swap3A_168] : memref<1x128xf32, #tpu.memory_space<vmem>>, vector<1x128xf32>
    tpu.vector_store %arg19[%swap3A_167, %swap3A_168], %max3A_166 {strides = array<i32>} : memref<1x128xf32, #tpu.memory_space<vmem>>, vector<1x128xf32>,
    %eq3A_170 = arith.constant 24 : i32
    %eq3A_171 = arith.cmpi eq, %arg0, %eq3A_170 : i32
    %convert_element_type3A_172 = arith.extui %eq3A_171 : i1 to i32
    %cond3A_173 = arith.constant 0 : i32
    %cond3A_174 = arith.cmpi ne, %convert_element_type3A_172, %cond3A_173 : i32
    scf.if %cond3A_174 {
      %add3A_175 = arith.addf %dot_general3A_38, %dot_general3A_46 : vector<1x128xf32>
      %gt3A_176 = arith.constant 0.000000e+00 : f32
      %gt3A_177 = vector.broadcast %gt3A_176 : f32 to vector<1x128xf32>
      %gt3A_178 = arith.cmpf ogt, %add3A_175, %gt3A_177 : vector<1x128xf32>
      %mul3A_179 = arith.constant 2.000000e-01 : f32
      %mul3A_180 = vector.broadcast %mul3A_179 : f32 to vector<1x128xf32>
      %mul3A_181 = arith.mulf %mul3A_180, %add3A_175 : vector<1x128xf32>
      %select_n3A_182 = arith.select %gt3A_178, %add3A_175, %mul3A_181 : vector<1x128xi1>, vector<1x128xf32>
      %get3A_183 = arith.constant 0 : index
      %get3A_184 = arith.constant 0 : index
      %get3A_185 = vector.load %arg16[%get3A_183, %get3A_184] : memref<1x128xf32, #tpu.memory_space<vmem>>, vector<1x128xf32>
      %max3A_186 = arith.maximumf %get3A_185, %select_n3A_182 : vector<1x128xf32>
      %sub3A_187 = arith.subf %get3A_185, %max3A_186 : vector<1x128xf32>
      %exp3A_188 = math.exp %sub3A_187 : vector<1x128xf32>
      %sub3A_189 = arith.subf %select_n3A_182, %max3A_186 : vector<1x128xf32>
      %exp3A_190 = math.exp %sub3A_189 : vector<1x128xf32>
      %get3A_191 = arith.constant 0 : index
      %get3A_192 = arith.constant 0 : index
      %get3A_193 = vector.load %arg17[%get3A_191, %get3A_192] : memref<1x128xf32, #tpu.memory_space<vmem>>, vector<1x128xf32>
      %mul3A_194 = arith.mulf %get3A_193, %exp3A_188 : vector<1x128xf32>
      %add3A_195 = arith.addf %mul3A_194, %exp3A_190 : vector<1x128xf32>
      %get3A_196 = arith.constant 0 : index
      %get3A_197 = arith.constant 0 : index
      %get3A_198 = vector.load %arg18[%get3A_196, %get3A_197] : memref<128x128xf32, #tpu.memory_space<vmem>>, vector<128x128xf32>
      %get3A_199 = arith.constant 0 : index
      %get3A_200 = arith.constant 0 : index
      %get3A_201 = vector.load %arg4[%get3A_199, %get3A_200] : memref<128x512xf32, #tpu.memory_space<vmem>>, vector<128x512xf32>
      %dot_general3A_202 = arith.constant dense<0.000000e+00> : vector<128x512xf32>
      %dot_general3A_203 = tpu.matmul %get3A_198, %get3A_201, %dot_general3A_202 {dimension_numbers = #tpu.dot_dimension_numbers<[0], [0], [1], [1], [0, 1, 1, 1], [], []>, transpose_lhs_hint = false} : vector<128x128xf32>, vector<128x512xf32>, vector<128x512xf32> -> vector<128x512xf32>
      %slice3A_204 = vector.extract_strided_slice %dot_general3A_203 {offsets = [0, 0], sizes = [1, 128], strides = [1, 1]} : vector<128x512xf32> to vector<1x128xf32>
      %slice3A_205 = vector.extract_strided_slice %dot_general3A_203 {offsets = [1, 128], sizes = [1, 128], strides = [1, 1]} : vector<128x512xf32> to vector<1x128xf32>
      %slice3A_206 = vector.extract_strided_slice %dot_general3A_203 {offsets = [2, 256], sizes = [1, 128], strides = [1, 1]} : vector<128x512xf32> to vector<1x128xf32>
      %slice3A_207 = vector.extract_strided_slice %dot_general3A_203 {offsets = [3, 384], sizes = [1, 128], strides = [1, 1]} : vector<128x512xf32> to vector<1x128xf32>
      %concatenate3A_208 = tpu.concatenate %slice3A_204, %slice3A_205, %slice3A_206, %slice3A_207 in 1 : vector<1x128xf32>, vector<1x128xf32>, vector<1x128xf32>, vector<1x128xf32> -> vector<1x512xf32>
      %get3A_209 = arith.constant 0 : index
      %get3A_210 = arith.constant 0 : index
      %get3A_211 = vector.load %arg7[%get3A_209, %get3A_210] : memref<128x512xf32, #tpu.memory_space<vmem>>, vector<128x512xf32>
      %dot_general3A_212 = arith.constant dense<0.000000e+00> : vector<1x512xf32>
      %dot_general3A_213 = tpu.matmul %exp3A_188, %get3A_211, %dot_general3A_212 {dimension_numbers = #tpu.dot_dimension_numbers<[1], [0], [0], [1], [0, 0, 1, 1], [], []>, transpose_lhs_hint = false} : vector<1x128xf32>, vector<128x512xf32>, vector<1x512xf32> -> vector<1x512xf32>
      %mul3A_214 = arith.mulf %concatenate3A_208, %dot_general3A_213 : vector<1x512xf32>
      %get3A_215 = arith.constant 0 : index
      %get3A_216 = arith.constant 0 : index
      %get3A_217 = vector.load %arg7[%get3A_215, %get3A_216] : memref<128x512xf32, #tpu.memory_space<vmem>>, vector<128x512xf32>
      %dot_general3A_218 = arith.constant dense<0.000000e+00> : vector<1x512xf32>
      %dot_general3A_219 = tpu.matmul %exp3A_190, %get3A_217, %dot_general3A_218 {dimension_numbers = #tpu.dot_dimension_numbers<[1], [0], [0], [1], [0, 0, 1, 1], [], []>, transpose_lhs_hint = false} : vector<1x128xf32>, vector<128x512xf32>, vector<1x512xf32> -> vector<1x512xf32>
      %mul3A_220 = arith.mulf %dot_general3A_219, %dot_general3A_30 : vector<1x512xf32>
      %add3A_221 = arith.addf %mul3A_214, %mul3A_220 : vector<1x512xf32>
      %get3A_222 = arith.constant 0 : index
      %get3A_223 = arith.constant 0 : index
      %get3A_224 = vector.load %arg7[%get3A_222, %get3A_223] : memref<128x512xf32, #tpu.memory_space<vmem>>, vector<128x512xf32>
      %dot_general3A_225 = arith.constant dense<0.000000e+00> : vector<1x512xf32>
      %dot_general3A_226 = tpu.matmul %add3A_195, %get3A_224, %dot_general3A_225 {dimension_numbers = #tpu.dot_dimension_numbers<[1], [0], [0], [1], [0, 0, 1, 1], [], []>, transpose_lhs_hint = false} : vector<1x128xf32>, vector<128x512xf32>, vector<1x512xf32> -> vector<1x512xf32>
      %div3A = arith.divf %add3A_221, %dot_general3A_226 : vector<1x512xf32>
      %get3A_227 = arith.constant 0 : index
      %get3A_228 = arith.constant 0 : index
      %get3A_229 = vector.load %arg8[%get3A_227, %get3A_228] : memref<1x512xbf16, #tpu.memory_space<vmem>>, vector<1x512xbf16>
      %convert_element_type3A_230 = arith.extf %get3A_229 : vector<1x512xbf16> to vector<1x512xf32>
      %add3A_231 = arith.addf %div3A, %convert_element_type3A_230 : vector<1x512xf32>
      %max3A_232 = arith.constant 0.000000e+00 : f32
      %max3A_233 = vector.broadcast %max3A_232 : f32 to vector<1x512xf32>
      %max3A_234 = arith.maximumf %add3A_231, %max3A_233 : vector<1x512xf32>
      %convert_element_type3A_235 = arith.truncf %max3A_234 : vector<1x512xf32> to vector<1x512xbf16>
      %get3A_236 = arith.constant 0 : index
      %get3A_237 = arith.constant 0 : index
      %get3A_238 = vector.load %arg9[%get3A_236, %get3A_237] : memref<512x128xbf16, #tpu.memory_space<vmem>>, vector<512x128xbf16>
      %dot_general3A_239 = arith.constant dense<0.000000e+00> : vector<1x128xf32>
      %dot_general3A_240 = tpu.matmul %convert_element_type3A_235, %get3A_238, %dot_general3A_239 {dimension_numbers = #tpu.dot_dimension_numbers<[1], [0], [0], [1], [0, 0, 1, 1], [], []>, transpose_lhs_hint = false} : vector<1x512xbf16>, vector<512x128xbf16>, vector<1x128xf32> -> vector<1x128xf32>
      %swap3A_241 = arith.constant 0 : index
      %swap3A_242 = arith.constant 0 : index
      %swap3A_243 = vector.load %arg14[%swap3A_241, %swap3A_242] : memref<1x128xf32, #tpu.memory_space<vmem>>, vector<1x128xf32>
      tpu.vector_store %arg14[%swap3A_241, %swap3A_242], %dot_general3A_240 {strides = array<i32>} : memref<1x128xf32, #tpu.memory_space<vmem>>, vector<1x128xf32>,
      %get3A_244 = arith.constant 0 : index
      %get3A_245 = arith.constant 0 : index
      %get3A_246 = vector.load %arg11[%get3A_244, %get3A_245] : memref<1x128xf32, #tpu.memory_space<vmem>>, vector<1x128xf32>
      %mul3A_247 = arith.mulf %dot_general3A_240, %get3A_246 : vector<1x128xf32>
      %reduce_sum3A_248 = vector.shape_cast %mul3A_247 : vector<1x128xf32> to vector<1x1x128xf32>
      %reduce_sum3A_249 = arith.constant dense<0.000000e+00> : vector<1xf32>
      %reduce_sum3A_250 = vector.multi_reduction <add>, %reduce_sum3A_248, %reduce_sum3A_249 [1, 2] : vector<1x1x128xf32> to vector<1xf32>
      %reduce_sum3A_251 = vector.shape_cast %reduce_sum3A_250 : vector<1xf32> to vector<1x1x1xf32>
      %reduce_sum3A_252 = vector.extract %reduce_sum3A_251[0, 0, 0] : f32 from vector<1x1x1xf32>
      %get3A_253 = arith.constant 0 : index
      %get3A_254 = arith.constant 0 : index
      %get3A_255 = vector.load %arg12[%get3A_253, %get3A_254] : memref<1x128xf32, #tpu.memory_space<vmem>>, vector<1x128xf32>
      %mul3A_256 = arith.mulf %dot_general3A_240, %get3A_255 : vector<1x128xf32>
      %reduce_sum3A_257 = vector.shape_cast %mul3A_256 : vector<1x128xf32> to vector<1x1x128xf32>
      %reduce_sum3A_258 = arith.constant dense<0.000000e+00> : vector<1xf32>
      %reduce_sum3A_259 = vector.multi_reduction <add>, %reduce_sum3A_257, %reduce_sum3A_258 [1, 2] : vector<1x1x128xf32> to vector<1xf32>
      %reduce_sum3A_260 = vector.shape_cast %reduce_sum3A_259 : vector<1xf32> to vector<1x1x1xf32>
      %reduce_sum3A_261 = vector.extract %reduce_sum3A_260[0, 0, 0] : f32 from vector<1x1x1xf32>
      %get3A_262 = arith.constant 0 : index
      %get3A_263 = arith.constant 0 : index
      %get3A_264 = vector.load %arg19[%get3A_262, %get3A_263] : memref<1x128xf32, #tpu.memory_space<vmem>>, vector<1x128xf32>
      %reduce_max3A_265 = vector.shape_cast %get3A_264 : vector<1x128xf32> to vector<1x1x128xf32>
      %reduce_max3A_266 = arith.constant dense<0xFF800000> : vector<1xf32>
      %reduce_max3A_267 = vector.multi_reduction <maximumf>, %reduce_max3A_265, %reduce_max3A_266 [1, 2] : vector<1x1x128xf32> to vector<1xf32>
      %reduce_max3A_268 = vector.shape_cast %reduce_max3A_267 : vector<1xf32> to vector<1x1x1xf32>
      %reduce_max3A_269 = vector.extract %reduce_max3A_268[0, 0, 0] : f32 from vector<1x1x1xf32>
      %max3A_270 = arith.maximumf %reduce_max3A_269, %reduce_sum3A_252 : f32
      %iota3A_271 = tpu.iota {dimensions = array<i32: 1>} : vector<1x128xi32>
      %eq3A_272 = arith.constant 0 : i32
      %eq3A_273 = vector.broadcast %eq3A_272 : i32 to vector<1x128xi32>
      %eq3A_274 = arith.cmpi eq, %iota3A_271, %eq3A_273 : vector<1x128xi32>
      %jit3A_275 = arith.constant 0.000000e+00 : f32
      %broadcast_in_dim3A_276 = vector.broadcast %reduce_sum3A_252 : f32 to vector<1x128xf32>
      %broadcast_in_dim3A_277 = vector.broadcast %jit3A_275 : f32 to vector<1x128xf32>
      %select_n3A_278 = arith.select %eq3A_274, %broadcast_in_dim3A_276, %broadcast_in_dim3A_277 : vector<1x128xi1>, vector<1x128xf32>
      %eq3A_279 = arith.constant 1 : i32
      %eq3A_280 = vector.broadcast %eq3A_279 : i32 to vector<1x128xi32>
      %eq3A_281 = arith.cmpi eq, %iota3A_271, %eq3A_280 : vector<1x128xi32>
      %jit3A_282 = arith.constant 0.000000e+00 : f32
      %broadcast_in_dim3A_283 = vector.broadcast %reduce_sum3A_261 : f32 to vector<1x128xf32>
      %broadcast_in_dim3A_284 = vector.broadcast %jit3A_282 : f32 to vector<1x128xf32>
      %select_n3A_285 = arith.select %eq3A_281, %broadcast_in_dim3A_283, %broadcast_in_dim3A_284 : vector<1x128xi1>, vector<1x128xf32>
      %add3A_286 = arith.addf %select_n3A_278, %select_n3A_285 : vector<1x128xf32>
      %eq3A_287 = arith.constant 2 : i32
      %eq3A_288 = vector.broadcast %eq3A_287 : i32 to vector<1x128xi32>
      %eq3A_289 = arith.cmpi eq, %iota3A_271, %eq3A_288 : vector<1x128xi32>
      %jit3A_290 = arith.constant 0.000000e+00 : f32
      %broadcast_in_dim3A_291 = vector.broadcast %max3A_270 : f32 to vector<1x128xf32>
      %broadcast_in_dim3A_292 = vector.broadcast %jit3A_290 : f32 to vector<1x128xf32>
      %select_n3A_293 = arith.select %eq3A_289, %broadcast_in_dim3A_291, %broadcast_in_dim3A_292 : vector<1x128xi1>, vector<1x128xf32>
      %add3A_294 = arith.addf %add3A_286, %select_n3A_293 : vector<1x128xf32>
      %swap3A_295 = arith.constant 0 : index
      %swap3A_296 = arith.constant 0 : index
      %swap3A_297 = vector.load %arg15[%swap3A_295, %swap3A_296] : memref<1x128xf32, #tpu.memory_space<vmem>>, vector<1x128xf32>
      tpu.vector_store %arg15[%swap3A_295, %swap3A_296], %add3A_294 {strides = array<i32>} : memref<1x128xf32, #tpu.memory_space<vmem>>, vector<1x128xf32>,
    } else {
    }
    return
  }
  func.func @transform_0(%arg0: i32) -> (i32, i32) {
    %c0_i32 = arith.constant 0 : i32
    %c0_i32_0 = arith.constant 0 : i32
    return %arg0, %c0_i32 : i32, i32
  }
  func.func @transform_1(%arg0: i32) -> (i32, i32) {
    %c0_i32 = arith.constant 0 : i32
    %c0_i32_0 = arith.constant 0 : i32
    %c0_i32_1 = arith.constant 0 : i32
    return %c0_i32, %c0_i32_0 : i32, i32
  }
  func.func @transform_2(%arg0: i32) -> (i32, i32) {
    %c0_i32 = arith.constant 0 : i32
    %c0_i32_0 = arith.constant 0 : i32
    %c0_i32_1 = arith.constant 0 : i32
    return %c0_i32, %c0_i32_0 : i32, i32
  }
  func.func @transform_3(%arg0: i32) -> (i32, i32) {
    %c0_i32 = arith.constant 0 : i32
    %c0_i32_0 = arith.constant 0 : i32
    %c0_i32_1 = arith.constant 0 : i32
    return %c0_i32, %c0_i32_0 : i32, i32
  }
  func.func @transform_4(%arg0: i32) -> (i32, i32) {
    %c0_i32 = arith.constant 0 : i32
    %c0_i32_0 = arith.constant 0 : i32
    %c0_i32_1 = arith.constant 0 : i32
    return %c0_i32, %c0_i32_0 : i32, i32
  }
  func.func @transform_5(%arg0: i32) -> (i32, i32) {
    %c0_i32 = arith.constant 0 : i32
    %c0_i32_0 = arith.constant 0 : i32
    %c0_i32_1 = arith.constant 0 : i32
    return %c0_i32, %c0_i32_0 : i32, i32
  }
  func.func @transform_6(%arg0: i32) -> (i32, i32) {
    %c0_i32 = arith.constant 0 : i32
    %c0_i32_0 = arith.constant 0 : i32
    %c0_i32_1 = arith.constant 0 : i32
    return %c0_i32, %c0_i32_0 : i32, i32
  }
  func.func @transform_7(%arg0: i32) -> (i32, i32) {
    %c0_i32 = arith.constant 0 : i32
    %c0_i32_0 = arith.constant 0 : i32
    %c0_i32_1 = arith.constant 0 : i32
    return %c0_i32, %c0_i32_0 : i32, i32
  }
  func.func @transform_8(%arg0: i32) -> (i32, i32) {
    %c0_i32 = arith.constant 0 : i32
    %c0_i32_0 = arith.constant 0 : i32
    %c0_i32_1 = arith.constant 0 : i32
    return %c0_i32, %c0_i32_0 : i32, i32
  }
  func.func @transform_9(%arg0: i32) -> (i32, i32) {
    %c0_i32 = arith.constant 0 : i32
    %c0_i32_0 = arith.constant 0 : i32
    %c0_i32_1 = arith.constant 0 : i32
    return %c0_i32, %c0_i32_0 : i32, i32
  }
  func.func @transform_10(%arg0: i32) -> (i32, i32) {
    %c0_i32 = arith.constant 0 : i32
    %c0_i32_0 = arith.constant 0 : i32
    %c0_i32_1 = arith.constant 0 : i32
    return %c0_i32, %c0_i32_0 : i32, i32
  }
  func.func @transform_11(%arg0: i32) -> (i32, i32) {
    %c0_i32 = arith.constant 0 : i32
    %c0_i32_0 = arith.constant 0 : i32
    %c0_i32_1 = arith.constant 0 : i32
    return %c0_i32, %c0_i32_0 : i32, i32
  }
  func.func @transform_12(%arg0: i32) -> (i32, i32) {
    %c0_i32 = arith.constant 0 : i32
    %c0_i32_0 = arith.constant 0 : i32
    return %arg0, %c0_i32 : i32, i32
  }
  func.func @transform_13(%arg0: i32) -> (i32, i32) {
    %c0_i32 = arith.constant 0 : i32
    %c0_i32_0 = arith.constant 0 : i32
    %c0_i32_1 = arith.constant 0 : i32
    return %c0_i32, %c0_i32_0 : i32, i32
  }
  func.func @transform_14(%arg0: i32) -> (i32, i32) {
    %c0_i32 = arith.constant 0 : i32
    %c0_i32_0 = arith.constant 0 : i32
    %c0_i32_1 = arith.constant 0 : i32
    return %c0_i32, %c0_i32_0 : i32, i32
  }
}

</mosaic_0001>

<sc_bundles>
// kernel: kernel.5.cloned.1.call-start
scs
__scs_entry_jumppad:
0x0: {  	(pc) =	sbr.rel $0x88, $3  }
0x1: {  	(tag) =	ssettag $0x0;
	lr =	simm.s32 $0x1  }
0x2: {  	[smem:$0x3F7D] =	sst lr;
	_ =	strace $0xD0000000  }
0x3: {  	_ = 	snop  }
0x4: {  	_ = 	snop  }
0x5: {  	_ = 	snop  }
0x6: {  	_ = 	snop  }
0x7: {  	_ = 	snop  }
__scs_overlays_trampoline_lowered:
0x8: {  	[smem:$0x3F8C] =	sst s0  }
0x9: {  	[smem:$0x3F8D] =	sst s1  }
0xa: {  	[smem:$0x3F8E] =	sst s2  }
0xb: {  	[smem:$0x3F8F] =	sst s3  }
0xc: {  	[smem:$0x3F90] =	sst s4  }
0xd: {  	[smem:$0x3F91] =	sst s5  }
0xe: {  	[smem:$0x3F92] =	sst s6  }
0xf: {  	[smem:$0x3F93] =	sst s7  }
0x10: {  	[smem:$0x3F94] =	sst s8  }
0x11: {  	[smem:$0x3F95] =	sst s9;
	s0 =	simm.s32 @!p0 $0x0  }
0x12: {  	s1 =	sld [smem:$0x3F7B];
	s0 =	simm.s32 @p0 $0x1  }
0x13: {  	[smem:$0x3F96] =	sst s0;
	s0 =	simm.s32 @!p1 $0x0  }
0x14: {  	s2 =	sld [smem:$0x3F7A];
	s0 =	simm.s32 @p1 $0x1  }
0x15: {  	[smem:$0x3F97] =	sst s0;
	s0 =	simm.s32 @!p2 $0x0  }
0x16: {  	s3 =	sld [smem:$0x3FDB];
	s0 =	simm.s32 @p2 $0x1  }
0x17: {  	s4 =	simm.s32 $0x1BF5;
	[smem:$0x3F99] =	sst s0  }
0x18: {  	s0 =	sld [smem:$0x3F7C];
	_ =	swait.ge [sflag:s4], $0x0  }
0x19: {  	s7 =	sld [smem:$0x3F7D]  }
0x1a: {  	s8 =	sadd.s32 $0xFFFFE003, lr  }
0x1b: {  	s9 =	sadd.s32 $0xFFFFFEF7, lr;
	s5 =	simm.s32 $0xFFFFFFFF;
	p2 =	slt.u32 s8, $0xFFFFF086  }
0x1c: {  	p1 =	slt.u32 s9, $0xF7A;
	s5 =	simm.s32 @!p2 $0x0  }
0x1d: {  	s5 =	simm.s32 @p1 $0x1;
	p0 =	seq.s32 s7, s2  }
0x1e: {  	s7 =	smul.u32 @!p0 $0xF7A, s2;
	p2 =	seq.s32 @!p0 s5, $0x0  }
0x1f: {  	s9 =	smul.u32 $0xF7A, s1;
	s8 =	simm.s32 @!p0 $0x1BF5;
	p2 =	por !p2, p0  }
0x20: {  	[sflag:s8] =	ssyncset.s32 @!p0 $0xFFFFF086;
	s6 =	sadd.s32 @!p0 s3, s7;
	s7 =	simm.s32 @!p0 $0x108  }
0x21: {  	s3 =	sadd.s32 s3, s9;
	s6 =	sadd.s32 @!p0 $0x88, s6;
	s7 =	simm.s32 @p2 $0x1082  }
0x22: {  	[simem:s7], [sflag:s8] =	dma.local @!p0 [hbm:s6], $0xF7A  }
0x23: {  	s9 =	sor.u32 $0xD0000000, s2;
	s6 =	simm.s32 $0x108;
	_ =	swait.ge @!p0 [sflag:s8], $0x0  }
0x24: {  	s3 =	sadd.s32 $0x88, s3;
	s6 =	simm.s32 @!p1 $0x1082;
	[sflag:s4] =	ssyncset.s32 $0xFFFFF086  }
0x25: {  	[simem:s6], [sflag:s4] =	dma.local [hbm:s3], $0xF7A  }
0x26: {  	[smem:$0x3F7D] =	sst s1;
	(tag) =	ssettag s2;
	_ =	strace s9  }
0x27: {  	s1 =	sld [smem:$0x3F8D]  }
0x28: {  	s2 =	sld [smem:$0x3F8E]  }
0x29: {  	s4 =	sld [smem:$0x3F90]  }
0x2a: {  	p0 =	seq.s32 s5, $0x0;
	s5 =	sld [smem:$0x3F91]  }
0x2b: {  	s6 =	sld [smem:$0x3F92]  }
0x2c: {  	s7 =	sld [smem:$0x3F93]  }
0x2d: {  	s3 =	simm.s32 $0x108;
	s8 =	sld [smem:$0x3F94]  }
0x2e: {  	s3 =	simm.s32 @!p0 $0x1082;
	s9 =	sld [smem:$0x3F95]  }
0x2f: {  	lr =	sadd.s32 s0, s3;
	s0 =	sld [smem:$0x3F8C]  }
0x30: {  	s3 =	sld [smem:$0x3F8F]  }
0x31: {  	[smem:$0x3F98] =	sst s10  }
0x32: {  	s10 =	sld [smem:$0x3F96];
	_ =	sdelay $0x3  }
0x33: {  	p0 =	seq.s32 s10, $0x1;
	s10 =	sld [smem:$0x3F98];
	_ =	sdelay $0x3  }
0x34: {  	[smem:$0x3F98] =	sst s10  }
0x35: {  	s10 =	sld [smem:$0x3F97];
	_ =	sdelay $0x3  }
0x36: {  	p1 =	seq.s32 s10, $0x1;
	s10 =	sld [smem:$0x3F98];
	_ =	sdelay $0x3  }
0x37: {  	[smem:$0x3F98] =	sst s10  }
0x38: {  	s10 =	sld [smem:$0x3F99]  }
0x39: {  	_ = 	snop;
	(pc) =	sbr.ind lr, $3  }
0x3a: {  	_ = 	snop  }
0x3b: {  	_ = 	snop  }
0x3c: {  	p2 =	seq.s32 s10, $0x1;
	s10 =	sld [smem:$0x3F98]  }
0x3d: {  	_ =	shalt  }
0x3e: {  	_ =	shalt  }
0x3f: {  	_ =	shalt  }
0x40: {  	_ =	shalt  }
0x41: {  	_ =	shalt  }
0x42: {  	_ =	shalt  }
0x43: {  	_ =	shalt  }
0x44: {  	_ =	shalt  }
0x45: {  	_ =	shalt  }
0x46: {  	_ =	shalt  }
0x47: {  	_ =	shalt  }
0x48: {  	_ =	shalt  }
0x49: {  	_ =	shalt  }
0x4a: {  	_ =	shalt  }
0x4b: {  	_ =	shalt  }
0x4c: {  	_ =	shalt  }
0x4d: {  	_ =	shalt  }
0x4e: {  	_ =	shalt  }
0x4f: {  	_ =	shalt  }
0x50: {  	_ =	shalt  }
0x51: {  	_ =	shalt  }
0x52: {  	_ =	shalt  }
0x53: {  	_ =	shalt  }
0x54: {  	_ =	shalt  }
0x55: {  	_ =	shalt  }
0x56: {  	_ =	shalt  }
0x57: {  	_ =	shalt  }
0x58: {  	_ =	shalt  }
0x59: {  	_ =	shalt  }
0x5a: {  	_ =	shalt  }
0x5b: {  	_ =	shalt  }
0x5c: {  	_ =	shalt  }
0x5d: {  	_ =	shalt  }
0x5e: {  	_ =	shalt  }
0x5f: {  	_ =	shalt  }
0x60: {  	_ =	shalt  }
0x61: {  	_ =	shalt  }
0x62: {  	_ =	shalt  }
0x63: {  	_ =	shalt  }
0x64: {  	_ =	shalt  }
0x65: {  	_ =	shalt  }
0x66: {  	_ =	shalt  }
0x67: {  	_ =	shalt  }
0x68: {  	_ =	shalt  }
0x69: {  	_ =	shalt  }
0x6a: {  	_ =	shalt  }
0x6b: {  	_ =	shalt  }
0x6c: {  	_ =	shalt  }
0x6d: {  	_ =	shalt  }
0x6e: {  	_ =	shalt  }
0x6f: {  	_ =	shalt  }
0x70: {  	_ =	shalt  }
0x71: {  	_ =	shalt  }
0x72: {  	_ =	shalt  }
0x73: {  	_ =	shalt  }
0x74: {  	_ =	shalt  }
0x75: {  	_ =	shalt  }
0x76: {  	_ =	shalt  }
0x77: {  	_ =	shalt  }
0x78: {  	_ =	shalt  }
0x79: {  	_ =	shalt  }
0x7a: {  	_ =	shalt  }
0x7b: {  	_ =	shalt  }
0x7c: {  	_ =	shalt  }
0x7d: {  	_ =	shalt  }
0x7e: {  	_ =	shalt  }
0x7f: {  	_ =	shalt  }
0x80: {  	_ =	shalt  }
0x81: {  	_ =	shalt  }
0x82: {  	_ =	shalt  }
0x83: {  	_ =	shalt  }
0x84: {  	_ =	shalt  }
0x85: {  	_ =	shalt  }
0x86: {  	_ =	shalt  }
0x87: {  	_ =	shalt  }
.Lfunc_end0:
.L_simem_size_0:
called_computation_lowered:
.L_overlay_start_0:
0x88: {  	s2 =	sld [smem:$0x3FD9]  }
0x89: {  	s3 =	sld [smem:$0x3FFE];
	_ =	sdelay $0x1  }
0x8a: {  	s1 =	srdreg.scid  }
0x8b: {  	s0 =	sand.u32 $0x1, s1  }
0x8c: {  	s17 =	sshll.u32 s0, $0xA;
	s2 =	sadd.s32 s3, s2  }
0x8d: {  	s2 =	sadd.s32 s2, s17  }
0x8e: {  	[smem:$0x3FA4] =	sst s2  }
0x8f: {  	_ = 	snop  }
0x90: {  	s2 =	sld [smem:$0x3FC4];
	(tm) =	ssettm $0x1  }
0x91: {  	s18 =	sld [smem:$0x3FFB];
	_ =	sdelay $0x3  }
0x92: {  	_ =	strace s18  }
0x93: {  	s3 =	sld [smem:$0x3FFC];
	_ =	sdelay $0x3  }
0x94: {  	_ =	strace s3  }
0x95: {  	s3 =	sld [smem:$0x3FFD];
	_ =	sdelay $0x3  }
0x96: {  	_ =	strace s3  }
0x97: {  	_ =	strace $0x8FFFFFFF  }
0x98: {  	s19 =	sld [smem:$0x3FDB];
	_ =	sdelay $0x1  }
0x99: {  	s4 =	simm.s32 $_scs_section_size  }
0x9a: {  	s5 =	simm.s32 $_size__tile_overlayer_lowered;
	s6 =	simm.s32 $_tile_overlayer_lowered  }
0x9b: {  	s22 =	simm.s32 $0x1BFF;
	s21 =	sshll.u32 s6, $0x1;
	s3 =	sadd.s32 s4, s19  }
0x9c: {  	s7 =	simm.s32 $0x0;
	s20 =	sshll.u32 s5, $0x1;
	s5 =	sadd.s32 s21, s3  }
0x9d: {  	[timem:s7], [sflag:s22] =	dma.local [hbm:s5], s20  }
0x9e: {  	_ =	swait.ge [sflag:s22], s20  }
0x9f: {  	s4 =	ssub.s32 $0x0, s20;
	[sflag:s22] =	ssyncset.done $0x0  }
0xa0: {  	[sflag:s22] =	ssyncadd.s32 s4;
	_ =	sdelay $0x1  }
0xa1: {  	s23 =	simm.s32 $0x1B8B  }
0xa2: {  	_ =	swait.ge [sflag:s23], $0x1  }
0xa3: {  	[sflag:s23] =	ssyncset.done $0x0  }
0xa4: {  	s25 =	simm.s32 $0x1B8E;
	s24 =	sld [smem:$0x3FFE];
	[sflag:s23] =	ssyncadd.s32 $0xFFFFFFFF  }
0xa5: {  	s26 =	simm.s32 $execute0_lowered;
	[smem:$0x3FD2] =	sst s25  }
0xa6: {  	s5 =	sshll.u32 s26, $0x1;
	_ =	strace $0x80000046;
	[dreg:$0x1] =	wrdreg $0xFFFFFFFF  }
0xa7: {  	s28 =	simm.s32 $_size_execute0_lowered;
	s3 =	sadd.s32 s3, s5;
	[dreg:$0x0] =	wrdreg $0x0  }
0xa8: {  	s5 =	sshll.u32 s28, $0x1;
	[dreg:$0x2] =	wrdreg s3  }
0xa9: {  	[dreg:$0x3] =	wrdreg s5  }
0xaa: {  	[dreg:$0x4] =	wrdreg $0xC0  }
0xab: {  	_ =	task [dreg:s7], $0x5FFFF  }
0xac: {  	[dreg:$0x1] =	wrdreg $0xFFFFFFFF  }
0xad: {  	[dreg:$0x0] =	wrdreg $0x60  }
0xae: {  	[dreg:$0x2] =	wrdreg s24  }
0xaf: {  	[dreg:$0x3] =	wrdreg s2  }
0xb0: {  	[dreg:$0x4] =	wrdreg $0x9  }
0xb1: {  	_ =	task.clear_ibuf [dreg:s7], $0x5FFFF;
	_ =	strace $0x90000046  }
0xb2: {  	s29 =	simm.s32 $0x9;
	_ =	strace $0x80000048  }
0xb3: {  	_ =	swait.ge [sflag:s29], $0x1  }
0xb4: {  	[sflag:s29] =	ssyncadd.s32 $0xFFFFFFFF  }
0xb5: {  	_ =	strace $0x90000048  }
0xb6: {  	_ =	sfence  }
0xb7: {  	s30 =	sld [smem:$0x0];
	_ =	sdelay $0x2  }
0xb8: {  	s31 =	sshll.u32 s1, $0xD;
	s1 =	sshrl.u32 s1, $0x2  }
0xb9: {  	s3 =	sand.u32 $0x4000, s31;
	s1 =	sadd.s32 s1, s30  }
0xba: {  	s0 =	sor.u32 s3, s0;
	s1 =	sshll.u32 s1, $0x11  }
0xbb: {  	s0 =	sor.u32 s1, s0  }
0xbc: {  	s0 =	sadd.s32 $0x8F2B, s0  }
0xbd: {  	[sflag:s0] =	ssyncadd.remote.s32 $0x1  }
0xbe: {  	_ =	sfence.sel $0xFFFF  }
0xbf: {  	[dreg:$0x0] =	wrdreg $0xFFFFFFFF;
	(pc) =	sbr.abs _section_cstart, $3  }
0xc0: {  	[dreg:$0x1] =	wrdreg $0xFFFFFFFF  }
0xc1: {  	_ =	task.clear_ibuf [dreg:s7], $0x2FFFF;
	_ =	strace $0x9FFFFFFF  }
0xc2: {  	(tm) =	ssettm $0x7FFFFFFF  }
0xc3: {  	_ =	shalt  }
tec
execute0_lowered:
.L_overlay_start_1:
0x0: {  	(tag) =	ssettag $0x1  }
0x1: {  	s0 =	srdreg.scid  }
0x2: {  	s3 =	sand.u32 $0x1, s0;
	s0 =	stileid.u32  }
0x3: {  	s4 =	sor.u32 s0, s3  }
0x4: {  	p0 =	sne.s32 s4, $0x0  }
.Ltmp0:
0x5: {  	_ = 	snop;
	(pc) =	sbr.rel @p0 .LBB2_3-.Ltmp0, $4  }
0x6: {  	_ = 	snop  }
0x7: {  	s5 =	rddreg [dreg:$0x0]  }
0x8: {  	s2 =	rddreg [dreg:$0x1]  }
0x9: {  	s1 =	rddreg [dreg:$0x2];
	_ =	strace $0x80000047  }
0xa: {  	s6 =	ssub.s32 $0x2, s3  }
0xb: {  	s3 =	sadd.s32 $0x2800, s5;
	s4 =	sadd.s32 $0x6800, s5;
	s5 =	sadd.s32 $0x6C00, s5  }
0xc: {  	s8 =	simm.s32 $0x2;
	s9 =	simm.s32 $0x40;
	s10 =	simm.s32 $0x80  }
0xd: {  	s11 =	simm.s32 $0x1;
	s12 =	simm.s32 $0x2080;
	s7 =	sshrl.u32 s6, $0x1  }
0xe: {  	s13 =	simm.s32 $0x4080;
	s6 =	ssub.s32 s6, s7;
	s7 =	simm.s32 $0x0  }
.LBB2_2:
0xf: {  	[tilespmem:s7], [sflag:$0x2] =	stream.linear.gather [hbm4b:s2+s7], $0x80, $0x38;
	[tilespmem:$0x6080] =	vst v63  }
0x10: {  	_ =	swait.ge [sflag:s8], $0x80  }
0x11: {  	[sflag:s8] =	ssyncset.done $0x0  }
0x12: {  	[sflag:s8] =	ssyncadd.s32 $0xFFFFFF80  }
0x13: {  	[tilespmem:s10], [sflag:$0x1] =	stream.indirect.gather [hbm4b:s3+s9], $0x80, s7, s9, $0xb8;
	[tilespmem:$0x6080] =	vst v63  }
0x14: {  	_ =	swait.ge [sflag:s11], $0x2000  }
0x15: {  	[sflag:s11] =	ssyncset.done $0x0  }
0x16: {  	[sflag:s11] =	ssyncadd.s32 $0xFFFFE000  }
0x17: {  	v7 =	vld [tilespmem:$0x80]  }
0x18: {  	v8 =	vld [tilespmem:$0x100]  }
0x19: {  	v9 =	vld [tilespmem:$0x180]  }
0x1a: {  	v10 =	vld [tilespmem:$0x200]  }
0x1b: {  	v11 =	vld [tilespmem:$0x280]  }
0x1c: {  	v63 =	vld [tilespmem:$0x300]  }
0x1d: {  	v62 =	vld [tilespmem:$0x380];
	v0 =	vmax.f32 v7, v8  }
0x1e: {  	v61 =	vld [tilespmem:$0x400];
	v0 =	vmax.f32 v0, v9  }
0x1f: {  	v60 =	vld [tilespmem:$0x480];
	v0 =	vmax.f32 v0, v10  }
0x20: {  	v59 =	vld [tilespmem:$0x500];
	v0 =	vmax.f32 v0, v11  }
0x21: {  	v58 =	vld [tilespmem:$0x580];
	v0 =	vmax.f32 v0, v63  }
0x22: {  	v57 =	vld [tilespmem:$0x600];
	v0 =	vmax.f32 v0, v62  }
0x23: {  	v56 =	vld [tilespmem:$0x680];
	v0 =	vmax.f32 v0, v61  }
0x24: {  	v55 =	vld [tilespmem:$0x700];
	v0 =	vmax.f32 v0, v60  }
0x25: {  	v54 =	vld [tilespmem:$0x780];
	v0 =	vmax.f32 v0, v59  }
0x26: {  	v53 =	vld [tilespmem:$0x800];
	v0 =	vmax.f32 v0, v58  }
0x27: {  	v52 =	vld [tilespmem:$0x880];
	v0 =	vmax.f32 v0, v57  }
0x28: {  	v51 =	vld [tilespmem:$0x900];
	v0 =	vmax.f32 v0, v56  }
0x29: {  	v50 =	vld [tilespmem:$0x980];
	v0 =	vmax.f32 v0, v55  }
0x2a: {  	v49 =	vld [tilespmem:$0xA00];
	v0 =	vmax.f32 v0, v54  }
0x2b: {  	v48 =	vld [tilespmem:$0xA80];
	v0 =	vmax.f32 v0, v53  }
0x2c: {  	v47 =	vld [tilespmem:$0xB00];
	v0 =	vmax.f32 v0, v52  }
0x2d: {  	v46 =	vld [tilespmem:$0xB80];
	v0 =	vmax.f32 v0, v51  }
0x2e: {  	v45 =	vld [tilespmem:$0xC00];
	v0 =	vmax.f32 v0, v50  }
0x2f: {  	v44 =	vld [tilespmem:$0xC80];
	v0 =	vmax.f32 v0, v49  }
0x30: {  	v43 =	vld [tilespmem:$0xD00];
	v0 =	vmax.f32 v0, v48  }
0x31: {  	v42 =	vld [tilespmem:$0xD80];
	v0 =	vmax.f32 v0, v47  }
0x32: {  	v41 =	vld [tilespmem:$0xE00];
	v0 =	vmax.f32 v0, v46  }
0x33: {  	v40 =	vld [tilespmem:$0xE80];
	v0 =	vmax.f32 v0, v45  }
0x34: {  	v39 =	vld [tilespmem:$0xF00];
	v0 =	vmax.f32 v0, v44  }
0x35: {  	v38 =	vld [tilespmem:$0xF80];
	v0 =	vmax.f32 v0, v43  }
0x36: {  	v37 =	vld [tilespmem:$0x1000];
	v0 =	vmax.f32 v0, v42  }
0x37: {  	v36 =	vld [tilespmem:$0x1080];
	v0 =	vmax.f32 v0, v41  }
0x38: {  	v35 =	vld [tilespmem:$0x1100];
	v0 =	vmax.f32 v0, v40  }
0x39: {  	v34 =	vld [tilespmem:$0x1180];
	v0 =	vmax.f32 v0, v39  }
0x3a: {  	v33 =	vld [tilespmem:$0x1200];
	v0 =	vmax.f32 v0, v38  }
0x3b: {  	v32 =	vld [tilespmem:$0x1280];
	v0 =	vmax.f32 v0, v37  }
0x3c: {  	v31 =	vld [tilespmem:$0x1300];
	v0 =	vmax.f32 v0, v36  }
0x3d: {  	v30 =	vld [tilespmem:$0x1380];
	v0 =	vmax.f32 v0, v35  }
0x3e: {  	v29 =	vld [tilespmem:$0x1400];
	v0 =	vmax.f32 v0, v34  }
0x3f: {  	v28 =	vld [tilespmem:$0x1480];
	v0 =	vmax.f32 v0, v33  }
0x40: {  	v27 =	vld [tilespmem:$0x1500];
	v0 =	vmax.f32 v0, v32  }
0x41: {  	v26 =	vld [tilespmem:$0x1580];
	v0 =	vmax.f32 v0, v31  }
0x42: {  	v25 =	vld [tilespmem:$0x1600];
	v0 =	vmax.f32 v0, v30  }
0x43: {  	v24 =	vld [tilespmem:$0x1680];
	v0 =	vmax.f32 v0, v29  }
0x44: {  	v23 =	vld [tilespmem:$0x1700];
	v0 =	vmax.f32 v0, v28  }
0x45: {  	v22 =	vld [tilespmem:$0x1780];
	v0 =	vmax.f32 v0, v27  }
0x46: {  	v21 =	vld [tilespmem:$0x1800];
	v0 =	vmax.f32 v0, v26  }
0x47: {  	v20 =	vld [tilespmem:$0x1880];
	v0 =	vmax.f32 v0, v25  }
0x48: {  	v19 =	vld [tilespmem:$0x1900];
	v0 =	vmax.f32 v0, v24  }
0x49: {  	v18 =	vld [tilespmem:$0x1980];
	v0 =	vmax.f32 v0, v23  }
0x4a: {  	v17 =	vld [tilespmem:$0x1A00];
	v0 =	vmax.f32 v0, v22  }
0x4b: {  	v16 =	vld [tilespmem:$0x1A80];
	v0 =	vmax.f32 v0, v21  }
0x4c: {  	v15 =	vld [tilespmem:$0x1B00];
	v0 =	vmax.f32 v0, v20  }
0x4d: {  	v14 =	vld [tilespmem:$0x1B80];
	v0 =	vmax.f32 v0, v19  }
0x4e: {  	v13 =	vld [tilespmem:$0x1C00];
	v0 =	vmax.f32 v0, v18  }
0x4f: {  	v12 =	vld [tilespmem:$0x1C80];
	v0 =	vmax.f32 v0, v17  }
0x50: {  	v6 =	vld [tilespmem:$0x1D00];
	v0 =	vmax.f32 v0, v16  }
0x51: {  	v3 =	vld [tilespmem:$0x1D80];
	v0 =	vmax.f32 v0, v15  }
0x52: {  	v5 =	vld [tilespmem:$0x1E00];
	v0 =	vmax.f32 v0, v14  }
0x53: {  	v4 =	vld [tilespmem:$0x1E80];
	v0 =	vmax.f32 v0, v13  }
0x54: {  	v2 =	vld [tilespmem:$0x1F00];
	v0 =	vmax.f32 v0, v12  }
0x55: {  	v1 =	vld [tilespmem:$0x1F80];
	v0 =	vmax.f32 v0, v6  }
0x56: {  	[tilespmem:$0x1FFA0] =	vst v3;
	v0 =	vmax.f32 v0, v3;
	v3 =	vld [tilespmem:$0x2000]  }
0x57: {  	v0 =	vmax.f32 v0, v5  }
0x58: {  	v0 =	vmax.f32 v0, v4  }
0x59: {  	v0 =	vmax.f32 v0, v2  }
0x5a: {  	v0 =	vmax.f32 v0, v1  }
0x5b: {  	[tilespmem:$0x1FBF0] =	vst v7;
	v0 =	vmax.f32 v0, v3  }
0x5c: {  	[tilespmem:$0x1FFC0] =	vst v4;
	v4 =	vsub.f32 v7, v0  }
0x5d: {  	[tilespmem:$0x1FFD0] =	vst v2;
	v7 =	vsub.f32 v8, v0  }
0x5e: {  	[tilespmem:$0x1FFE0] =	vst v1;
	v1 =	vmul.f32 $1.442695020e+00, v4  }
0x5f: {  	[tilespmem:$0x1FFF0] =	vst v3;
	v3 =	vsub.f32 v9, v0;
	v2 =	vmul.f32 $1.442695020e+00, v7  }
0x60: {  	[tilespmem:$0x1FC10] =	vst v8;
	(erf) = vpow2.f32 v1  }
0x61: {  	[tilespmem:$0x1FC20] =	vst v9;
	v9 =	vsub.f32 v10, v0;
	v8 =	vmul.f32 $1.442695020e+00, v3;
	(erf) = vpow2.f32 v2;
	_ =	sdelay $0x1  }
0x62: {  	[tilespmem:$0x1FC30] =	vst v10;
	v10 =	vmul.f32 $1.442695020e+00, v9;
	v4 =	vsub.f32 v11, v0;
	(erf) = vpow2.f32 v8;
	_ =	sdelay $0x1  }
0x63: {  	v7 =	vmul.f32 $1.442695020e+00, v4;
	v8 =	vsub.f32 v63, v0;
	(erf) = vpow2.f32 v10;
	_ =	sdelay $0x1  }
0x64: {  	v10 =	vsub.f32 v62, v0;
	(erf) = vpow2.f32 v7;
	v9 =	vmul.f32 $1.442695020e+00, v8  }
0x65: {  	[tilespmem:$0x1FC40] =	vst v11;
	v11 =	vsub.f32 v61, v0  }
0x66: {  	[tilespmem:$0x1FC50] =	vst v63;
	v7 =	vmul.f32 $1.442695020e+00, v10;
	(erf) = vpow2.f32 v9;
	v63 =	vpop (erf)  }
0x67: {  	[tilespmem:$0x1FC60] =	vst v62;
	v8 =	vmul.f32 $1.442695020e+00, v11;
	v62 =	vpop (erf)  }
0x68: {  	[tilespmem:$0x1FC80] =	vst v60;
	v9 =	vsub.f32 v60, v0;
	(erf) = vpow2.f32 v7;
	v10 =	vadd.f32 v62, v63  }
0x69: {  	[tilespmem:$0x1FC90] =	vst v59;
	v59 =	vsub.f32 v59, v0;
	v60 =	vsub.f32 v58, v0;
	v11 =	vpop (erf)  }
0x6a: {  	v1 =	vmul.f32 $1.442695020e+00, v9;
	(erf) = vpow2.f32 v8;
	v2 =	vadd.f32 v10, v11  }
0x6b: {  	[tilespmem:$0x1FC70] =	vst v61;
	v61 =	vpop (erf)  }
0x6c: {  	v7 =	vmul.f32 $1.442695020e+00, v59;
	(erf) = vpow2.f32 v1;
	v2 =	vadd.f32 v2, v61  }
0x6d: {  	v8 =	vmul.f32 $1.442695020e+00, v60;
	v60 =	vpop (erf)  }
0x6e: {  	(erf) = vpow2.f32 v7;
	v10 =	vsub.f32 v57, v0;
	v9 =	vadd.f32 v2, v60  }
0x6f: {  	[tilespmem:$0x1FCB0] =	vst v57;
	(erf) = vpow2.f32 v8;
	v57 =	vsub.f32 v55, v0;
	v59 =	vpop (erf)  }
0x70: {  	[tilespmem:$0x1FC00] =	vst v11;
	v11 =	vsub.f32 v56, v0;
	v2 =	vmul.f32 $1.442695020e+00, v10;
	v1 =	vadd.f32 v9, v59  }
0x71: {  	[tilespmem:$0x1FCA0] =	vst v58;
	v58 =	vpop (erf)  }
0x72: {  	v8 =	vmul.f32 $1.442695020e+00, v11;
	(erf) = vpow2.f32 v2;
	v1 =	vadd.f32 v1, v58  }
0x73: {  	v9 =	vmul.f32 $1.442695020e+00, v57;
	v57 =	vpop (erf)  }
0x74: {  	v10 =	vsub.f32 v54, v0;
	(erf) = vpow2.f32 v8;
	v1 =	vadd.f32 v1, v57  }
0x75: {  	[tilespmem:$0x1FCC0] =	vst v56;
	v11 =	vsub.f32 v53, v0;
	v56 =	vpop (erf)  }
0x76: {  	v2 =	vmul.f32 $1.442695020e+00, v10;
	(erf) = vpow2.f32 v9;
	v1 =	vadd.f32 v1, v56  }
0x77: {  	[tilespmem:$0x1FCD0] =	vst v55;
	v8 =	vsub.f32 v52, v0;
	v55 =	vpop (erf)  }
0x78: {  	v9 =	vmul.f32 $1.442695020e+00, v11;
	(erf) = vpow2.f32 v2;
	v1 =	vadd.f32 v1, v55  }
0x79: {  	[tilespmem:$0x1FCE0] =	vst v54;
	v11 =	vsub.f32 v51, v0;
	v54 =	vpop (erf)  }
0x7a: {  	[tilespmem:$0x1FCF0] =	vst v53;
	v10 =	vmul.f32 $1.442695020e+00, v8;
	(erf) = vpow2.f32 v9;
	v1 =	vadd.f32 v1, v54  }
0x7b: {  	[tilespmem:$0x1FD20] =	vst v50;
	v50 =	vsub.f32 v50, v0;
	v53 =	vpop (erf)  }
0x7c: {  	v2 =	vmul.f32 $1.442695020e+00, v11;
	(erf) = vpow2.f32 v10;
	v1 =	vadd.f32 v1, v53  }
0x7d: {  	[tilespmem:$0x1FD00] =	vst v52;
	v8 =	vsub.f32 v49, v0;
	v52 =	vpop (erf)  }
0x7e: {  	v9 =	vmul.f32 $1.442695020e+00, v50;
	(erf) = vpow2.f32 v2;
	v1 =	vadd.f32 v1, v52  }
0x7f: {  	[tilespmem:$0x1FD10] =	vst v51;
	v11 =	vsub.f32 v48, v0;
	v51 =	vpop (erf)  }
0x80: {  	[tilespmem:$0x1FD40] =	vst v48;
	v10 =	vmul.f32 $1.442695020e+00, v8;
	(erf) = vpow2.f32 v9;
	v1 =	vadd.f32 v1, v51  }
0x81: {  	[tilespmem:$0x1FD50] =	vst v47;
	v47 =	vsub.f32 v47, v0;
	v48 =	vsub.f32 v46, v0;
	v50 =	vpop (erf)  }
0x82: {  	v2 =	vmul.f32 $1.442695020e+00, v11;
	(erf) = vpow2.f32 v10;
	v1 =	vadd.f32 v1, v50  }
0x83: {  	[tilespmem:$0x1FD30] =	vst v49;
	v49 =	vpop (erf)  }
0x84: {  	v8 =	vmul.f32 $1.442695020e+00, v47;
	(erf) = vpow2.f32 v2;
	v1 =	vadd.f32 v1, v49  }
0x85: {  	v9 =	vmul.f32 $1.442695020e+00, v48;
	v48 =	vpop (erf)  }
0x86: {  	v10 =	vsub.f32 v45, v0;
	(erf) = vpow2.f32 v8;
	v1 =	vadd.f32 v1, v48  }
0x87: {  	[tilespmem:$0x1FD70] =	vst v45;
	v11 =	vsub.f32 v44, v0;
	v45 =	vsub.f32 v43, v0;
	v47 =	vpop (erf)  }
0x88: {  	v2 =	vmul.f32 $1.442695020e+00, v10;
	(erf) = vpow2.f32 v9;
	v1 =	vadd.f32 v1, v47  }
0x89: {  	[tilespmem:$0x1FD60] =	vst v46;
	v46 =	vpop (erf)  }
0x8a: {  	v8 =	vmul.f32 $1.442695020e+00, v11;
	(erf) = vpow2.f32 v2;
	v1 =	vadd.f32 v1, v46  }
0x8b: {  	v9 =	vmul.f32 $1.442695020e+00, v45;
	v45 =	vpop (erf)  }
0x8c: {  	v10 =	vsub.f32 v42, v0;
	(erf) = vpow2.f32 v8;
	v1 =	vadd.f32 v1, v45  }
0x8d: {  	[tilespmem:$0x1FD80] =	vst v44;
	v11 =	vsub.f32 v41, v0;
	v44 =	vpop (erf)  }
0x8e: {  	v2 =	vmul.f32 $1.442695020e+00, v10;
	(erf) = vpow2.f32 v9;
	v1 =	vadd.f32 v1, v44  }
0x8f: {  	[tilespmem:$0x1FD90] =	vst v43;
	v8 =	vsub.f32 v40, v0;
	v43 =	vpop (erf)  }
0x90: {  	v9 =	vmul.f32 $1.442695020e+00, v11;
	(erf) = vpow2.f32 v2;
	v1 =	vadd.f32 v1, v43  }
0x91: {  	[tilespmem:$0x1FDA0] =	vst v42;
	v11 =	vsub.f32 v39, v0;
	v42 =	vpop (erf)  }
0x92: {  	[tilespmem:$0x1FDB0] =	vst v41;
	v10 =	vmul.f32 $1.442695020e+00, v8;
	(erf) = vpow2.f32 v9;
	v1 =	vadd.f32 v1, v42  }
0x93: {  	[tilespmem:$0x1FDE0] =	vst v38;
	v38 =	vsub.f32 v38, v0;
	v41 =	vpop (erf)  }
0x94: {  	v2 =	vmul.f32 $1.442695020e+00, v11;
	(erf) = vpow2.f32 v10;
	v1 =	vadd.f32 v1, v41  }
0x95: {  	[tilespmem:$0x1FDC0] =	vst v40;
	v8 =	vsub.f32 v37, v0;
	v40 =	vpop (erf)  }
0x96: {  	v9 =	vmul.f32 $1.442695020e+00, v38;
	(erf) = vpow2.f32 v2;
	v1 =	vadd.f32 v1, v40  }
0x97: {  	[tilespmem:$0x1FDD0] =	vst v39;
	v11 =	vsub.f32 v36, v0;
	v39 =	vpop (erf)  }
0x98: {  	[tilespmem:$0x1FE00] =	vst v36;
	v10 =	vmul.f32 $1.442695020e+00, v8;
	(erf) = vpow2.f32 v9;
	v1 =	vadd.f32 v1, v39  }
0x99: {  	[tilespmem:$0x1FE10] =	vst v35;
	v35 =	vsub.f32 v35, v0;
	v36 =	vsub.f32 v34, v0;
	v38 =	vpop (erf)  }
0x9a: {  	v2 =	vmul.f32 $1.442695020e+00, v11;
	(erf) = vpow2.f32 v10;
	v1 =	vadd.f32 v1, v38  }
0x9b: {  	[tilespmem:$0x1FDF0] =	vst v37;
	v37 =	vpop (erf)  }
0x9c: {  	v8 =	vmul.f32 $1.442695020e+00, v35;
	(erf) = vpow2.f32 v2;
	v1 =	vadd.f32 v1, v37  }
0x9d: {  	v9 =	vmul.f32 $1.442695020e+00, v36;
	v36 =	vpop (erf)  }
0x9e: {  	v10 =	vsub.f32 v33, v0;
	(erf) = vpow2.f32 v8;
	v1 =	vadd.f32 v1, v36  }
0x9f: {  	[tilespmem:$0x1FE30] =	vst v33;
	v11 =	vsub.f32 v32, v0;
	v33 =	vsub.f32 v31, v0;
	v35 =	vpop (erf)  }
0xa0: {  	v2 =	vmul.f32 $1.442695020e+00, v10;
	(erf) = vpow2.f32 v9;
	v1 =	vadd.f32 v1, v35  }
0xa1: {  	[tilespmem:$0x1FE20] =	vst v34;
	v34 =	vpop (erf)  }
0xa2: {  	v8 =	vmul.f32 $1.442695020e+00, v11;
	(erf) = vpow2.f32 v2;
	v1 =	vadd.f32 v1, v34  }
0xa3: {  	v9 =	vmul.f32 $1.442695020e+00, v33;
	v33 =	vpop (erf)  }
0xa4: {  	v10 =	vsub.f32 v30, v0;
	(erf) = vpow2.f32 v8;
	v1 =	vadd.f32 v1, v33  }
0xa5: {  	[tilespmem:$0x1FE40] =	vst v32;
	v11 =	vsub.f32 v29, v0;
	v32 =	vpop (erf)  }
0xa6: {  	v2 =	vmul.f32 $1.442695020e+00, v10;
	(erf) = vpow2.f32 v9;
	v1 =	vadd.f32 v1, v32  }
0xa7: {  	[tilespmem:$0x1FE50] =	vst v31;
	v8 =	vsub.f32 v28, v0;
	v31 =	vpop (erf)  }
0xa8: {  	v9 =	vmul.f32 $1.442695020e+00, v11;
	(erf) = vpow2.f32 v2;
	v1 =	vadd.f32 v1, v31  }
0xa9: {  	[tilespmem:$0x1FE60] =	vst v30;
	v11 =	vsub.f32 v27, v0;
	v30 =	vpop (erf)  }
0xaa: {  	[tilespmem:$0x1FE70] =	vst v29;
	v10 =	vmul.f32 $1.442695020e+00, v8;
	(erf) = vpow2.f32 v9;
	v1 =	vadd.f32 v1, v30  }
0xab: {  	[tilespmem:$0x1FEA0] =	vst v26;
	v26 =	vsub.f32 v26, v0;
	v29 =	vpop (erf)  }
0xac: {  	v2 =	vmul.f32 $1.442695020e+00, v11;
	(erf) = vpow2.f32 v10;
	v1 =	vadd.f32 v1, v29  }
0xad: {  	[tilespmem:$0x1FE80] =	vst v28;
	v8 =	vsub.f32 v25, v0;
	v28 =	vpop (erf)  }
0xae: {  	v9 =	vmul.f32 $1.442695020e+00, v26;
	(erf) = vpow2.f32 v2;
	v1 =	vadd.f32 v1, v28  }
0xaf: {  	[tilespmem:$0x1FE90] =	vst v27;
	v11 =	vsub.f32 v24, v0;
	v27 =	vpop (erf)  }
0xb0: {  	[tilespmem:$0x1FEC0] =	vst v24;
	v10 =	vmul.f32 $1.442695020e+00, v8;
	(erf) = vpow2.f32 v9;
	v1 =	vadd.f32 v1, v27  }
0xb1: {  	[tilespmem:$0x1FED0] =	vst v23;
	v23 =	vsub.f32 v23, v0;
	v24 =	vsub.f32 v22, v0;
	v26 =	vpop (erf)  }
0xb2: {  	v2 =	vmul.f32 $1.442695020e+00, v11;
	(erf) = vpow2.f32 v10;
	v1 =	vadd.f32 v1, v26  }
0xb3: {  	[tilespmem:$0x1FEB0] =	vst v25;
	v25 =	vpop (erf)  }
0xb4: {  	v7 =	vmul.f32 $1.442695020e+00, v23;
	(erf) = vpow2.f32 v2;
	v1 =	vadd.f32 v1, v25  }
0xb5: {  	v8 =	vmul.f32 $1.442695020e+00, v24;
	v24 =	vpop (erf)  }
0xb6: {  	v9 =	vsub.f32 v21, v0;
	(erf) = vpow2.f32 v7;
	v1 =	vadd.f32 v1, v24  }
0xb7: {  	v10 =	vsub.f32 v20, v0;
	v23 =	vpop (erf)  }
0xb8: {  	v2 =	vmul.f32 $1.442695020e+00, v9;
	(erf) = vpow2.f32 v8;
	v1 =	vadd.f32 v1, v23  }
0xb9: {  	[tilespmem:$0x1FEE0] =	vst v22;
	v11 =	vsub.f32 v19, v0;
	v22 =	vpop (erf)  }
0xba: {  	[tilespmem:$0x1FF10] =	vst v19;
	v19 =	vmul.f32 $1.442695020e+00, v10;
	(erf) = vpow2.f32 v2;
	v1 =	vadd.f32 v1, v22  }
0xbb: {  	[tilespmem:$0x1FEF0] =	vst v21;
	v7 =	vmul.f32 $1.442695020e+00, v11;
	v21 =	vpop (erf)  }
0xbc: {  	v8 =	vsub.f32 v18, v0;
	(erf) = vpow2.f32 v19;
	v1 =	vadd.f32 v1, v21  }
0xbd: {  	[tilespmem:$0x1FF00] =	vst v20;
	v9 =	vsub.f32 v17, v0;
	v20 =	vpop (erf)  }
0xbe: {  	v2 =	vmul.f32 $1.442695020e+00, v8;
	(erf) = vpow2.f32 v7;
	v1 =	vadd.f32 v1, v20  }
0xbf: {  	v10 =	vsub.f32 v16, v0;
	v19 =	vpop (erf)  }
0xc0: {  	v11 =	vmul.f32 $1.442695020e+00, v9;
	(erf) = vpow2.f32 v2;
	v1 =	vadd.f32 v1, v19  }
0xc1: {  	[tilespmem:$0x1FF20] =	vst v18;
	v8 =	vsub.f32 v15, v0;
	v18 =	vpop (erf)  }
0xc2: {  	v7 =	vmul.f32 $1.442695020e+00, v10;
	(erf) = vpow2.f32 v11;
	v1 =	vadd.f32 v1, v18  }
0xc3: {  	[tilespmem:$0x1FF30] =	vst v17;
	v9 =	vsub.f32 v14, v0;
	v17 =	vpop (erf)  }
0xc4: {  	v2 =	vmul.f32 $1.442695020e+00, v8;
	(erf) = vpow2.f32 v7;
	v1 =	vadd.f32 v1, v17  }
0xc5: {  	[tilespmem:$0x1FF40] =	vst v16;
	v10 =	vsub.f32 v13, v0;
	v16 =	vpop (erf)  }
0xc6: {  	v11 =	vmul.f32 $1.442695020e+00, v9;
	(erf) = vpow2.f32 v2;
	v1 =	vadd.f32 v1, v16  }
0xc7: {  	[tilespmem:$0x1FF50] =	vst v15;
	v8 =	vsub.f32 v12, v0;
	v7 =	vmul.f32 $1.442695020e+00, v10;
	v10 =	vld [tilespmem:$0x1FFA0];
	v15 =	vpop (erf)  }
0xc8: {  	(erf) = vpow2.f32 v11;
	v1 =	vadd.f32 v1, v15  }
0xc9: {  	[tilespmem:$0x1FF60] =	vst v14;
	v9 =	vsub.f32 v6, v0;
	v2 =	vmul.f32 $1.442695020e+00, v8;
	v8 =	vld [tilespmem:$0x1FFC0];
	v14 =	vpop (erf)  }
0xca: {  	(erf) = vpow2.f32 v7;
	v1 =	vadd.f32 v1, v14  }
0xcb: {  	[tilespmem:$0x1FF70] =	vst v13;
	v11 =	vmul.f32 $1.442695020e+00, v9;
	v13 =	vpop (erf)  }
0xcc: {  	v4 =	vsub.f32 v10, v0;
	(erf) = vpow2.f32 v2;
	v1 =	vadd.f32 v1, v13  }
0xcd: {  	[tilespmem:$0x1FF80] =	vst v12;
	v7 =	vsub.f32 v5, v0;
	v12 =	vpop (erf)  }
0xce: {  	[tilespmem:$0x1FF90] =	vst v6;
	v9 =	vld [tilespmem:$0x1FFD0];
	v6 =	vmul.f32 $1.442695020e+00, v4;
	v3 =	vsub.f32 v8, v0;
	v1 =	vadd.f32 v1, v12  }
0xcf: {  	(erf) = vpow2.f32 v11;
	v2 =	vmul.f32 $1.442695020e+00, v7;
	v11 =	vpop (erf)  }
0xd0: {  	[tilespmem:$0x1FFB0] =	vst v5;
	v5 =	vld [tilespmem:$0x1FFE0];
	(erf) = vpow2.f32 v6;
	v6 =	vmul.f32 $1.442695020e+00, v3;
	v1 =	vadd.f32 v1, v11  }
0xd1: {  	(erf) = vpow2.f32 v2;
	v10 =	vpop (erf)  }
0xd2: {  	(erf) = vpow2.f32 v6;
	v6 =	vld [tilespmem:$0x1FFF0];
	v1 =	vadd.f32 v1, v10  }
0xd3: {  	v4 =	vsub.f32 v9, v0;
	v9 =	vpop (erf)  }
0xd4: {  	v1 =	vadd.f32 v1, v9  }
0xd5: {  	v7 =	vmul.f32 $1.442695020e+00, v4;
	v2 =	vsub.f32 v5, v0;
	v5 =	vpop (erf)  }
0xd6: {  	v1 =	vadd.f32 v1, v5  }
0xd7: {  	(erf) = vpow2.f32 v7;
	v2 =	vmul.f32 $1.442695020e+00, v2;
	v0 =	vsub.f32 v6, v0  }
0xd8: {  	v4 =	vpop (erf)  }
0xd9: {  	(erf) = vpow2.f32 v2;
	v0 =	vmul.f32 $1.442695020e+00, v0;
	v7 =	vadd.f32 v1, v4  }
0xda: {  	v1 =	vpop (erf)  }
0xdb: {  	(erf) = vpow2.f32 v0;
	v8 =	vadd.f32 v7, v1  }
0xdc: {  	v2 =	vpop (erf)  }
0xdd: {  	v0 =	vadd.f32 v8, v2  }
0xde: {  	v3 =	vpop (erf)  }
0xdf: {  	v0 =	vadd.f32 v0, v3  }
0xe0: {  	v6 =	vpop (erf)  }
0xe1: {  	v0 =	vadd.f32 v0, v6  }
0xe2: {  	v7 =	vpop (erf)  }
0xe3: {  	v0 =	vadd.f32 v0, v7  }
0xe4: {  	v8 =	vpop (erf)  }
0xe5: {  	v0 =	vadd.f32 v0, v8;
	_ =	sdelay $0x1  }
0xe6: {  	(erf) = vrcp.f32 v0;
	_ =	sdelay $0x8  }
0xe7: {  	v0 =	vpop (erf)  }
0xe8: {  	v63 =	vmul.f32 v0, v63  }
0xe9: {  	v61 =	vmul.f32 v0, v61  }
0xea: {  	v60 =	vmul.f32 v0, v60;
	[tilespmem:$0x2080] =	vst v63  }
0xeb: {  	v59 =	vmul.f32 v0, v59;
	[tilespmem:$0x2200] =	vst v61  }
0xec: {  	v58 =	vmul.f32 v0, v58;
	[tilespmem:$0x2280] =	vst v60  }
0xed: {  	v57 =	vmul.f32 v0, v57;
	[tilespmem:$0x2300] =	vst v59  }
0xee: {  	v56 =	vmul.f32 v0, v56;
	[tilespmem:$0x2380] =	vst v58  }
0xef: {  	v55 =	vmul.f32 v0, v55;
	[tilespmem:$0x2400] =	vst v57  }
0xf0: {  	v54 =	vmul.f32 v0, v54;
	[tilespmem:$0x2480] =	vst v56  }
0xf1: {  	v53 =	vmul.f32 v0, v53;
	[tilespmem:$0x2500] =	vst v55  }
0xf2: {  	v52 =	vmul.f32 v0, v52;
	[tilespmem:$0x2580] =	vst v54  }
0xf3: {  	v51 =	vmul.f32 v0, v51;
	[tilespmem:$0x2600] =	vst v53  }
0xf4: {  	v50 =	vmul.f32 v0, v50;
	[tilespmem:$0x2680] =	vst v52  }
0xf5: {  	v49 =	vmul.f32 v0, v49;
	[tilespmem:$0x2700] =	vst v51  }
0xf6: {  	v48 =	vmul.f32 v0, v48;
	[tilespmem:$0x2780] =	vst v50  }
0xf7: {  	v47 =	vmul.f32 v0, v47;
	[tilespmem:$0x2800] =	vst v49  }
0xf8: {  	v46 =	vmul.f32 v0, v46;
	[tilespmem:$0x2880] =	vst v48  }
0xf9: {  	v45 =	vmul.f32 v0, v45;
	[tilespmem:$0x2900] =	vst v47  }
0xfa: {  	v44 =	vmul.f32 v0, v44;
	[tilespmem:$0x2980] =	vst v46  }
0xfb: {  	v43 =	vmul.f32 v0, v43;
	[tilespmem:$0x2A00] =	vst v45  }
0xfc: {  	v42 =	vmul.f32 v0, v42;
	[tilespmem:$0x2A80] =	vst v44  }
0xfd: {  	v41 =	vmul.f32 v0, v41;
	[tilespmem:$0x2B00] =	vst v43  }
0xfe: {  	v40 =	vmul.f32 v0, v40;
	[tilespmem:$0x2B80] =	vst v42  }
0xff: {  	v39 =	vmul.f32 v0, v39;
	[tilespmem:$0x2C00] =	vst v41  }
0x100: {  	v38 =	vmul.f32 v0, v38;
	[tilespmem:$0x2C80] =	vst v40  }
0x101: {  	v37 =	vmul.f32 v0, v37;
	[tilespmem:$0x2D00] =	vst v39  }
0x102: {  	v36 =	vmul.f32 v0, v36;
	[tilespmem:$0x2D80] =	vst v38  }
0x103: {  	v35 =	vmul.f32 v0, v35;
	[tilespmem:$0x2E00] =	vst v37  }
0x104: {  	v34 =	vmul.f32 v0, v34;
	[tilespmem:$0x2E80] =	vst v36  }
0x105: {  	v33 =	vmul.f32 v0, v33;
	[tilespmem:$0x2F00] =	vst v35  }
0x106: {  	v32 =	vmul.f32 v0, v32;
	[tilespmem:$0x2F80] =	vst v34  }
0x107: {  	v31 =	vmul.f32 v0, v31;
	[tilespmem:$0x3000] =	vst v33  }
0x108: {  	v30 =	vmul.f32 v0, v30;
	[tilespmem:$0x3080] =	vst v32  }
0x109: {  	v29 =	vmul.f32 v0, v29;
	[tilespmem:$0x3100] =	vst v31  }
0x10a: {  	v28 =	vmul.f32 v0, v28;
	[tilespmem:$0x3180] =	vst v30  }
0x10b: {  	v27 =	vmul.f32 v0, v27;
	[tilespmem:$0x3200] =	vst v29  }
0x10c: {  	v26 =	vmul.f32 v0, v26;
	[tilespmem:$0x3280] =	vst v28  }
0x10d: {  	v25 =	vmul.f32 v0, v25;
	[tilespmem:$0x3300] =	vst v27  }
0x10e: {  	v24 =	vmul.f32 v0, v24;
	[tilespmem:$0x3380] =	vst v26  }
0x10f: {  	v23 =	vmul.f32 v0, v23;
	[tilespmem:$0x3400] =	vst v25  }
0x110: {  	v22 =	vmul.f32 v0, v22;
	[tilespmem:$0x3480] =	vst v24  }
0x111: {  	v21 =	vmul.f32 v0, v21;
	[tilespmem:$0x3500] =	vst v23  }
0x112: {  	v20 =	vmul.f32 v0, v20;
	[tilespmem:$0x3580] =	vst v22  }
0x113: {  	v19 =	vmul.f32 v0, v19;
	[tilespmem:$0x3600] =	vst v21  }
0x114: {  	v18 =	vmul.f32 v0, v18;
	[tilespmem:$0x3680] =	vst v20  }
0x115: {  	v17 =	vmul.f32 v0, v17;
	[tilespmem:$0x3700] =	vst v19  }
0x116: {  	v16 =	vmul.f32 v0, v16;
	[tilespmem:$0x3780] =	vst v18  }
0x117: {  	v15 =	vmul.f32 v0, v15;
	[tilespmem:$0x3800] =	vst v17  }
0x118: {  	v14 =	vmul.f32 v0, v14;
	[tilespmem:$0x3880] =	vst v16  }
0x119: {  	v13 =	vmul.f32 v0, v13;
	[tilespmem:$0x3900] =	vst v15  }
0x11a: {  	v12 =	vmul.f32 v0, v12;
	[tilespmem:$0x3980] =	vst v14  }
0x11b: {  	v11 =	vmul.f32 v0, v11;
	[tilespmem:$0x3A00] =	vst v13  }
0x11c: {  	v10 =	vmul.f32 v0, v10;
	[tilespmem:$0x3A80] =	vst v12  }
0x11d: {  	v9 =	vmul.f32 v0, v9;
	[tilespmem:$0x3B00] =	vst v11  }
0x11e: {  	v5 =	vmul.f32 v0, v5;
	[tilespmem:$0x3B80] =	vst v10  }
0x11f: {  	v4 =	vmul.f32 v0, v4;
	v63 =	vmul.f32 v0, v62;
	v62 =	vld [tilespmem:$0x1FBF0];
	[tilespmem:$0x3C00] =	vst v9  }
0x120: {  	v1 =	vmul.f32 v0, v1;
	v61 =	vld [tilespmem:$0x1FC30];
	[tilespmem:$0x3C80] =	vst v5  }
0x121: {  	v60 =	vld [tilespmem:$0x1FC40];
	[tilespmem:$0x3D00] =	vst v4  }
0x122: {  	v56 =	vld [tilespmem:$0x1FCC0];
	[tilespmem:$0x3D80] =	vst v1  }
0x123: {  	v57 =	vld [tilespmem:$0x1FCD0];
	[tilespmem:$0x2100] =	vst v63  }
0x124: {  	v58 =	vld [tilespmem:$0x1FCE0];
	[tilespmem:$0x4080] =	vst v62  }
0x125: {  	v59 =	vld [tilespmem:$0x1FCF0];
	[tilespmem:$0x4200] =	vst v61  }
0x126: {  	v48 =	vld [tilespmem:$0x1FD40];
	[tilespmem:$0x4280] =	vst v60  }
0x127: {  	v49 =	vld [tilespmem:$0x1FD50];
	[tilespmem:$0x4680] =	vst v56  }
0x128: {  	v50 =	vld [tilespmem:$0x1FD60];
	[tilespmem:$0x4700] =	vst v57  }
0x129: {  	v51 =	vld [tilespmem:$0x1FD70];
	[tilespmem:$0x4780] =	vst v58  }
0x12a: {  	v52 =	vld [tilespmem:$0x1FD80];
	[tilespmem:$0x4800] =	vst v59  }
0x12b: {  	v53 =	vld [tilespmem:$0x1FD90];
	[tilespmem:$0x4A80] =	vst v48  }
0x12c: {  	v54 =	vld [tilespmem:$0x1FDA0];
	[tilespmem:$0x4B00] =	vst v49  }
0x12d: {  	v55 =	vld [tilespmem:$0x1FDB0];
	[tilespmem:$0x4B80] =	vst v50  }
0x12e: {  	v32 =	vld [tilespmem:$0x1FE40];
	[tilespmem:$0x4C00] =	vst v51  }
0x12f: {  	v33 =	vld [tilespmem:$0x1FE50];
	[tilespmem:$0x4C80] =	vst v52  }
0x130: {  	v34 =	vld [tilespmem:$0x1FE60];
	[tilespmem:$0x4D00] =	vst v53  }
0x131: {  	v35 =	vld [tilespmem:$0x1FE70];
	[tilespmem:$0x4D80] =	vst v54  }
0x132: {  	v36 =	vld [tilespmem:$0x1FE80];
	[tilespmem:$0x4E00] =	vst v55  }
0x133: {  	v37 =	vld [tilespmem:$0x1FE90];
	[tilespmem:$0x5280] =	vst v32  }
0x134: {  	v38 =	vld [tilespmem:$0x1FEA0];
	[tilespmem:$0x5300] =	vst v33  }
0x135: {  	v39 =	vld [tilespmem:$0x1FEB0];
	[tilespmem:$0x5380] =	vst v34  }
0x136: {  	v40 =	vld [tilespmem:$0x1FEC0];
	[tilespmem:$0x5400] =	vst v35  }
0x137: {  	v41 =	vld [tilespmem:$0x1FED0];
	[tilespmem:$0x5480] =	vst v36  }
0x138: {  	v42 =	vld [tilespmem:$0x1FEE0];
	[tilespmem:$0x5500] =	vst v37  }
0x139: {  	v43 =	vld [tilespmem:$0x1FEF0];
	[tilespmem:$0x5580] =	vst v38  }
0x13a: {  	v44 =	vld [tilespmem:$0x1FF00];
	[tilespmem:$0x5600] =	vst v39  }
0x13b: {  	v45 =	vld [tilespmem:$0x1FF10];
	[tilespmem:$0x5680] =	vst v40  }
0x13c: {  	v46 =	vld [tilespmem:$0x1FF20];
	[tilespmem:$0x5700] =	vst v41  }
0x13d: {  	v47 =	vld [tilespmem:$0x1FF30];
	[tilespmem:$0x5780] =	vst v42  }
0x13e: {  	v63 =	vld [tilespmem:$0x1FC10];
	[tilespmem:$0x5800] =	vst v43  }
0x13f: {  	v62 =	vld [tilespmem:$0x1FC00];
	[tilespmem:$0x5880] =	vst v44  }
0x140: {  	v61 =	vld [tilespmem:$0x1FC50];
	[tilespmem:$0x5900] =	vst v45  }
0x141: {  	v60 =	vld [tilespmem:$0x1FC80];
	[tilespmem:$0x5980] =	vst v46  }
0x142: {  	v56 =	vld [tilespmem:$0x1FDC0];
	[tilespmem:$0x5A00] =	vst v47;
	v54 =	vmul.f32 v0, v2  }
0x143: {  	v57 =	vld [tilespmem:$0x1FDD0];
	[tilespmem:$0x4100] =	vst v63  }
0x144: {  	v58 =	vld [tilespmem:$0x1FDE0];
	[tilespmem:$0x3E00] =	vst v54  }
0x145: {  	v59 =	vld [tilespmem:$0x1FDF0];
	[tilespmem:$0x4300] =	vst v61  }
0x146: {  	[tilespmem:$0x4480] =	vst v60  }
0x147: {  	v48 =	vld [tilespmem:$0x1FF40];
	[tilespmem:$0x4E80] =	vst v56  }
0x148: {  	v49 =	vld [tilespmem:$0x1FF50];
	[tilespmem:$0x4F00] =	vst v57  }
0x149: {  	v50 =	vld [tilespmem:$0x1FF60];
	v62 =	vmul.f32 v0, v62;
	[tilespmem:$0x4F80] =	vst v58  }
0x14a: {  	v51 =	vld [tilespmem:$0x1FF70];
	[tilespmem:$0x5000] =	vst v59  }
0x14b: {  	[tilespmem:$0x2180] =	vst v62;
	v62 =	vld [tilespmem:$0x1FC20]  }
0x14c: {  	v52 =	vld [tilespmem:$0x1FF80];
	[tilespmem:$0x5A80] =	vst v48  }
0x14d: {  	v53 =	vld [tilespmem:$0x1FF90];
	[tilespmem:$0x5B00] =	vst v49  }
0x14e: {  	v55 =	vld [tilespmem:$0x1FFA0];
	[tilespmem:$0x5B80] =	vst v50  }
0x14f: {  	v63 =	vld [tilespmem:$0x1FC70];
	[tilespmem:$0x5C00] =	vst v51  }
0x150: {  	[tilespmem:$0x4180] =	vst v62;
	v62 =	vld [tilespmem:$0x1FC60]  }
0x151: {  	[tilespmem:$0x5C80] =	vst v52  }
0x152: {  	[tilespmem:$0x5D00] =	vst v53  }
0x153: {  	v61 =	vld [tilespmem:$0x1FC90];
	[tilespmem:$0x5D80] =	vst v55  }
0x154: {  	v56 =	vmul.f32 v0, v3;
	[tilespmem:$0x4400] =	vst v63;
	v63 =	vld [tilespmem:$0x1FCB0]  }
0x155: {  	v58 =	vmul.f32 v0, v6;
	[tilespmem:$0x4380] =	vst v62;
	v62 =	vld [tilespmem:$0x1FCA0]  }
0x156: {  	v60 =	vld [tilespmem:$0x1FD00];
	[tilespmem:$0x3E80] =	vst v56  }
0x157: {  	v57 =	vld [tilespmem:$0x1FFB0];
	[tilespmem:$0x3F00] =	vst v58  }
0x158: {  	[tilespmem:$0x4500] =	vst v61;
	v61 =	vld [tilespmem:$0x1FD10]  }
0x159: {  	[tilespmem:$0x4600] =	vst v63;
	v63 =	vld [tilespmem:$0x1FD30]  }
0x15a: {  	[tilespmem:$0x4580] =	vst v62;
	v62 =	vld [tilespmem:$0x1FD20]  }
0x15b: {  	v59 =	vld [tilespmem:$0x1FFC0];
	[tilespmem:$0x4880] =	vst v60  }
0x15c: {  	v60 =	vld [tilespmem:$0x1FE00];
	[tilespmem:$0x5E00] =	vst v57  }
0x15d: {  	[tilespmem:$0x4900] =	vst v61;
	v61 =	vld [tilespmem:$0x1FE10]  }
0x15e: {  	[tilespmem:$0x4A00] =	vst v63;
	v63 =	vld [tilespmem:$0x1FE30]  }
0x15f: {  	[tilespmem:$0x4980] =	vst v62;
	v62 =	vld [tilespmem:$0x1FE20]  }
0x160: {  	[tilespmem:$0x5E80] =	vst v59  }
0x161: {  	[tilespmem:$0x5080] =	vst v60  }
0x162: {  	[tilespmem:$0x5100] =	vst v61;
	v61 =	vld [tilespmem:$0x1FFD0]  }
0x163: {  	v60 =	vmul.f32 v0, v7;
	[tilespmem:$0x5200] =	vst v63;
	v63 =	vld [tilespmem:$0x1FFF0]  }
0x164: {  	v0 =	vmul.f32 v0, v8;
	[tilespmem:$0x5180] =	vst v62;
	v62 =	vld [tilespmem:$0x1FFE0]  }
0x165: {  	[tilespmem:$0x3F80] =	vst v60  }
0x166: {  	[tilespmem:$0x4000] =	vst v0  }
0x167: {  	[tilespmem:$0x5F00] =	vst v61  }
0x168: {  	[tilespmem:$0x6000] =	vst v63  }
0x169: {  	[tilespmem:$0x5F80] =	vst v62  }
0x16a: {  	[hbm4b:s4+s7] =	stream.linear.scatter [tilespmem:s12], [sflag:$0x2], $0x2000, $0x38;
	[tilespmem:$0x6080] =	vst v63  }
0x16b: {  	_ =	swait.ge [sflag:s8], $0x2000  }
0x16c: {  	p0 =	sne.s32 s6, $0x1;
	[sflag:s8] =	ssyncset.done $0x0  }
.Ltmp1:
0x16d: {  	[sflag:s8] =	ssyncadd.s32 $0xFFFFE000;
	(pc) =	sbr.rel @p0 .LBB2_2-.Ltmp1, $4  }
0x16e: {  	[hbm4b:s5+s7] =	stream.linear.scatter [tilespmem:s13], [sflag:$0x2], $0x2000, $0x38;
	[tilespmem:$0x6080] =	vst v63  }
0x16f: {  	_ =	swait.ge [sflag:s8], $0x2000  }
0x170: {  	[sflag:s8] =	ssyncset.done $0x0  }
0x171: {  	s6 =	sadd.s32 $0xFFFFFFFF, s6;
	[sflag:s8] =	ssyncadd.s32 $0xFFFFE000  }
.LBB2_3:
0x172: {  	_ =	sfence.sel $0x180000  }
0x173: {  	[bflag:$0x0] =	sbarrier.arrive $0xFFFF  }
0x174: {  	p0 =	sne.s32 s0, $0x0;
	_ =	strace $0x90000047  }
0x175: {  	s0 =	sadd.s32 @!p0 $0x100000, s1;
	[bflag:$0x2] =	sbarrier.arrive $0xFFFF  }
0x176: {  	[sflag:s0] =	ssyncadd.tile.s32 @!p0 $0x1;
	_ =	shalt  }
.Lfunc_end2:
_tile_overlayer_lowered:
.L_overlay_start_2:
0x177: {  	(tag) =	ssettag $0x2  }
0x178: {  	s0 =	rddreg [dreg:$0x0];
	s2 =	stileid.u32  }
0x179: {  	s1 =	rddreg [dreg:$0x1];
	p0 =	sne.s32 s2, $0x0  }
0x17a: {  	s3 =	rddreg [dreg:$0x2];
	[bflag:$0x3] =	sbarrier.arrive $0xFFFF;
	s2 =	simm.s32 @!p0 $0x1C02  }
0x17b: {  	[timem:s3], [sflag:s2] =	dma.local @!p0 [hbm:s0], s1  }
0x17c: {  	s0 =	simm.s32 @!p0 $0x2  }
0x17d: {  	_ =	swait.ge @!p0 [sflag:s0], s1  }
0x17e: {  	s1 =	ssub.s32 @!p0 $0x0, s1;
	[sflag:s0] =	ssyncset.done @!p0 $0x0  }
0x17f: {  	[sflag:s0] =	ssyncadd.s32 @!p0 s1  }
0x180: {  	[bflag:$0x3] =	sbarrier.arrive $0xFFFF  }
0x181: {  	_ =	shalt  }

</sc_bundles>
